<compile_context>
chip_gen: v7x
topology: tpu7x:2x2x1
jax: 0.10.2.dev20260603
libtpu: 0.0.44.dev20260713+nightly
codegen_flags: <defaults>
</compile_context>

<pallas_src>
import functools
import math

import jax
import jax.numpy as jnp
from jax.experimental import pallas as pl
from jax.experimental.pallas import tpu as pltpu
from jax.experimental.pallas import tpu_sc as plsc

_COMMIT = 0.25
_STRIDE1, _STRIDE2 = 4, 16



def _build_point_features(coords, timestamps, mask):
    valid = mask[..., None]
    lat = coords[..., 0:1]
    lon = coords[..., 1:2]
    denom = jnp.clip(jnp.sum(valid, axis=1, keepdims=True), 1.0, None)
    mean_lat = jnp.sum(lat * valid, axis=1, keepdims=True) / denom
    mean_lon = jnp.sum(lon * valid, axis=1, keepdims=True) / denom
    lat_rel = (lat - mean_lat) * valid
    lon_rel = (lon - mean_lon) * valid
    z1 = jnp.zeros_like(lat[:, :1])
    dlat = jnp.concatenate([z1, lat[:, 1:] - lat[:, :-1]], axis=1) * valid
    dlon = jnp.concatenate([z1, lon[:, 1:] - lon[:, :-1]], axis=1) * valid
    speed = jnp.sqrt(dlat ** 2 + dlon ** 2)
    heading_lat = dlat / (speed + 1e-06)
    heading_lon = dlon / (speed + 1e-06)
    ts = timestamps.astype(jnp.float32)
    zt = jnp.zeros_like(ts[:, :1])
    dt = jnp.concatenate([zt, jnp.clip(ts[:, 1:] - ts[:, :-1], 0.0, None)], axis=1) * mask
    valid_dt = (dt > 0).astype(jnp.float32)
    mean_dt = jnp.clip(jnp.sum(dt, axis=1, keepdims=True) / jnp.clip(jnp.sum(valid_dt, axis=1, keepdims=True), 1.0, None), 0.001, None)
    dt_norm = dt / mean_dt
    log_dt = jnp.log1p(dt)
    day = 24 * 60 * 60
    week = 7 * day
    t_day = (ts % day) / day
    t_week = (ts % week) / week
    cyc = [jnp.sin(2 * math.pi * t_day)[..., None], jnp.cos(2 * math.pi * t_day)[..., None],
           jnp.sin(2 * math.pi * t_week)[..., None], jnp.cos(2 * math.pi * t_week)[..., None]]
    speed_per_dt = speed / (dt[..., None] + 0.001)
    za = jnp.zeros_like(speed_per_dt[:, :1])
    accel = jnp.concatenate([za, speed_per_dt[:, 1:] - speed_per_dt[:, :-1]], axis=1) * valid
    feats = [lat * valid, lon * valid, lat_rel, lon_rel, dlat, dlon, speed * valid,
             heading_lat * valid, heading_lon * valid, log_dt[..., None], dt_norm[..., None],
             speed_per_dt * valid, accel] + cyc
    return jnp.concatenate(feats, axis=-1)


def _pool(feats, stride):
    b, s, d = feats.shape
    pad = (stride - s % stride) % stride
    if pad:
        feats = jnp.concatenate([feats, jnp.repeat(feats[:, -1:], pad, axis=1)], axis=1)
    return feats.reshape(b, -1, stride, d).mean(axis=2)


def _upsample(tokens, target_len):
    b, s = tokens.shape
    if s == target_len:
        return tokens
    rep = -(-target_len // s)
    return jnp.repeat(tokens, rep, axis=1)[:, :target_len]



def _vq_body(nchunks, chunk, zneg_ref, zn_ref, cb_ref, cbn_ref, idx_ref, md_ref):
    zneg = zneg_ref[...]
    rb = zneg.shape[0]
    best_d = jnp.full((rb,), jnp.inf, dtype=jnp.float32)
    best_i = jnp.zeros((rb,), dtype=jnp.int32)
    for k in range(nchunks):
        c = cb_ref[k * chunk:(k + 1) * chunk, :]
        scores = jax.lax.dot_general(
            zneg, c, (((1,), (1,)), ((), ())),
            preferred_element_type=jnp.float32)
        d = (zn_ref[...] + scores) + cbn_ref[0:1, k * chunk:(k + 1) * chunk]
        dmin = jnp.min(d, axis=1)
        cols = jax.lax.broadcasted_iota(jnp.int32, (rb, chunk), 1)
        amin = jnp.min(jnp.where(d == dmin[:, None], cols, chunk), axis=1) + k * chunk
        upd = dmin < best_d
        best_i = jnp.where(upd, amin, best_i)
        best_d = jnp.where(upd, dmin, best_d)
    idx_ref[...] = best_i
    md_ref[...] = best_d


def _vq_argmin(zneg, znorm, cb, cbnorm, row_block, chunk,
               row_start=0, row_count=None):
    r, d = zneg.shape
    if row_count is None:
        row_count = r
    off = row_start // row_block
    n = cb.shape[0]
    nchunks = n // chunk
    body = functools.partial(_vq_body, nchunks, chunk)
    idx, md = pl.pallas_call(
        body,
        grid=(row_count // row_block,),
        in_specs=[
            pl.BlockSpec((row_block, d), lambda i: (i + off, 0)),
            pl.BlockSpec((row_block, 1), lambda i: (i + off, 0)),
            pl.BlockSpec((n, d), lambda i: (0, 0)),
            pl.BlockSpec((1, n), lambda i: (0, 0)),
        ],
        out_specs=[
            pl.BlockSpec((row_block,), lambda i: (i,)),
            pl.BlockSpec((row_block,), lambda i: (i,)),
        ],
        out_shape=[
            jax.ShapeDtypeStruct((row_count,), jnp.int32),
            jax.ShapeDtypeStruct((row_count,), jnp.float32),
        ],
        compiler_params=pltpu.CompilerParams(
            dimension_semantics=("parallel",)),
    )(zneg, znorm, cb, cbnorm.reshape(1, n))
    return idx, md



_GATHER_WINDOW = 256


def _sc_gather(cb, idx_flat):
    r = idx_flat.shape[0]
    d = cb.shape[1]
    idx2 = idx_flat.reshape(1, r)
    mesh = plsc.VectorSubcoreMesh(core_axis_name="core", subcore_axis_name="subcore")

    @pl.kernel(out_type=jax.ShapeDtypeStruct((r, d), cb.dtype), mesh=mesh)
    def gather_kernel(cb_hbm, i_hbm, o_hbm):
        def body(i_vmem, o_vmem):
            pltpu.sync_copy(cb_hbm.at[i_vmem.at[0]], o_vmem)

        pltpu.emit_pipeline(
            body,
            grid=(r // _GATHER_WINDOW,),
            in_specs=[pl.BlockSpec((1, _GATHER_WINDOW), index_map=lambda i: (0, i))],
            out_specs=[pl.BlockSpec((_GATHER_WINDOW, d), index_map=lambda i: (i, 0))],
            core_axis_name=("core", "subcore"),
            dimension_semantics=(pltpu.PARALLEL,),
        )(i_hbm, o_hbm)

    return gather_kernel(cb, idx2)



def _level_loss(md, numel):
    m = jnp.sum(md) / numel
    return _COMMIT * m + m


def kernel(coords, timestamps, attention_mask, W1, b1, W2, b2, cb0, cb1, cb2):
    feats = _build_point_features(coords, timestamps, attention_mask)
    h = jax.nn.gelu(feats @ W1 + b1, approximate=False)
    z = h @ W2 + b2
    b, t, d = z.shape

    z1 = _pool(z, _STRIDE1)
    z2 = _pool(z, _STRIDE2)
    f0 = z.reshape(-1, d)
    f1 = z1.reshape(-1, d)
    f2 = z2.reshape(-1, d)
    n0 = jnp.sum(f0 ** 2, axis=1, keepdims=True)
    n1 = jnp.sum(f1 ** 2, axis=1, keepdims=True)
    n2 = jnp.sum(f2 ** 2, axis=1, keepdims=True)
    c0n = jnp.sum(cb0 ** 2, axis=1)
    c1n = jnp.sum(cb1 ** 2, axis=1)
    c2n = jnp.sum(cb2 ** 2, axis=1)

    zneg0 = -2.0 * f0
    zneg2 = -2.0 * f2

    nsplit = 4
    qrows = f0.shape[0] // nsplit
    idx_parts, md_parts, q_parts = [], [], []
    for s in range(nsplit):
        idx_s, md_s = _vq_argmin(zneg0, n0, cb0, c0n, row_block=512,
                                 chunk=4096, row_start=s * qrows,
                                 row_count=qrows)
        g_s = _sc_gather(cb0, idx_s)
        f0_s = f0[s * qrows:(s + 1) * qrows]
        q_parts.append(f0_s + (g_s - f0_s))
        idx_parts.append(idx_s)
        md_parts.append(md_s)
    idx0f = jnp.concatenate(idx_parts)

    idx2f, md2 = _vq_argmin(zneg2, n2, cb2, c2n, row_block=512, chunk=512)

    dist1 = n1 - 2.0 * jax.lax.dot_general(
        f1, cb1, (((1,), (1,)), ((), ())),
        preferred_element_type=jnp.float32) + c1n
    idx1f = jnp.argmin(dist1, axis=1)
    q1 = _sc_gather(cb1, idx1f)
    l1 = _COMMIT * jnp.mean((q1 - f1) ** 2) + jnp.mean((q1 - f1) ** 2)

    q0 = jnp.concatenate(q_parts).reshape(z.shape)

    idx0 = idx0f.reshape(b, t)
    tok1 = _upsample(idx1f.reshape(b, -1), t)
    tok2 = _upsample(idx2f.reshape(b, -1), t)

    m0 = sum(jnp.sum(p) for p in md_parts) / f0.size
    l0 = _COMMIT * m0 + m0
    loss = l0 + l1 + _level_loss(md2, f2.size)
    return q0, idx0, tok1, tok2, loss

# --- scband reference (transcript-rebuilt; emitter-appended) ---
"""Pipeline reference for scband-hmttokenizer-67113158968016 (READ-ONLY COPY).

The authoritative reference and input builder live on the scoring server;
editing this copy changes nothing except your own understanding.
"""

import math
import jax, jax.numpy as jnp
import numpy as np

B, T = 16, 2048
IN_DIM, HID_DIM, VQ_DIM = 17, 256, 128
CB0, CB1, CB2 = 8192, 2048, 512
STRIDE1, STRIDE2 = 4, 16
COMMIT = 0.25


def build_point_features(coords, timestamps, mask):
    valid = mask[..., None]
    lat = coords[..., 0:1]
    lon = coords[..., 1:2]
    denom = jnp.clip(jnp.sum(valid, axis=1, keepdims=True), 1.0, None)
    mean_lat = jnp.sum(lat * valid, axis=1, keepdims=True) / denom
    mean_lon = jnp.sum(lon * valid, axis=1, keepdims=True) / denom
    lat_rel = (lat - mean_lat) * valid
    lon_rel = (lon - mean_lon) * valid
    z1 = jnp.zeros_like(lat[:, :1])
    dlat = jnp.concatenate([z1, lat[:, 1:] - lat[:, :-1]], axis=1) * valid
    dlon = jnp.concatenate([z1, lon[:, 1:] - lon[:, :-1]], axis=1) * valid
    speed = jnp.sqrt(dlat ** 2 + dlon ** 2)
    heading_lat = dlat / (speed + 1e-06)
    heading_lon = dlon / (speed + 1e-06)
    ts = timestamps.astype(jnp.float32)
    zt = jnp.zeros_like(ts[:, :1])
    dt = jnp.concatenate([zt, jnp.clip(ts[:, 1:] - ts[:, :-1], 0.0, None)], axis=1) * mask
    valid_dt = (dt > 0).astype(jnp.float32)
    mean_dt = jnp.clip(jnp.sum(dt, axis=1, keepdims=True) / jnp.clip(jnp.sum(valid_dt, axis=1, keepdims=True), 1.0, None), 0.001, None)
    dt_norm = dt / mean_dt
    log_dt = jnp.log1p(dt)
    day = 24 * 60 * 60
    week = 7 * day
    t_day = (ts % day) / day
    t_week = (ts % week) / week
    cyc = [jnp.sin(2 * math.pi * t_day)[..., None], jnp.cos(2 * math.pi * t_day)[..., None],
           jnp.sin(2 * math.pi * t_week)[..., None], jnp.cos(2 * math.pi * t_week)[..., None]]
    speed_per_dt = speed / (dt[..., None] + 0.001)
    za = jnp.zeros_like(speed_per_dt[:, :1])
    accel = jnp.concatenate([za, speed_per_dt[:, 1:] - speed_per_dt[:, :-1]], axis=1) * valid
    feats = [lat * valid, lon * valid, lat_rel, lon_rel, dlat, dlon, speed * valid,
             heading_lat * valid, heading_lon * valid, log_dt[..., None], dt_norm[..., None],
             speed_per_dt * valid, accel] + cyc
    return jnp.concatenate(feats, axis=-1)


def pool_features(feats, stride):
    if stride <= 1:
        return feats
    b, s, d = feats.shape
    pad = (stride - s % stride) % stride
    if pad:
        feats = jnp.concatenate([feats, jnp.repeat(feats[:, -1:], pad, axis=1)], axis=1)
    return feats.reshape(b, -1, stride, d).mean(axis=2)


def upsample_tokens(tokens, target_len):
    b, s = tokens.shape
    if s == target_len:
        return tokens
    rep = -(-target_len // s)
    return jnp.repeat(tokens, rep, axis=1)[:, :target_len]


def vq(z, codebook, commit_weight):
    d = codebook.shape[1]
    flat = z.reshape(-1, d)
    dist = jnp.sum(flat ** 2, axis=1, keepdims=True) - 2.0 * flat @ codebook.T + jnp.sum(codebook ** 2, axis=1)
    idx = jnp.argmin(dist, axis=1)
    q = jnp.take(codebook, idx, axis=0).reshape(z.shape)
    commit = commit_weight * jnp.mean((jax.lax.stop_gradient(q) - z) ** 2)
    cb_loss = jnp.mean((q - jax.lax.stop_gradient(z)) ** 2)
    q_st = z + jax.lax.stop_gradient(q - z)
    return q_st, idx.reshape(z.shape[:-1]), commit + cb_loss


def setup_inputs(seed: int = 0) -> dict:
    key = jax.random.key(seed)
    ks = jax.random.split(key, 10)
    coords = jax.random.normal(ks[0], (B, T, 2), dtype=jnp.float32)
    timestamps = jnp.cumsum(jax.random.uniform(ks[1], (B, T), dtype=jnp.float32) * 30.0, axis=1)
    attention_mask = jnp.ones((B, T), dtype=jnp.float32)
    W1 = jax.random.normal(ks[2], (IN_DIM, HID_DIM), dtype=jnp.float32) * (1.0 / math.sqrt(IN_DIM))
    b1 = jnp.zeros((HID_DIM,), dtype=jnp.float32)
    W2 = jax.random.normal(ks[3], (HID_DIM, VQ_DIM), dtype=jnp.float32) * (1.0 / math.sqrt(HID_DIM))
    b2 = jnp.zeros((VQ_DIM,), dtype=jnp.float32)
    cb0 = jax.random.uniform(ks[4], (CB0, VQ_DIM), minval=-1.0 / CB0, maxval=1.0 / CB0, dtype=jnp.float32)
    cb1 = jax.random.uniform(ks[5], (CB1, VQ_DIM), minval=-1.0 / CB1, maxval=1.0 / CB1, dtype=jnp.float32)
    cb2 = jax.random.uniform(ks[6], (CB2, VQ_DIM), minval=-1.0 / CB2, maxval=1.0 / CB2, dtype=jnp.float32)
    return {"coords": coords, "timestamps": timestamps, "attention_mask": attention_mask,
            "W1": W1, "b1": b1, "W2": W2, "b2": b2, "cb0": cb0, "cb1": cb1, "cb2": cb2}


def reference(coords, timestamps, attention_mask, W1, b1, W2, b2, cb0, cb1, cb2):
    feats = build_point_features(coords, timestamps, attention_mask)
    h = jax.nn.gelu(feats @ W1 + b1, approximate=False)
    z = h @ W2 + b2
    q0, idx0, l0 = vq(z, cb0, COMMIT)
    z1 = pool_features(z, STRIDE1)
    q1, idx1, l1 = vq(z1, cb1, COMMIT)
    z2 = pool_features(z, STRIDE2)
    q2, idx2, l2 = vq(z2, cb2, COMMIT)
    tok1 = upsample_tokens(idx1, T)
    tok2 = upsample_tokens(idx2, T)
    loss = l0 + l1 + l2
    return q0, idx0, tok1, tok2, loss

if __name__ == "__main__":
    import jax
    _d = setup_inputs()
    print(jax.jit(kernel)(*tuple(_d.values())))

</pallas_src>

<mosaic_0001>
#map = affine_map<(d0, d1) -> (0, 0)>
module attributes {stable_mosaic.version = 14 : i64} {
  func.func @gather_kernel(%arg0: i32, %arg1: i32, %arg2: memref<8192x128xf32, #tpu.memory_space<hbm>>, %arg3: memref<1x8192xi32, #tpu.memory_space<hbm>>, %arg4: memref<8192x128xf32, #tpu.memory_space<hbm>>) attributes {dimension_semantics = [#tpu.dimension_semantics<core_parallel>, #tpu.dimension_semantics<subcore_parallel>], iteration_bounds = array<i64: 2, 16>, scalar_prefetch = 0 : i64, scratch_operands = 0 : i64, tpu.core_type = #tpu.core_type<sc_vector_subcore>, window_params = [{transform_indices = #map}, {transform_indices = #map}, {transform_indices = #map}]} {
    %mul3A = arith.constant 1 : i32
    %mul3A_0 = arith.muli %arg1, %mul3A : i32
    %add3A = arith.constant 0 : i32
    %add3A_1 = arith.addi %add3A, %mul3A_0 : i32
    %mul3A_2 = arith.constant 16 : i32
    %mul3A_3 = arith.muli %arg0, %mul3A_2 : i32
    %add3A_4 = arith.addi %add3A_1, %mul3A_3 : i32
    %mul3A_5 = arith.constant 1 : i32
    %mul3A_6 = arith.muli %add3A_4, %mul3A_5 : i32
    "tpu.region"() ({
      %run_scoped3A = memref.alloca() : memref<2x1x256xi32, #tpu.memory_space<vmem>>
      %run_scoped3A_7 = tpu.sem_alloc : memref<2x!tpu.dma_semaphore, #tpu.memory_space<semaphore_mem>>
      %run_scoped3A_8 = memref.alloca() : memref<2x256x128xf32, #tpu.memory_space<vmem>>
      %run_scoped3A_9 = tpu.sem_alloc : memref<2x!tpu.dma_semaphore, #tpu.memory_space<semaphore_mem>>
      %add3A_10 = arith.constant 0 : i32
      %add3A_11 = arith.addi %add3A_10, %mul3A_6 : i32
      %select_n3A = arith.constant true
      %select_n3A_12 = arith.constant 0 : i32
      %select_n3A_13 = arith.constant -1 : i32
      %select_n3A_14 = arith.select %select_n3A, %select_n3A_13, %select_n3A_12 : i32
      %eq3A = arith.constant -1 : i32
      %eq3A_15 = arith.cmpi eq, %select_n3A_14, %eq3A : i32
      %select_n3A_16 = arith.constant 0 : i32
      %select_n3A_17 = arith.select %eq3A_15, %select_n3A_16, %select_n3A_14 : i32
      %add3A_18 = arith.constant 0 : i32
      %add3A_19 = arith.addi %add3A_18, %mul3A_6 : i32
      %select_n3A_20 = arith.constant true
      %select_n3A_21 = arith.constant 0 : i32
      %select_n3A_22 = arith.constant 1 : i32
      %select_n3A_23 = arith.select %select_n3A_20, %select_n3A_22, %select_n3A_21 : i32
      %eq3A_24 = arith.constant 1 : i32
      %eq3A_25 = arith.cmpi eq, %select_n3A_23, %eq3A_24 : i32
      %select_n3A_26 = arith.constant 0 : i32
      %select_n3A_27 = arith.select %eq3A_25, %select_n3A_26, %select_n3A_23 : i32
      %add3A_28 = arith.constant 0 : i32
      %add3A_29 = arith.addi %add3A_28, %mul3A_6 : i32
      %select_n3A_30 = arith.constant true
      %select_n3A_31 = arith.constant 0 : i32
      %select_n3A_32 = arith.constant 1 : i32
      %select_n3A_33 = arith.select %select_n3A_30, %select_n3A_32, %select_n3A_31 : i32
      %eq3A_34 = arith.constant 1 : i32
      %eq3A_35 = arith.cmpi eq, %select_n3A_33, %eq3A_34 : i32
      %select_n3A_36 = arith.constant 0 : i32
      %select_n3A_37 = arith.select %eq3A_35, %select_n3A_36, %select_n3A_33 : i32
      %add3A_38 = arith.constant 0 : i32
      %add3A_39 = arith.addi %add3A_38, %mul3A_6 : i32
      "tpu.trace_start"() <{level = 10 : i32, message = "ep_initialize_0"}> : () -> ()
      %rem3A = arith.constant 0 : i32
      %rem3A_40 = arith.constant 2 : i32
      %rem3A_41 = arith.remui %rem3A, %rem3A_40 : i32
      %mul3A_42 = arith.constant 256 : i32
      %mul3A_43 = arith.muli %mul3A_42, %add3A_11 : i32
      %dma_start3A = arith.constant 0 : i32
      %dma_start3A_44 = arith.constant 0 : i32
      %dma_start3A_45 = tpu.memref_slice %run_scoped3A[%rem3A_41, %dma_start3A, %dma_start3A_44] : memref<2x1x256xi32, #tpu.memory_space<vmem>> -> memref<1x1x256xi32, #tpu.memory_space<vmem>>
      %dma_start3A_46 = tpu.memref_squeeze %dma_start3A_45 : memref<1x1x256xi32, #tpu.memory_space<vmem>> -> memref<1x256xi32, #tpu.memory_space<vmem>>
      %dma_start3A_47 = arith.constant 0 : i32
      %dma_start3A_48 = tpu.memref_slice %arg3[%dma_start3A_47, %mul3A_43] : memref<1x8192xi32, #tpu.memory_space<hbm>> -> memref<1x256xi32, #tpu.memory_space<hbm>>
      %dma_start3A_49 = tpu.memref_slice %run_scoped3A_7[%rem3A_41] : memref<2x!tpu.dma_semaphore, #tpu.memory_space<semaphore_mem>> -> memref<1x!tpu.dma_semaphore, #tpu.memory_space<semaphore_mem>>
      %dma_start3A_50 = tpu.memref_squeeze %dma_start3A_49 : memref<1x!tpu.dma_semaphore, #tpu.memory_space<semaphore_mem>> -> memref<!tpu.dma_semaphore, #tpu.memory_space<semaphore_mem>>
      %dma_start3A_51 = arith.constant 0 : i32
      %dma_start3A_52 = arith.constant 0 : i32
      %dma_start3A_53 = tpu.memref_slice %run_scoped3A[%rem3A_41, %dma_start3A_51, %dma_start3A_52] : memref<2x1x256xi32, #tpu.memory_space<vmem>> -> memref<1x1x256xi32, #tpu.memory_space<vmem>>
      %dma_start3A_54 = tpu.memref_squeeze %dma_start3A_53 : memref<1x1x256xi32, #tpu.memory_space<vmem>> -> memref<1x256xi32, #tpu.memory_space<vmem>>
      %dma_start3A_55 = arith.constant 0 : i32
      %dma_start3A_56 = tpu.memref_slice %arg3[%dma_start3A_55, %mul3A_43] : memref<1x8192xi32, #tpu.memory_space<hbm>> -> memref<1x256xi32, #tpu.memory_space<hbm>>
      tpu.enqueue_dma source(%dma_start3A_56 : memref<1x256xi32, #tpu.memory_space<hbm>>) target(%dma_start3A_54 : memref<1x256xi32, #tpu.memory_space<vmem>>) target_semaphore(%dma_start3A_50 : memref<!tpu.dma_semaphore, #tpu.memory_space<semaphore_mem>>)
      %add3A_57 = arith.constant 0 : i32
      %add3A_58 = arith.constant 1 : i32
      %add3A_59 = arith.addi %add3A_57, %add3A_58 : i32
      %select_n3A_60 = arith.constant true
      %select_n3A_61 = arith.constant 0 : i32
      %select_n3A_62 = arith.select %select_n3A_60, %add3A_59, %select_n3A_61 : i32
      "tpu.trace_stop"() : () -> ()
      %scan3A = arith.constant 0 : i32
      %scan3A_63 = arith.constant 0 : i32
      %scan3A_64 = arith.constant 0 : i32
      %scan3A_65 = arith.constant 0 : i32
      %scan3A_66 = arith.constant 0 : i32
      %eq3A_67 = arith.constant 0 : i32
      %eq3A_68 = arith.cmpi eq, %scan3A_66, %eq3A_67 : i32
      %eq3A_69 = arith.constant 0 : i32
      %eq3A_70 = arith.cmpi eq, %scan3A_66, %eq3A_69 : i32
      %add3A_71 = arith.constant 0 : i32
      %add3A_72 = arith.addi %add3A_71, %mul3A_6 : i32
      %select_n3A_73 = arith.constant true
      %select_n3A_74 = arith.constant 0 : i32
      %select_n3A_75 = arith.constant -1 : i32
      %select_n3A_76 = arith.select %select_n3A_73, %select_n3A_75, %select_n3A_74 : i32
      %eq3A_77 = arith.constant -1 : i32
      %eq3A_78 = arith.cmpi eq, %select_n3A_76, %eq3A_77 : i32
      %select_n3A_79 = arith.constant 0 : i32
      %select_n3A_80 = arith.select %eq3A_78, %select_n3A_79, %select_n3A_76 : i32
      %add3A_81 = arith.constant 0 : i32
      %add3A_82 = arith.addi %add3A_81, %mul3A_6 : i32
      %select_n3A_83 = arith.constant true
      %select_n3A_84 = arith.constant 0 : i32
      %select_n3A_85 = arith.constant 1 : i32
      %select_n3A_86 = arith.select %select_n3A_83, %select_n3A_85, %select_n3A_84 : i32
      %eq3A_87 = arith.constant 1 : i32
      %eq3A_88 = arith.cmpi eq, %select_n3A_86, %eq3A_87 : i32
      %select_n3A_89 = arith.constant 0 : i32
      %select_n3A_90 = arith.select %eq3A_88, %select_n3A_89, %select_n3A_86 : i32
      %add3A_91 = arith.constant 0 : i32
      %add3A_92 = arith.addi %add3A_91, %mul3A_6 : i32
      %select_n3A_93 = arith.constant true
      %select_n3A_94 = arith.constant 0 : i32
      %select_n3A_95 = arith.constant 1 : i32
      %select_n3A_96 = arith.select %select_n3A_93, %select_n3A_95, %select_n3A_94 : i32
      %eq3A_97 = arith.constant 1 : i32
      %eq3A_98 = arith.cmpi eq, %select_n3A_96, %eq3A_97 : i32
      %select_n3A_99 = arith.constant 0 : i32
      %select_n3A_100 = arith.select %eq3A_98, %select_n3A_99, %select_n3A_96 : i32
      %add3A_101 = arith.constant 0 : i32
      %add3A_102 = arith.addi %add3A_101, %mul3A_6 : i32
      %ne3A = arith.cmpi ne, %add3A_72, %add3A_92 : i32
      %or3A = arith.constant false
      %or3A_103 = arith.ori %or3A, %ne3A : i1
      %ge3A = arith.constant 0 : i32
      %ge3A_104 = arith.cmpi sge, %scan3A_66, %ge3A : i32
      %not3A = arith.constant true
      %not3A_105 = arith.xori %ge3A_104, %not3A : i1
      %and3A = arith.andi %or3A_103, %not3A_105 : i1
      %convert_element_type3A = arith.extui %and3A : i1 to i32
      %cond3A = arith.constant 0 : i32
      %cond3A_106 = arith.cmpi ne, %convert_element_type3A, %cond3A : i32
      scf.if %cond3A_106 {
        "tpu.trace_start"() <{level = 10 : i32, message = "ep_copy_in"}> : () -> ()
        %rem3A_266 = arith.constant 2 : i32
        %rem3A_267 = arith.remui %select_n3A_62, %rem3A_266 : i32
        %mul3A_268 = arith.constant 256 : i32
        %mul3A_269 = arith.muli %mul3A_268, %add3A_92 : i32
        %dma_start3A_270 = arith.constant 0 : i32
        %dma_start3A_271 = arith.constant 0 : i32
        %dma_start3A_272 = tpu.memref_slice %run_scoped3A[%rem3A_267, %dma_start3A_270, %dma_start3A_271] : memref<2x1x256xi32, #tpu.memory_space<vmem>> -> memref<1x1x256xi32, #tpu.memory_space<vmem>>
        %dma_start3A_273 = tpu.memref_squeeze %dma_start3A_272 : memref<1x1x256xi32, #tpu.memory_space<vmem>> -> memref<1x256xi32, #tpu.memory_space<vmem>>
        %dma_start3A_274 = arith.constant 0 : i32
        %dma_start3A_275 = tpu.memref_slice %arg3[%dma_start3A_274, %mul3A_269] : memref<1x8192xi32, #tpu.memory_space<hbm>> -> memref<1x256xi32, #tpu.memory_space<hbm>>
        %dma_start3A_276 = tpu.memref_slice %run_scoped3A_7[%rem3A_267] : memref<2x!tpu.dma_semaphore, #tpu.memory_space<semaphore_mem>> -> memref<1x!tpu.dma_semaphore, #tpu.memory_space<semaphore_mem>>
        %dma_start3A_277 = tpu.memref_squeeze %dma_start3A_276 : memref<1x!tpu.dma_semaphore, #tpu.memory_space<semaphore_mem>> -> memref<!tpu.dma_semaphore, #tpu.memory_space<semaphore_mem>>
        %dma_start3A_278 = arith.constant 0 : i32
        %dma_start3A_279 = arith.constant 0 : i32
        %dma_start3A_280 = tpu.memref_slice %run_scoped3A[%rem3A_267, %dma_start3A_278, %dma_start3A_279] : memref<2x1x256xi32, #tpu.memory_space<vmem>> -> memref<1x1x256xi32, #tpu.memory_space<vmem>>
        %dma_start3A_281 = tpu.memref_squeeze %dma_start3A_280 : memref<1x1x256xi32, #tpu.memory_space<vmem>> -> memref<1x256xi32, #tpu.memory_space<vmem>>
        %dma_start3A_282 = arith.constant 0 : i32
        %dma_start3A_283 = tpu.memref_slice %arg3[%dma_start3A_282, %mul3A_269] : memref<1x8192xi32, #tpu.memory_space<hbm>> -> memref<1x256xi32, #tpu.memory_space<hbm>>
        tpu.enqueue_dma source(%dma_start3A_283 : memref<1x256xi32, #tpu.memory_space<hbm>>) target(%dma_start3A_281 : memref<1x256xi32, #tpu.memory_space<vmem>>) target_semaphore(%dma_start3A_277 : memref<!tpu.dma_semaphore, #tpu.memory_space<semaphore_mem>>)
        "tpu.trace_stop"() : () -> ()
      } else {
      }
      %and3A_107 = arith.constant true
      %and3A_108 = arith.andi %and3A, %and3A_107 : i1
      %add3A_109 = arith.constant 1 : i32
      %add3A_110 = arith.addi %select_n3A_62, %add3A_109 : i32
      %select_n3A_111 = arith.select %and3A_108, %add3A_110, %select_n3A_62 : i32
      %ne3A_112 = arith.cmpi ne, %add3A_72, %add3A_92 : i32
      %or3A_113 = arith.constant false
      %or3A_114 = arith.ori %or3A_113, %ne3A_112 : i1
      %or3A_115 = arith.constant false
      %or3A_116 = arith.ori %or3A_114, %or3A_115 : i1
      %ge3A_117 = arith.constant 0 : i32
      %ge3A_118 = arith.cmpi sge, %scan3A_66, %ge3A_117 : i32
      %not3A_119 = arith.constant true
      %not3A_120 = arith.xori %ge3A_118, %not3A_119 : i1
      %and3A_121 = arith.andi %or3A_116, %not3A_120 : i1
      %ne3A_122 = arith.cmpi ne, %add3A_72, %add3A_82 : i32
      %or3A_123 = arith.constant false
      %or3A_124 = arith.ori %or3A_123, %ne3A_122 : i1
      %or3A_125 = arith.ori %or3A_124, %eq3A_68 : i1
      %convert_element_type3A_126 = arith.extui %or3A_125 : i1 to i32
      %cond3A_127 = arith.constant 0 : i32
      %cond3A_128 = arith.cmpi ne, %convert_element_type3A_126, %cond3A_127 : i32
      scf.if %cond3A_128 {
        "tpu.trace_start"() <{level = 10 : i32, message = "ep_wait_in"}> : () -> ()
        %mul3A_266 = arith.constant 256 : i32
        %mul3A_267 = arith.muli %mul3A_266, %add3A_72 : i32
        %rem3A_268 = arith.constant 2 : i32
        %rem3A_269 = arith.remui %scan3A, %rem3A_268 : i32
        %dma_wait3A_270 = arith.constant 0 : i32
        %dma_wait3A_271 = arith.constant 0 : i32
        %dma_wait3A_272 = tpu.memref_slice %run_scoped3A[%rem3A_269, %dma_wait3A_270, %dma_wait3A_271] : memref<2x1x256xi32, #tpu.memory_space<vmem>> -> memref<1x1x256xi32, #tpu.memory_space<vmem>>
        %dma_wait3A_273 = tpu.memref_squeeze %dma_wait3A_272 : memref<1x1x256xi32, #tpu.memory_space<vmem>> -> memref<1x256xi32, #tpu.memory_space<vmem>>
        %dma_wait3A_274 = arith.constant 0 : i32
        %dma_wait3A_275 = tpu.memref_slice %arg3[%dma_wait3A_274, %mul3A_267] : memref<1x8192xi32, #tpu.memory_space<hbm>> -> memref<1x256xi32, #tpu.memory_space<hbm>>
        %dma_wait3A_276 = tpu.memref_slice %run_scoped3A_7[%rem3A_269] : memref<2x!tpu.dma_semaphore, #tpu.memory_space<semaphore_mem>> -> memref<1x!tpu.dma_semaphore, #tpu.memory_space<semaphore_mem>>
        %dma_wait3A_277 = tpu.memref_squeeze %dma_wait3A_276 : memref<1x!tpu.dma_semaphore, #tpu.memory_space<semaphore_mem>> -> memref<!tpu.dma_semaphore, #tpu.memory_space<semaphore_mem>>
        %dma_wait3A_278 = arith.constant 0 : i32
        %dma_wait3A_279 = arith.constant 0 : i32
        %dma_wait3A_280 = tpu.memref_slice %run_scoped3A[%rem3A_269, %dma_wait3A_278, %dma_wait3A_279] : memref<2x1x256xi32, #tpu.memory_space<vmem>> -> memref<1x1x256xi32, #tpu.memory_space<vmem>>
        %dma_wait3A_281 = tpu.memref_squeeze %dma_wait3A_280 : memref<1x1x256xi32, #tpu.memory_space<vmem>> -> memref<1x256xi32, #tpu.memory_space<vmem>>
        %dma_wait3A_282 = arith.constant 0 : i32
        %dma_wait3A_283 = tpu.memref_slice %arg3[%dma_wait3A_282, %mul3A_267] : memref<1x8192xi32, #tpu.memory_space<hbm>> -> memref<1x256xi32, #tpu.memory_space<hbm>>
        tpu.wait_dma2 semaphore(%dma_wait3A_277 : memref<!tpu.dma_semaphore, #tpu.memory_space<semaphore_mem>>) src(%dma_wait3A_283 : memref<1x256xi32, #tpu.memory_space<hbm>>) dst(%dma_wait3A_281 : memref<1x256xi32, #tpu.memory_space<vmem>>)
        "tpu.trace_stop"() : () -> ()
      } else {
      }
      %ne3A_129 = arith.cmpi ne, %add3A_72, %add3A_82 : i32
      %or3A_130 = arith.constant false
      %or3A_131 = arith.ori %or3A_130, %ne3A_129 : i1
      %or3A_132 = arith.constant false
      %or3A_133 = arith.ori %or3A_131, %or3A_132 : i1
      %or3A_134 = arith.ori %or3A_133, %eq3A_68 : i1
      %convert_element_type3A_135 = arith.extui %or3A_134 : i1 to i32
      %cond3A_136 = arith.constant 0 : i32
      %cond3A_137 = arith.cmpi ne, %convert_element_type3A_135, %cond3A_136 : i32
      scf.if %cond3A_137 {
      } else {
      }
      %rem3A_138 = arith.constant 2 : i32
      %rem3A_139 = arith.remui %scan3A, %rem3A_138 : i32
      %rem3A_140 = arith.constant 2 : i32
      %rem3A_141 = arith.remui %scan3A_63, %rem3A_140 : i32
      %run_scoped3A_142 = arith.constant 0 : i32
      "tpu.trace_start"() <{level = 10 : i32, message = "ep_run_kernel"}> : () -> ()
      "tpu.region"() ({
        %run_scoped3A_266 = tpu.sem_alloc : memref<!tpu.dma_semaphore, #tpu.memory_space<semaphore_mem>>
        %dma_start3A_267 = arith.constant 0 : i32
        %dma_start3A_268 = arith.constant 0 : i32
        %dma_start3A_269 = tpu.memref_slice %run_scoped3A_8[%rem3A_141, %dma_start3A_267, %dma_start3A_268] : memref<2x256x128xf32, #tpu.memory_space<vmem>> -> memref<1x256x128xf32, #tpu.memory_space<vmem>>
        %dma_start3A_270 = tpu.memref_squeeze %dma_start3A_269 : memref<1x256x128xf32, #tpu.memory_space<vmem>> -> memref<256x128xf32, #tpu.memory_space<vmem>>
        %dma_start3A_271 = arith.constant 0 : i32
        %dma_start3A_272 = arith.constant 0 : i32
        %dma_start3A_273 = tpu.memref_slice %run_scoped3A[%rem3A_139, %dma_start3A_271, %dma_start3A_272] : memref<2x1x256xi32, #tpu.memory_space<vmem>> -> memref<1x1x256xi32, #tpu.memory_space<vmem>>
        %dma_start3A_274 = tpu.memref_squeeze %dma_start3A_273 : memref<1x1x256xi32, #tpu.memory_space<vmem>> -> memref<1x256xi32, #tpu.memory_space<vmem>>
        %dma_start3A_275 = arith.constant 0 : i32
        %dma_start3A_276 = tpu.memref_slice %dma_start3A_274[%run_scoped3A_142, %dma_start3A_275] : memref<1x256xi32, #tpu.memory_space<vmem>> -> memref<1x256xi32, #tpu.memory_space<vmem>>
        %dma_start3A_277 = tpu.memref_squeeze %dma_start3A_276 : memref<1x256xi32, #tpu.memory_space<vmem>> -> memref<256xi32, #tpu.memory_space<vmem>>
        %dma_start3A_278 = arith.constant 0 : i32
        %dma_start3A_279 = arith.constant 0 : i32
        %dma_start3A_280 = tpu.memref_slice %arg2[%dma_start3A_278, %dma_start3A_279] : memref<8192x128xf32, #tpu.memory_space<hbm>> -> memref<8192x128xf32, #tpu.memory_space<hbm>>
        tpu.enqueue_indirect_dma source(%dma_start3A_280 : memref<8192x128xf32, #tpu.memory_space<hbm>>) target(%dma_start3A_270 : memref<256x128xf32, #tpu.memory_space<vmem>>) offsets(%dma_start3A_277 : memref<256xi32, #tpu.memory_space<vmem>>) semaphore(%run_scoped3A_266 : memref<!tpu.dma_semaphore, #tpu.memory_space<semaphore_mem>>)
        %dma_wait3A_281 = arith.constant 0 : i32
        %dma_wait3A_282 = arith.constant 0 : i32
        %dma_wait3A_283 = tpu.memref_slice %run_scoped3A_8[%rem3A_141, %dma_wait3A_281, %dma_wait3A_282] : memref<2x256x128xf32, #tpu.memory_space<vmem>> -> memref<1x256x128xf32, #tpu.memory_space<vmem>>
        %dma_wait3A_284 = tpu.memref_squeeze %dma_wait3A_283 : memref<1x256x128xf32, #tpu.memory_space<vmem>> -> memref<256x128xf32, #tpu.memory_space<vmem>>
        %dma_wait3A_285 = arith.constant 0 : i32
        %dma_wait3A_286 = arith.constant 0 : i32
        %dma_wait3A_287 = tpu.memref_slice %run_scoped3A[%rem3A_139, %dma_wait3A_285, %dma_wait3A_286] : memref<2x1x256xi32, #tpu.memory_space<vmem>> -> memref<1x1x256xi32, #tpu.memory_space<vmem>>
        %dma_wait3A_288 = tpu.memref_squeeze %dma_wait3A_287 : memref<1x1x256xi32, #tpu.memory_space<vmem>> -> memref<1x256xi32, #tpu.memory_space<vmem>>
        %dma_wait3A_289 = arith.constant 0 : i32
        %dma_wait3A_290 = tpu.memref_slice %dma_wait3A_288[%run_scoped3A_142, %dma_wait3A_289] : memref<1x256xi32, #tpu.memory_space<vmem>> -> memref<1x256xi32, #tpu.memory_space<vmem>>
        %dma_wait3A_291 = tpu.memref_squeeze %dma_wait3A_290 : memref<1x256xi32, #tpu.memory_space<vmem>> -> memref<256xi32, #tpu.memory_space<vmem>>
        %dma_wait3A_292 = arith.constant 0 : i32
        %dma_wait3A_293 = arith.constant 0 : i32
        %dma_wait3A_294 = tpu.memref_slice %arg2[%dma_wait3A_292, %dma_wait3A_293] : memref<8192x128xf32, #tpu.memory_space<hbm>> -> memref<8192x128xf32, #tpu.memory_space<hbm>>
        tpu.wait_indirect_dma semaphore(%run_scoped3A_266 : memref<!tpu.dma_semaphore, #tpu.memory_space<semaphore_mem>>) src(%dma_wait3A_294 : memref<8192x128xf32, #tpu.memory_space<hbm>>) dst(%dma_wait3A_284 : memref<256x128xf32, #tpu.memory_space<vmem>>)
        tpu.yield
      }) : () -> ()
      "tpu.trace_stop"() : () -> ()
      %ne3A_143 = arith.cmpi ne, %add3A_72, %add3A_92 : i32
      %or3A_144 = arith.constant false
      %or3A_145 = arith.ori %or3A_144, %ne3A_143 : i1
      %or3A_146 = arith.ori %or3A_145, %eq3A_70 : i1
      %convert_element_type3A_147 = arith.extui %or3A_146 : i1 to i32
      %cond3A_148 = arith.constant 0 : i32
      %cond3A_149 = arith.cmpi ne, %convert_element_type3A_147, %cond3A_148 : i32
      scf.if %cond3A_149 {
      } else {
      }
      %and3A_150 = arith.constant false
      %and3A_151 = arith.andi %or3A_146, %and3A_150 : i1
      %ne3A_152 = arith.cmpi ne, %add3A_72, %add3A_92 : i32
      %or3A_153 = arith.constant false
      %or3A_154 = arith.ori %or3A_153, %ne3A_152 : i1
      %or3A_155 = arith.constant false
      %or3A_156 = arith.ori %or3A_154, %or3A_155 : i1
      %or3A_157 = arith.ori %or3A_156, %eq3A_70 : i1
      %convert_element_type3A_158 = arith.extui %or3A_157 : i1 to i32
      %cond3A_159 = arith.constant 0 : i32
      %cond3A_160 = arith.cmpi ne, %convert_element_type3A_158, %cond3A_159 : i32
      scf.if %cond3A_160 {
        "tpu.trace_start"() <{level = 10 : i32, message = "ep_copy_out"}> : () -> ()
        %rem3A_266 = arith.constant 2 : i32
        %rem3A_267 = arith.remui %scan3A_63, %rem3A_266 : i32
        %mul3A_268 = arith.constant 256 : i32
        %mul3A_269 = arith.muli %mul3A_268, %add3A_72 : i32
        %dma_start3A_270 = arith.constant 0 : i32
        %dma_start3A_271 = arith.constant 0 : i32
        %dma_start3A_272 = tpu.memref_slice %run_scoped3A_8[%rem3A_267, %dma_start3A_270, %dma_start3A_271] : memref<2x256x128xf32, #tpu.memory_space<vmem>> -> memref<1x256x128xf32, #tpu.memory_space<vmem>>
        %dma_start3A_273 = tpu.memref_squeeze %dma_start3A_272 : memref<1x256x128xf32, #tpu.memory_space<vmem>> -> memref<256x128xf32, #tpu.memory_space<vmem>>
        %dma_start3A_274 = arith.constant 0 : i32
        %dma_start3A_275 = tpu.memref_slice %arg4[%mul3A_269, %dma_start3A_274] : memref<8192x128xf32, #tpu.memory_space<hbm>> -> memref<256x128xf32, #tpu.memory_space<hbm>>
        %dma_start3A_276 = tpu.memref_slice %run_scoped3A_9[%rem3A_267] : memref<2x!tpu.dma_semaphore, #tpu.memory_space<semaphore_mem>> -> memref<1x!tpu.dma_semaphore, #tpu.memory_space<semaphore_mem>>
        %dma_start3A_277 = tpu.memref_squeeze %dma_start3A_276 : memref<1x!tpu.dma_semaphore, #tpu.memory_space<semaphore_mem>> -> memref<!tpu.dma_semaphore, #tpu.memory_space<semaphore_mem>>
        %dma_start3A_278 = arith.constant 0 : i32
        %dma_start3A_279 = tpu.memref_slice %arg4[%mul3A_269, %dma_start3A_278] : memref<8192x128xf32, #tpu.memory_space<hbm>> -> memref<256x128xf32, #tpu.memory_space<hbm>>
        %dma_start3A_280 = arith.constant 0 : i32
        %dma_start3A_281 = arith.constant 0 : i32
        %dma_start3A_282 = tpu.memref_slice %run_scoped3A_8[%rem3A_267, %dma_start3A_280, %dma_start3A_281] : memref<2x256x128xf32, #tpu.memory_space<vmem>> -> memref<1x256x128xf32, #tpu.memory_space<vmem>>
        %dma_start3A_283 = tpu.memref_squeeze %dma_start3A_282 : memref<1x256x128xf32, #tpu.memory_space<vmem>> -> memref<256x128xf32, #tpu.memory_space<vmem>>
        tpu.enqueue_dma source(%dma_start3A_283 : memref<256x128xf32, #tpu.memory_space<vmem>>) target(%dma_start3A_279 : memref<256x128xf32, #tpu.memory_space<hbm>>) target_semaphore(%dma_start3A_277 : memref<!tpu.dma_semaphore, #tpu.memory_space<semaphore_mem>>)
        "tpu.trace_stop"() : () -> ()
      } else {
      }
      %and3A_161 = arith.constant true
      %and3A_162 = arith.andi %or3A_157, %and3A_161 : i1
      %add3A_163 = arith.constant 1 : i32
      %add3A_164 = arith.addi %scan3A_63, %add3A_163 : i32
      %select_n3A_165 = arith.select %and3A_162, %add3A_164, %scan3A_63 : i32
      %ne3A_166 = arith.cmpi ne, %add3A_72, %add3A_82 : i32
      %or3A_167 = arith.constant false
      %or3A_168 = arith.ori %or3A_167, %ne3A_166 : i1
      %not3A_169 = arith.constant true
      %not3A_170 = arith.xori %eq3A_68, %not3A_169 : i1
      %and3A_171 = arith.andi %or3A_168, %not3A_170 : i1
      %convert_element_type3A_172 = arith.extui %and3A_171 : i1 to i32
      %cond3A_173 = arith.constant 0 : i32
      %cond3A_174 = arith.cmpi ne, %convert_element_type3A_172, %cond3A_173 : i32
      scf.if %cond3A_174 {
      } else {
      }
      %and3A_175 = arith.constant false
      %and3A_176 = arith.andi %and3A_171, %and3A_175 : i1
      %ne3A_177 = arith.cmpi ne, %add3A_72, %add3A_82 : i32
      %or3A_178 = arith.constant false
      %or3A_179 = arith.ori %or3A_178, %ne3A_177 : i1
      %or3A_180 = arith.constant false
      %or3A_181 = arith.ori %or3A_179, %or3A_180 : i1
      %not3A_182 = arith.constant true
      %not3A_183 = arith.xori %eq3A_68, %not3A_182 : i1
      %and3A_184 = arith.andi %or3A_181, %not3A_183 : i1
      %convert_element_type3A_185 = arith.extui %and3A_184 : i1 to i32
      %cond3A_186 = arith.constant 0 : i32
      %cond3A_187 = arith.cmpi ne, %convert_element_type3A_185, %cond3A_186 : i32
      scf.if %cond3A_187 {
        "tpu.trace_start"() <{level = 10 : i32, message = "ep_wait_out"}> : () -> ()
        %rem3A_266 = arith.constant 2 : i32
        %rem3A_267 = arith.remui %scan3A_64, %rem3A_266 : i32
        %mul3A_268 = arith.constant 256 : i32
        %mul3A_269 = arith.muli %mul3A_268, %add3A_82 : i32
        %dma_wait3A_270 = arith.constant 0 : i32
        %dma_wait3A_271 = arith.constant 0 : i32
        %dma_wait3A_272 = tpu.memref_slice %run_scoped3A_8[%rem3A_267, %dma_wait3A_270, %dma_wait3A_271] : memref<2x256x128xf32, #tpu.memory_space<vmem>> -> memref<1x256x128xf32, #tpu.memory_space<vmem>>
        %dma_wait3A_273 = tpu.memref_squeeze %dma_wait3A_272 : memref<1x256x128xf32, #tpu.memory_space<vmem>> -> memref<256x128xf32, #tpu.memory_space<vmem>>
        %dma_wait3A_274 = arith.constant 0 : i32
        %dma_wait3A_275 = tpu.memref_slice %arg4[%mul3A_269, %dma_wait3A_274] : memref<8192x128xf32, #tpu.memory_space<hbm>> -> memref<256x128xf32, #tpu.memory_space<hbm>>
        %dma_wait3A_276 = tpu.memref_slice %run_scoped3A_9[%rem3A_267] : memref<2x!tpu.dma_semaphore, #tpu.memory_space<semaphore_mem>> -> memref<1x!tpu.dma_semaphore, #tpu.memory_space<semaphore_mem>>
        %dma_wait3A_277 = tpu.memref_squeeze %dma_wait3A_276 : memref<1x!tpu.dma_semaphore, #tpu.memory_space<semaphore_mem>> -> memref<!tpu.dma_semaphore, #tpu.memory_space<semaphore_mem>>
        %dma_wait3A_278 = arith.constant 0 : i32
        %dma_wait3A_279 = tpu.memref_slice %arg4[%mul3A_269, %dma_wait3A_278] : memref<8192x128xf32, #tpu.memory_space<hbm>> -> memref<256x128xf32, #tpu.memory_space<hbm>>
        %dma_wait3A_280 = arith.constant 0 : i32
        %dma_wait3A_281 = arith.constant 0 : i32
        %dma_wait3A_282 = tpu.memref_slice %run_scoped3A_8[%rem3A_267, %dma_wait3A_280, %dma_wait3A_281] : memref<2x256x128xf32, #tpu.memory_space<vmem>> -> memref<1x256x128xf32, #tpu.memory_space<vmem>>
        %dma_wait3A_283 = tpu.memref_squeeze %dma_wait3A_282 : memref<1x256x128xf32, #tpu.memory_space<vmem>> -> memref<256x128xf32, #tpu.memory_space<vmem>>
        tpu.wait_dma2 semaphore(%dma_wait3A_277 : memref<!tpu.dma_semaphore, #tpu.memory_space<semaphore_mem>>) src(%dma_wait3A_283 : memref<256x128xf32, #tpu.memory_space<vmem>>) dst(%dma_wait3A_279 : memref<256x128xf32, #tpu.memory_space<hbm>>)
        "tpu.trace_stop"() : () -> ()
      } else {
      }
      %and3A_188 = arith.constant true
      %and3A_189 = arith.andi %and3A_184, %and3A_188 : i1
      %add3A_190 = arith.constant 1 : i32
      %add3A_191 = arith.addi %scan3A_64, %add3A_190 : i32
      %select_n3A_192 = arith.select %and3A_189, %add3A_191, %scan3A_64 : i32
      %ne3A_193 = arith.cmpi ne, %add3A_72, %add3A_92 : i32
      %or3A_194 = arith.constant false
      %or3A_195 = arith.ori %or3A_194, %ne3A_193 : i1
      %or3A_196 = arith.ori %or3A_195, %eq3A_70 : i1
      %add3A_197 = arith.constant 1 : i32
      %add3A_198 = arith.addi %scan3A, %add3A_197 : i32
      %select_n3A_199 = arith.select %or3A_196, %add3A_198, %scan3A : i32
      %select_n3A_200 = arith.constant true
      %select_n3A_201 = arith.constant 0 : i32
      %select_n3A_202 = arith.constant 1 : i32
      %select_n3A_203 = arith.select %select_n3A_200, %select_n3A_202, %select_n3A_201 : i32
      %eq3A_204 = arith.constant 1 : i32
      %eq3A_205 = arith.cmpi eq, %select_n3A_203, %eq3A_204 : i32
      %select_n3A_206 = arith.constant 0 : i32
      %select_n3A_207 = arith.select %eq3A_205, %select_n3A_206, %select_n3A_203 : i32
      %scan3A_208 = arith.constant 0 : i32
      %scan3A_209 = arith.constant 1 : i32
      %sub3A = arith.constant 1 : i32
      %sub3A_210 = arith.subi %scan3A_208, %sub3A : i32
      %select_n3A_211 = arith.constant true
      %select_n3A_212 = arith.select %select_n3A_211, %sub3A_210, %scan3A_208 : i32
      %eq3A_213 = arith.constant -1 : i32
      %eq3A_214 = arith.cmpi eq, %select_n3A_212, %eq3A_213 : i32
      %select_n3A_215 = arith.constant 0 : i32
      %select_n3A_216 = arith.select %eq3A_214, %select_n3A_215, %select_n3A_212 : i32
      %add3A_217 = arith.constant 0 : i32
      %add3A_218 = arith.addi %add3A_217, %mul3A_6 : i32
      %select_n3A_219 = arith.constant true
      %select_n3A_220 = arith.constant 0 : i32
      %select_n3A_221 = arith.constant -1 : i32
      %select_n3A_222 = arith.select %select_n3A_219, %select_n3A_221, %select_n3A_220 : i32
      %eq3A_223 = arith.constant -1 : i32
      %eq3A_224 = arith.cmpi eq, %select_n3A_222, %eq3A_223 : i32
      %select_n3A_225 = arith.constant 0 : i32
      %select_n3A_226 = arith.select %eq3A_224, %select_n3A_225, %select_n3A_222 : i32
      %add3A_227 = arith.constant 0 : i32
      %add3A_228 = arith.addi %add3A_227, %mul3A_6 : i32
      %select_n3A_229 = arith.constant true
      %select_n3A_230 = arith.constant 0 : i32
      %select_n3A_231 = arith.constant 1 : i32
      %select_n3A_232 = arith.select %select_n3A_229, %select_n3A_231, %select_n3A_230 : i32
      %eq3A_233 = arith.constant 1 : i32
      %eq3A_234 = arith.cmpi eq, %select_n3A_232, %eq3A_233 : i32
      %select_n3A_235 = arith.constant 0 : i32
      %select_n3A_236 = arith.select %eq3A_234, %select_n3A_235, %select_n3A_232 : i32
      %add3A_237 = arith.constant 0 : i32
      %add3A_238 = arith.addi %add3A_237, %mul3A_6 : i32
      %select_n3A_239 = arith.constant true
      %select_n3A_240 = arith.constant 0 : i32
      %select_n3A_241 = arith.constant 1 : i32
      %select_n3A_242 = arith.select %select_n3A_239, %select_n3A_241, %select_n3A_240 : i32
      %eq3A_243 = arith.constant 1 : i32
      %eq3A_244 = arith.cmpi eq, %select_n3A_242, %eq3A_243 : i32
      %select_n3A_245 = arith.constant 0 : i32
      %select_n3A_246 = arith.select %eq3A_244, %select_n3A_245, %select_n3A_242 : i32
      %add3A_247 = arith.constant 0 : i32
      %add3A_248 = arith.addi %add3A_247, %mul3A_6 : i32
      "tpu.trace_start"() <{level = 10 : i32, message = "ep_finalize"}> : () -> ()
      %rem3A_249 = arith.constant 2 : i32
      %rem3A_250 = arith.remui %select_n3A_192, %rem3A_249 : i32
      %mul3A_251 = arith.constant 256 : i32
      %mul3A_252 = arith.muli %mul3A_251, %add3A_218 : i32
      %dma_wait3A = arith.constant 0 : i32
      %dma_wait3A_253 = arith.constant 0 : i32
      %dma_wait3A_254 = tpu.memref_slice %run_scoped3A_8[%rem3A_250, %dma_wait3A, %dma_wait3A_253] : memref<2x256x128xf32, #tpu.memory_space<vmem>> -> memref<1x256x128xf32, #tpu.memory_space<vmem>>
      %dma_wait3A_255 = tpu.memref_squeeze %dma_wait3A_254 : memref<1x256x128xf32, #tpu.memory_space<vmem>> -> memref<256x128xf32, #tpu.memory_space<vmem>>
      %dma_wait3A_256 = arith.constant 0 : i32
      %dma_wait3A_257 = tpu.memref_slice %arg4[%mul3A_252, %dma_wait3A_256] : memref<8192x128xf32, #tpu.memory_space<hbm>> -> memref<256x128xf32, #tpu.memory_space<hbm>>
      %dma_wait3A_258 = tpu.memref_slice %run_scoped3A_9[%rem3A_250] : memref<2x!tpu.dma_semaphore, #tpu.memory_space<semaphore_mem>> -> memref<1x!tpu.dma_semaphore, #tpu.memory_space<semaphore_mem>>
      %dma_wait3A_259 = tpu.memref_squeeze %dma_wait3A_258 : memref<1x!tpu.dma_semaphore, #tpu.memory_space<semaphore_mem>> -> memref<!tpu.dma_semaphore, #tpu.memory_space<semaphore_mem>>
      %dma_wait3A_260 = arith.constant 0 : i32
      %dma_wait3A_261 = tpu.memref_slice %arg4[%mul3A_252, %dma_wait3A_260] : memref<8192x128xf32, #tpu.memory_space<hbm>> -> memref<256x128xf32, #tpu.memory_space<hbm>>
      %dma_wait3A_262 = arith.constant 0 : i32
      %dma_wait3A_263 = arith.constant 0 : i32
      %dma_wait3A_264 = tpu.memref_slice %run_scoped3A_8[%rem3A_250, %dma_wait3A_262, %dma_wait3A_263] : memref<2x256x128xf32, #tpu.memory_space<vmem>> -> memref<1x256x128xf32, #tpu.memory_space<vmem>>
      %dma_wait3A_265 = tpu.memref_squeeze %dma_wait3A_264 : memref<1x256x128xf32, #tpu.memory_space<vmem>> -> memref<256x128xf32, #tpu.memory_space<vmem>>
      tpu.wait_dma2 semaphore(%dma_wait3A_259 : memref<!tpu.dma_semaphore, #tpu.memory_space<semaphore_mem>>) src(%dma_wait3A_265 : memref<256x128xf32, #tpu.memory_space<vmem>>) dst(%dma_wait3A_261 : memref<256x128xf32, #tpu.memory_space<hbm>>)
      "tpu.trace_stop"() : () -> ()
      tpu.yield
    }) : () -> ()
    return
  }
}

#map = affine_map<(d0, d1) -> (0, 0)>
module attributes {stable_mosaic.version = 14 : i64} {
  func.func @gather_kernel(%arg0: i32, %arg1: i32, %arg2: memref<2048x128xf32, #tpu.memory_space<hbm>>, %arg3: memref<1x8192xi32, #tpu.memory_space<hbm>>, %arg4: memref<8192x128xf32, #tpu.memory_space<hbm>>) attributes {dimension_semantics = [#tpu.dimension_semantics<core_parallel>, #tpu.dimension_semantics<subcore_parallel>], iteration_bounds = array<i64: 2, 16>, scalar_prefetch = 0 : i64, scratch_operands = 0 : i64, tpu.core_type = #tpu.core_type<sc_vector_subcore>, window_params = [{transform_indices = #map}, {transform_indices = #map}, {transform_indices = #map}]} {
    %mul3A = arith.constant 1 : i32
    %mul3A_0 = arith.muli %arg1, %mul3A : i32
    %add3A = arith.constant 0 : i32
    %add3A_1 = arith.addi %add3A, %mul3A_0 : i32
    %mul3A_2 = arith.constant 16 : i32
    %mul3A_3 = arith.muli %arg0, %mul3A_2 : i32
    %add3A_4 = arith.addi %add3A_1, %mul3A_3 : i32
    %mul3A_5 = arith.constant 1 : i32
    %mul3A_6 = arith.muli %add3A_4, %mul3A_5 : i32
    "tpu.region"() ({
      %run_scoped3A = memref.alloca() : memref<2x1x256xi32, #tpu.memory_space<vmem>>
      %run_scoped3A_7 = tpu.sem_alloc : memref<2x!tpu.dma_semaphore, #tpu.memory_space<semaphore_mem>>
      %run_scoped3A_8 = memref.alloca() : memref<2x256x128xf32, #tpu.memory_space<vmem>>
      %run_scoped3A_9 = tpu.sem_alloc : memref<2x!tpu.dma_semaphore, #tpu.memory_space<semaphore_mem>>
      %add3A_10 = arith.constant 0 : i32
      %add3A_11 = arith.addi %add3A_10, %mul3A_6 : i32
      %select_n3A = arith.constant true
      %select_n3A_12 = arith.constant 0 : i32
      %select_n3A_13 = arith.constant -1 : i32
      %select_n3A_14 = arith.select %select_n3A, %select_n3A_13, %select_n3A_12 : i32
      %eq3A = arith.constant -1 : i32
      %eq3A_15 = arith.cmpi eq, %select_n3A_14, %eq3A : i32
      %select_n3A_16 = arith.constant 0 : i32
      %select_n3A_17 = arith.select %eq3A_15, %select_n3A_16, %select_n3A_14 : i32
      %add3A_18 = arith.constant 0 : i32
      %add3A_19 = arith.addi %add3A_18, %mul3A_6 : i32
      %select_n3A_20 = arith.constant true
      %select_n3A_21 = arith.constant 0 : i32
      %select_n3A_22 = arith.constant 1 : i32
      %select_n3A_23 = arith.select %select_n3A_20, %select_n3A_22, %select_n3A_21 : i32
      %eq3A_24 = arith.constant 1 : i32
      %eq3A_25 = arith.cmpi eq, %select_n3A_23, %eq3A_24 : i32
      %select_n3A_26 = arith.constant 0 : i32
      %select_n3A_27 = arith.select %eq3A_25, %select_n3A_26, %select_n3A_23 : i32
      %add3A_28 = arith.constant 0 : i32
      %add3A_29 = arith.addi %add3A_28, %mul3A_6 : i32
      %select_n3A_30 = arith.constant true
      %select_n3A_31 = arith.constant 0 : i32
      %select_n3A_32 = arith.constant 1 : i32
      %select_n3A_33 = arith.select %select_n3A_30, %select_n3A_32, %select_n3A_31 : i32
      %eq3A_34 = arith.constant 1 : i32
      %eq3A_35 = arith.cmpi eq, %select_n3A_33, %eq3A_34 : i32
      %select_n3A_36 = arith.constant 0 : i32
      %select_n3A_37 = arith.select %eq3A_35, %select_n3A_36, %select_n3A_33 : i32
      %add3A_38 = arith.constant 0 : i32
      %add3A_39 = arith.addi %add3A_38, %mul3A_6 : i32
      "tpu.trace_start"() <{level = 10 : i32, message = "ep_initialize_0"}> : () -> ()
      %rem3A = arith.constant 0 : i32
      %rem3A_40 = arith.constant 2 : i32
      %rem3A_41 = arith.remui %rem3A, %rem3A_40 : i32
      %mul3A_42 = arith.constant 256 : i32
      %mul3A_43 = arith.muli %mul3A_42, %add3A_11 : i32
      %dma_start3A = arith.constant 0 : i32
      %dma_start3A_44 = arith.constant 0 : i32
      %dma_start3A_45 = tpu.memref_slice %run_scoped3A[%rem3A_41, %dma_start3A, %dma_start3A_44] : memref<2x1x256xi32, #tpu.memory_space<vmem>> -> memref<1x1x256xi32, #tpu.memory_space<vmem>>
      %dma_start3A_46 = tpu.memref_squeeze %dma_start3A_45 : memref<1x1x256xi32, #tpu.memory_space<vmem>> -> memref<1x256xi32, #tpu.memory_space<vmem>>
      %dma_start3A_47 = arith.constant 0 : i32
      %dma_start3A_48 = tpu.memref_slice %arg3[%dma_start3A_47, %mul3A_43] : memref<1x8192xi32, #tpu.memory_space<hbm>> -> memref<1x256xi32, #tpu.memory_space<hbm>>
      %dma_start3A_49 = tpu.memref_slice %run_scoped3A_7[%rem3A_41] : memref<2x!tpu.dma_semaphore, #tpu.memory_space<semaphore_mem>> -> memref<1x!tpu.dma_semaphore, #tpu.memory_space<semaphore_mem>>
      %dma_start3A_50 = tpu.memref_squeeze %dma_start3A_49 : memref<1x!tpu.dma_semaphore, #tpu.memory_space<semaphore_mem>> -> memref<!tpu.dma_semaphore, #tpu.memory_space<semaphore_mem>>
      %dma_start3A_51 = arith.constant 0 : i32
      %dma_start3A_52 = arith.constant 0 : i32
      %dma_start3A_53 = tpu.memref_slice %run_scoped3A[%rem3A_41, %dma_start3A_51, %dma_start3A_52] : memref<2x1x256xi32, #tpu.memory_space<vmem>> -> memref<1x1x256xi32, #tpu.memory_space<vmem>>
      %dma_start3A_54 = tpu.memref_squeeze %dma_start3A_53 : memref<1x1x256xi32, #tpu.memory_space<vmem>> -> memref<1x256xi32, #tpu.memory_space<vmem>>
      %dma_start3A_55 = arith.constant 0 : i32
      %dma_start3A_56 = tpu.memref_slice %arg3[%dma_start3A_55, %mul3A_43] : memref<1x8192xi32, #tpu.memory_space<hbm>> -> memref<1x256xi32, #tpu.memory_space<hbm>>
      tpu.enqueue_dma source(%dma_start3A_56 : memref<1x256xi32, #tpu.memory_space<hbm>>) target(%dma_start3A_54 : memref<1x256xi32, #tpu.memory_space<vmem>>) target_semaphore(%dma_start3A_50 : memref<!tpu.dma_semaphore, #tpu.memory_space<semaphore_mem>>)
      %add3A_57 = arith.constant 0 : i32
      %add3A_58 = arith.constant 1 : i32
      %add3A_59 = arith.addi %add3A_57, %add3A_58 : i32
      %select_n3A_60 = arith.constant true
      %select_n3A_61 = arith.constant 0 : i32
      %select_n3A_62 = arith.select %select_n3A_60, %add3A_59, %select_n3A_61 : i32
      "tpu.trace_stop"() : () -> ()
      %scan3A = arith.constant 0 : i32
      %scan3A_63 = arith.constant 0 : i32
      %scan3A_64 = arith.constant 0 : i32
      %scan3A_65 = arith.constant 0 : i32
      %scan3A_66 = arith.constant 0 : i32
      %eq3A_67 = arith.constant 0 : i32
      %eq3A_68 = arith.cmpi eq, %scan3A_66, %eq3A_67 : i32
      %eq3A_69 = arith.constant 0 : i32
      %eq3A_70 = arith.cmpi eq, %scan3A_66, %eq3A_69 : i32
      %add3A_71 = arith.constant 0 : i32
      %add3A_72 = arith.addi %add3A_71, %mul3A_6 : i32
      %select_n3A_73 = arith.constant true
      %select_n3A_74 = arith.constant 0 : i32
      %select_n3A_75 = arith.constant -1 : i32
      %select_n3A_76 = arith.select %select_n3A_73, %select_n3A_75, %select_n3A_74 : i32
      %eq3A_77 = arith.constant -1 : i32
      %eq3A_78 = arith.cmpi eq, %select_n3A_76, %eq3A_77 : i32
      %select_n3A_79 = arith.constant 0 : i32
      %select_n3A_80 = arith.select %eq3A_78, %select_n3A_79, %select_n3A_76 : i32
      %add3A_81 = arith.constant 0 : i32
      %add3A_82 = arith.addi %add3A_81, %mul3A_6 : i32
      %select_n3A_83 = arith.constant true
      %select_n3A_84 = arith.constant 0 : i32
      %select_n3A_85 = arith.constant 1 : i32
      %select_n3A_86 = arith.select %select_n3A_83, %select_n3A_85, %select_n3A_84 : i32
      %eq3A_87 = arith.constant 1 : i32
      %eq3A_88 = arith.cmpi eq, %select_n3A_86, %eq3A_87 : i32
      %select_n3A_89 = arith.constant 0 : i32
      %select_n3A_90 = arith.select %eq3A_88, %select_n3A_89, %select_n3A_86 : i32
      %add3A_91 = arith.constant 0 : i32
      %add3A_92 = arith.addi %add3A_91, %mul3A_6 : i32
      %select_n3A_93 = arith.constant true
      %select_n3A_94 = arith.constant 0 : i32
      %select_n3A_95 = arith.constant 1 : i32
      %select_n3A_96 = arith.select %select_n3A_93, %select_n3A_95, %select_n3A_94 : i32
      %eq3A_97 = arith.constant 1 : i32
      %eq3A_98 = arith.cmpi eq, %select_n3A_96, %eq3A_97 : i32
      %select_n3A_99 = arith.constant 0 : i32
      %select_n3A_100 = arith.select %eq3A_98, %select_n3A_99, %select_n3A_96 : i32
      %add3A_101 = arith.constant 0 : i32
      %add3A_102 = arith.addi %add3A_101, %mul3A_6 : i32
      %ne3A = arith.cmpi ne, %add3A_72, %add3A_92 : i32
      %or3A = arith.constant false
      %or3A_103 = arith.ori %or3A, %ne3A : i1
      %ge3A = arith.constant 0 : i32
      %ge3A_104 = arith.cmpi sge, %scan3A_66, %ge3A : i32
      %not3A = arith.constant true
      %not3A_105 = arith.xori %ge3A_104, %not3A : i1
      %and3A = arith.andi %or3A_103, %not3A_105 : i1
      %convert_element_type3A = arith.extui %and3A : i1 to i32
      %cond3A = arith.constant 0 : i32
      %cond3A_106 = arith.cmpi ne, %convert_element_type3A, %cond3A : i32
      scf.if %cond3A_106 {
        "tpu.trace_start"() <{level = 10 : i32, message = "ep_copy_in"}> : () -> ()
        %rem3A_266 = arith.constant 2 : i32
        %rem3A_267 = arith.remui %select_n3A_62, %rem3A_266 : i32
        %mul3A_268 = arith.constant 256 : i32
        %mul3A_269 = arith.muli %mul3A_268, %add3A_92 : i32
        %dma_start3A_270 = arith.constant 0 : i32
        %dma_start3A_271 = arith.constant 0 : i32
        %dma_start3A_272 = tpu.memref_slice %run_scoped3A[%rem3A_267, %dma_start3A_270, %dma_start3A_271] : memref<2x1x256xi32, #tpu.memory_space<vmem>> -> memref<1x1x256xi32, #tpu.memory_space<vmem>>
        %dma_start3A_273 = tpu.memref_squeeze %dma_start3A_272 : memref<1x1x256xi32, #tpu.memory_space<vmem>> -> memref<1x256xi32, #tpu.memory_space<vmem>>
        %dma_start3A_274 = arith.constant 0 : i32
        %dma_start3A_275 = tpu.memref_slice %arg3[%dma_start3A_274, %mul3A_269] : memref<1x8192xi32, #tpu.memory_space<hbm>> -> memref<1x256xi32, #tpu.memory_space<hbm>>
        %dma_start3A_276 = tpu.memref_slice %run_scoped3A_7[%rem3A_267] : memref<2x!tpu.dma_semaphore, #tpu.memory_space<semaphore_mem>> -> memref<1x!tpu.dma_semaphore, #tpu.memory_space<semaphore_mem>>
        %dma_start3A_277 = tpu.memref_squeeze %dma_start3A_276 : memref<1x!tpu.dma_semaphore, #tpu.memory_space<semaphore_mem>> -> memref<!tpu.dma_semaphore, #tpu.memory_space<semaphore_mem>>
        %dma_start3A_278 = arith.constant 0 : i32
        %dma_start3A_279 = arith.constant 0 : i32
        %dma_start3A_280 = tpu.memref_slice %run_scoped3A[%rem3A_267, %dma_start3A_278, %dma_start3A_279] : memref<2x1x256xi32, #tpu.memory_space<vmem>> -> memref<1x1x256xi32, #tpu.memory_space<vmem>>
        %dma_start3A_281 = tpu.memref_squeeze %dma_start3A_280 : memref<1x1x256xi32, #tpu.memory_space<vmem>> -> memref<1x256xi32, #tpu.memory_space<vmem>>
        %dma_start3A_282 = arith.constant 0 : i32
        %dma_start3A_283 = tpu.memref_slice %arg3[%dma_start3A_282, %mul3A_269] : memref<1x8192xi32, #tpu.memory_space<hbm>> -> memref<1x256xi32, #tpu.memory_space<hbm>>
        tpu.enqueue_dma source(%dma_start3A_283 : memref<1x256xi32, #tpu.memory_space<hbm>>) target(%dma_start3A_281 : memref<1x256xi32, #tpu.memory_space<vmem>>) target_semaphore(%dma_start3A_277 : memref<!tpu.dma_semaphore, #tpu.memory_space<semaphore_mem>>)
        "tpu.trace_stop"() : () -> ()
      } else {
      }
      %and3A_107 = arith.constant true
      %and3A_108 = arith.andi %and3A, %and3A_107 : i1
      %add3A_109 = arith.constant 1 : i32
      %add3A_110 = arith.addi %select_n3A_62, %add3A_109 : i32
      %select_n3A_111 = arith.select %and3A_108, %add3A_110, %select_n3A_62 : i32
      %ne3A_112 = arith.cmpi ne, %add3A_72, %add3A_92 : i32
      %or3A_113 = arith.constant false
      %or3A_114 = arith.ori %or3A_113, %ne3A_112 : i1
      %or3A_115 = arith.constant false
      %or3A_116 = arith.ori %or3A_114, %or3A_115 : i1
      %ge3A_117 = arith.constant 0 : i32
      %ge3A_118 = arith.cmpi sge, %scan3A_66, %ge3A_117 : i32
      %not3A_119 = arith.constant true
      %not3A_120 = arith.xori %ge3A_118, %not3A_119 : i1
      %and3A_121 = arith.andi %or3A_116, %not3A_120 : i1
      %ne3A_122 = arith.cmpi ne, %add3A_72, %add3A_82 : i32
      %or3A_123 = arith.constant false
      %or3A_124 = arith.ori %or3A_123, %ne3A_122 : i1
      %or3A_125 = arith.ori %or3A_124, %eq3A_68 : i1
      %convert_element_type3A_126 = arith.extui %or3A_125 : i1 to i32
      %cond3A_127 = arith.constant 0 : i32
      %cond3A_128 = arith.cmpi ne, %convert_element_type3A_126, %cond3A_127 : i32
      scf.if %cond3A_128 {
        "tpu.trace_start"() <{level = 10 : i32, message = "ep_wait_in"}> : () -> ()
        %mul3A_266 = arith.constant 256 : i32
        %mul3A_267 = arith.muli %mul3A_266, %add3A_72 : i32
        %rem3A_268 = arith.constant 2 : i32
        %rem3A_269 = arith.remui %scan3A, %rem3A_268 : i32
        %dma_wait3A_270 = arith.constant 0 : i32
        %dma_wait3A_271 = arith.constant 0 : i32
        %dma_wait3A_272 = tpu.memref_slice %run_scoped3A[%rem3A_269, %dma_wait3A_270, %dma_wait3A_271] : memref<2x1x256xi32, #tpu.memory_space<vmem>> -> memref<1x1x256xi32, #tpu.memory_space<vmem>>
        %dma_wait3A_273 = tpu.memref_squeeze %dma_wait3A_272 : memref<1x1x256xi32, #tpu.memory_space<vmem>> -> memref<1x256xi32, #tpu.memory_space<vmem>>
        %dma_wait3A_274 = arith.constant 0 : i32
        %dma_wait3A_275 = tpu.memref_slice %arg3[%dma_wait3A_274, %mul3A_267] : memref<1x8192xi32, #tpu.memory_space<hbm>> -> memref<1x256xi32, #tpu.memory_space<hbm>>
        %dma_wait3A_276 = tpu.memref_slice %run_scoped3A_7[%rem3A_269] : memref<2x!tpu.dma_semaphore, #tpu.memory_space<semaphore_mem>> -> memref<1x!tpu.dma_semaphore, #tpu.memory_space<semaphore_mem>>
        %dma_wait3A_277 = tpu.memref_squeeze %dma_wait3A_276 : memref<1x!tpu.dma_semaphore, #tpu.memory_space<semaphore_mem>> -> memref<!tpu.dma_semaphore, #tpu.memory_space<semaphore_mem>>
        %dma_wait3A_278 = arith.constant 0 : i32
        %dma_wait3A_279 = arith.constant 0 : i32
        %dma_wait3A_280 = tpu.memref_slice %run_scoped3A[%rem3A_269, %dma_wait3A_278, %dma_wait3A_279] : memref<2x1x256xi32, #tpu.memory_space<vmem>> -> memref<1x1x256xi32, #tpu.memory_space<vmem>>
        %dma_wait3A_281 = tpu.memref_squeeze %dma_wait3A_280 : memref<1x1x256xi32, #tpu.memory_space<vmem>> -> memref<1x256xi32, #tpu.memory_space<vmem>>
        %dma_wait3A_282 = arith.constant 0 : i32
        %dma_wait3A_283 = tpu.memref_slice %arg3[%dma_wait3A_282, %mul3A_267] : memref<1x8192xi32, #tpu.memory_space<hbm>> -> memref<1x256xi32, #tpu.memory_space<hbm>>
        tpu.wait_dma2 semaphore(%dma_wait3A_277 : memref<!tpu.dma_semaphore, #tpu.memory_space<semaphore_mem>>) src(%dma_wait3A_283 : memref<1x256xi32, #tpu.memory_space<hbm>>) dst(%dma_wait3A_281 : memref<1x256xi32, #tpu.memory_space<vmem>>)
        "tpu.trace_stop"() : () -> ()
      } else {
      }
      %ne3A_129 = arith.cmpi ne, %add3A_72, %add3A_82 : i32
      %or3A_130 = arith.constant false
      %or3A_131 = arith.ori %or3A_130, %ne3A_129 : i1
      %or3A_132 = arith.constant false
      %or3A_133 = arith.ori %or3A_131, %or3A_132 : i1
      %or3A_134 = arith.ori %or3A_133, %eq3A_68 : i1
      %convert_element_type3A_135 = arith.extui %or3A_134 : i1 to i32
      %cond3A_136 = arith.constant 0 : i32
      %cond3A_137 = arith.cmpi ne, %convert_element_type3A_135, %cond3A_136 : i32
      scf.if %cond3A_137 {
      } else {
      }
      %rem3A_138 = arith.constant 2 : i32
      %rem3A_139 = arith.remui %scan3A, %rem3A_138 : i32
      %rem3A_140 = arith.constant 2 : i32
      %rem3A_141 = arith.remui %scan3A_63, %rem3A_140 : i32
      %run_scoped3A_142 = arith.constant 0 : i32
      "tpu.trace_start"() <{level = 10 : i32, message = "ep_run_kernel"}> : () -> ()
      "tpu.region"() ({
        %run_scoped3A_266 = tpu.sem_alloc : memref<!tpu.dma_semaphore, #tpu.memory_space<semaphore_mem>>
        %dma_start3A_267 = arith.constant 0 : i32
        %dma_start3A_268 = arith.constant 0 : i32
        %dma_start3A_269 = tpu.memref_slice %run_scoped3A_8[%rem3A_141, %dma_start3A_267, %dma_start3A_268] : memref<2x256x128xf32, #tpu.memory_space<vmem>> -> memref<1x256x128xf32, #tpu.memory_space<vmem>>
        %dma_start3A_270 = tpu.memref_squeeze %dma_start3A_269 : memref<1x256x128xf32, #tpu.memory_space<vmem>> -> memref<256x128xf32, #tpu.memory_space<vmem>>
        %dma_start3A_271 = arith.constant 0 : i32
        %dma_start3A_272 = arith.constant 0 : i32
        %dma_start3A_273 = tpu.memref_slice %run_scoped3A[%rem3A_139, %dma_start3A_271, %dma_start3A_272] : memref<2x1x256xi32, #tpu.memory_space<vmem>> -> memref<1x1x256xi32, #tpu.memory_space<vmem>>
        %dma_start3A_274 = tpu.memref_squeeze %dma_start3A_273 : memref<1x1x256xi32, #tpu.memory_space<vmem>> -> memref<1x256xi32, #tpu.memory_space<vmem>>
        %dma_start3A_275 = arith.constant 0 : i32
        %dma_start3A_276 = tpu.memref_slice %dma_start3A_274[%run_scoped3A_142, %dma_start3A_275] : memref<1x256xi32, #tpu.memory_space<vmem>> -> memref<1x256xi32, #tpu.memory_space<vmem>>
        %dma_start3A_277 = tpu.memref_squeeze %dma_start3A_276 : memref<1x256xi32, #tpu.memory_space<vmem>> -> memref<256xi32, #tpu.memory_space<vmem>>
        %dma_start3A_278 = arith.constant 0 : i32
        %dma_start3A_279 = arith.constant 0 : i32
        %dma_start3A_280 = tpu.memref_slice %arg2[%dma_start3A_278, %dma_start3A_279] : memref<2048x128xf32, #tpu.memory_space<hbm>> -> memref<2048x128xf32, #tpu.memory_space<hbm>>
        tpu.enqueue_indirect_dma source(%dma_start3A_280 : memref<2048x128xf32, #tpu.memory_space<hbm>>) target(%dma_start3A_270 : memref<256x128xf32, #tpu.memory_space<vmem>>) offsets(%dma_start3A_277 : memref<256xi32, #tpu.memory_space<vmem>>) semaphore(%run_scoped3A_266 : memref<!tpu.dma_semaphore, #tpu.memory_space<semaphore_mem>>)
        %dma_wait3A_281 = arith.constant 0 : i32
        %dma_wait3A_282 = arith.constant 0 : i32
        %dma_wait3A_283 = tpu.memref_slice %run_scoped3A_8[%rem3A_141, %dma_wait3A_281, %dma_wait3A_282] : memref<2x256x128xf32, #tpu.memory_space<vmem>> -> memref<1x256x128xf32, #tpu.memory_space<vmem>>
        %dma_wait3A_284 = tpu.memref_squeeze %dma_wait3A_283 : memref<1x256x128xf32, #tpu.memory_space<vmem>> -> memref<256x128xf32, #tpu.memory_space<vmem>>
        %dma_wait3A_285 = arith.constant 0 : i32
        %dma_wait3A_286 = arith.constant 0 : i32
        %dma_wait3A_287 = tpu.memref_slice %run_scoped3A[%rem3A_139, %dma_wait3A_285, %dma_wait3A_286] : memref<2x1x256xi32, #tpu.memory_space<vmem>> -> memref<1x1x256xi32, #tpu.memory_space<vmem>>
        %dma_wait3A_288 = tpu.memref_squeeze %dma_wait3A_287 : memref<1x1x256xi32, #tpu.memory_space<vmem>> -> memref<1x256xi32, #tpu.memory_space<vmem>>
        %dma_wait3A_289 = arith.constant 0 : i32
        %dma_wait3A_290 = tpu.memref_slice %dma_wait3A_288[%run_scoped3A_142, %dma_wait3A_289] : memref<1x256xi32, #tpu.memory_space<vmem>> -> memref<1x256xi32, #tpu.memory_space<vmem>>
        %dma_wait3A_291 = tpu.memref_squeeze %dma_wait3A_290 : memref<1x256xi32, #tpu.memory_space<vmem>> -> memref<256xi32, #tpu.memory_space<vmem>>
        %dma_wait3A_292 = arith.constant 0 : i32
        %dma_wait3A_293 = arith.constant 0 : i32
        %dma_wait3A_294 = tpu.memref_slice %arg2[%dma_wait3A_292, %dma_wait3A_293] : memref<2048x128xf32, #tpu.memory_space<hbm>> -> memref<2048x128xf32, #tpu.memory_space<hbm>>
        tpu.wait_indirect_dma semaphore(%run_scoped3A_266 : memref<!tpu.dma_semaphore, #tpu.memory_space<semaphore_mem>>) src(%dma_wait3A_294 : memref<2048x128xf32, #tpu.memory_space<hbm>>) dst(%dma_wait3A_284 : memref<256x128xf32, #tpu.memory_space<vmem>>)
        tpu.yield
      }) : () -> ()
      "tpu.trace_stop"() : () -> ()
      %ne3A_143 = arith.cmpi ne, %add3A_72, %add3A_92 : i32
      %or3A_144 = arith.constant false
      %or3A_145 = arith.ori %or3A_144, %ne3A_143 : i1
      %or3A_146 = arith.ori %or3A_145, %eq3A_70 : i1
      %convert_element_type3A_147 = arith.extui %or3A_146 : i1 to i32
      %cond3A_148 = arith.constant 0 : i32
      %cond3A_149 = arith.cmpi ne, %convert_element_type3A_147, %cond3A_148 : i32
      scf.if %cond3A_149 {
      } else {
      }
      %and3A_150 = arith.constant false
      %and3A_151 = arith.andi %or3A_146, %and3A_150 : i1
      %ne3A_152 = arith.cmpi ne, %add3A_72, %add3A_92 : i32
      %or3A_153 = arith.constant false
      %or3A_154 = arith.ori %or3A_153, %ne3A_152 : i1
      %or3A_155 = arith.constant false
      %or3A_156 = arith.ori %or3A_154, %or3A_155 : i1
      %or3A_157 = arith.ori %or3A_156, %eq3A_70 : i1
      %convert_element_type3A_158 = arith.extui %or3A_157 : i1 to i32
      %cond3A_159 = arith.constant 0 : i32
      %cond3A_160 = arith.cmpi ne, %convert_element_type3A_158, %cond3A_159 : i32
      scf.if %cond3A_160 {
        "tpu.trace_start"() <{level = 10 : i32, message = "ep_copy_out"}> : () -> ()
        %rem3A_266 = arith.constant 2 : i32
        %rem3A_267 = arith.remui %scan3A_63, %rem3A_266 : i32
        %mul3A_268 = arith.constant 256 : i32
        %mul3A_269 = arith.muli %mul3A_268, %add3A_72 : i32
        %dma_start3A_270 = arith.constant 0 : i32
        %dma_start3A_271 = arith.constant 0 : i32
        %dma_start3A_272 = tpu.memref_slice %run_scoped3A_8[%rem3A_267, %dma_start3A_270, %dma_start3A_271] : memref<2x256x128xf32, #tpu.memory_space<vmem>> -> memref<1x256x128xf32, #tpu.memory_space<vmem>>
        %dma_start3A_273 = tpu.memref_squeeze %dma_start3A_272 : memref<1x256x128xf32, #tpu.memory_space<vmem>> -> memref<256x128xf32, #tpu.memory_space<vmem>>
        %dma_start3A_274 = arith.constant 0 : i32
        %dma_start3A_275 = tpu.memref_slice %arg4[%mul3A_269, %dma_start3A_274] : memref<8192x128xf32, #tpu.memory_space<hbm>> -> memref<256x128xf32, #tpu.memory_space<hbm>>
        %dma_start3A_276 = tpu.memref_slice %run_scoped3A_9[%rem3A_267] : memref<2x!tpu.dma_semaphore, #tpu.memory_space<semaphore_mem>> -> memref<1x!tpu.dma_semaphore, #tpu.memory_space<semaphore_mem>>
        %dma_start3A_277 = tpu.memref_squeeze %dma_start3A_276 : memref<1x!tpu.dma_semaphore, #tpu.memory_space<semaphore_mem>> -> memref<!tpu.dma_semaphore, #tpu.memory_space<semaphore_mem>>
        %dma_start3A_278 = arith.constant 0 : i32
        %dma_start3A_279 = tpu.memref_slice %arg4[%mul3A_269, %dma_start3A_278] : memref<8192x128xf32, #tpu.memory_space<hbm>> -> memref<256x128xf32, #tpu.memory_space<hbm>>
        %dma_start3A_280 = arith.constant 0 : i32
        %dma_start3A_281 = arith.constant 0 : i32
        %dma_start3A_282 = tpu.memref_slice %run_scoped3A_8[%rem3A_267, %dma_start3A_280, %dma_start3A_281] : memref<2x256x128xf32, #tpu.memory_space<vmem>> -> memref<1x256x128xf32, #tpu.memory_space<vmem>>
        %dma_start3A_283 = tpu.memref_squeeze %dma_start3A_282 : memref<1x256x128xf32, #tpu.memory_space<vmem>> -> memref<256x128xf32, #tpu.memory_space<vmem>>
        tpu.enqueue_dma source(%dma_start3A_283 : memref<256x128xf32, #tpu.memory_space<vmem>>) target(%dma_start3A_279 : memref<256x128xf32, #tpu.memory_space<hbm>>) target_semaphore(%dma_start3A_277 : memref<!tpu.dma_semaphore, #tpu.memory_space<semaphore_mem>>)
        "tpu.trace_stop"() : () -> ()
      } else {
      }
      %and3A_161 = arith.constant true
      %and3A_162 = arith.andi %or3A_157, %and3A_161 : i1
      %add3A_163 = arith.constant 1 : i32
      %add3A_164 = arith.addi %scan3A_63, %add3A_163 : i32
      %select_n3A_165 = arith.select %and3A_162, %add3A_164, %scan3A_63 : i32
      %ne3A_166 = arith.cmpi ne, %add3A_72, %add3A_82 : i32
      %or3A_167 = arith.constant false
      %or3A_168 = arith.ori %or3A_167, %ne3A_166 : i1
      %not3A_169 = arith.constant true
      %not3A_170 = arith.xori %eq3A_68, %not3A_169 : i1
      %and3A_171 = arith.andi %or3A_168, %not3A_170 : i1
      %convert_element_type3A_172 = arith.extui %and3A_171 : i1 to i32
      %cond3A_173 = arith.constant 0 : i32
      %cond3A_174 = arith.cmpi ne, %convert_element_type3A_172, %cond3A_173 : i32
      scf.if %cond3A_174 {
      } else {
      }
      %and3A_175 = arith.constant false
      %and3A_176 = arith.andi %and3A_171, %and3A_175 : i1
      %ne3A_177 = arith.cmpi ne, %add3A_72, %add3A_82 : i32
      %or3A_178 = arith.constant false
      %or3A_179 = arith.ori %or3A_178, %ne3A_177 : i1
      %or3A_180 = arith.constant false
      %or3A_181 = arith.ori %or3A_179, %or3A_180 : i1
      %not3A_182 = arith.constant true
      %not3A_183 = arith.xori %eq3A_68, %not3A_182 : i1
      %and3A_184 = arith.andi %or3A_181, %not3A_183 : i1
      %convert_element_type3A_185 = arith.extui %and3A_184 : i1 to i32
      %cond3A_186 = arith.constant 0 : i32
      %cond3A_187 = arith.cmpi ne, %convert_element_type3A_185, %cond3A_186 : i32
      scf.if %cond3A_187 {
        "tpu.trace_start"() <{level = 10 : i32, message = "ep_wait_out"}> : () -> ()
        %rem3A_266 = arith.constant 2 : i32
        %rem3A_267 = arith.remui %scan3A_64, %rem3A_266 : i32
        %mul3A_268 = arith.constant 256 : i32
        %mul3A_269 = arith.muli %mul3A_268, %add3A_82 : i32
        %dma_wait3A_270 = arith.constant 0 : i32
        %dma_wait3A_271 = arith.constant 0 : i32
        %dma_wait3A_272 = tpu.memref_slice %run_scoped3A_8[%rem3A_267, %dma_wait3A_270, %dma_wait3A_271] : memref<2x256x128xf32, #tpu.memory_space<vmem>> -> memref<1x256x128xf32, #tpu.memory_space<vmem>>
        %dma_wait3A_273 = tpu.memref_squeeze %dma_wait3A_272 : memref<1x256x128xf32, #tpu.memory_space<vmem>> -> memref<256x128xf32, #tpu.memory_space<vmem>>
        %dma_wait3A_274 = arith.constant 0 : i32
        %dma_wait3A_275 = tpu.memref_slice %arg4[%mul3A_269, %dma_wait3A_274] : memref<8192x128xf32, #tpu.memory_space<hbm>> -> memref<256x128xf32, #tpu.memory_space<hbm>>
        %dma_wait3A_276 = tpu.memref_slice %run_scoped3A_9[%rem3A_267] : memref<2x!tpu.dma_semaphore, #tpu.memory_space<semaphore_mem>> -> memref<1x!tpu.dma_semaphore, #tpu.memory_space<semaphore_mem>>
        %dma_wait3A_277 = tpu.memref_squeeze %dma_wait3A_276 : memref<1x!tpu.dma_semaphore, #tpu.memory_space<semaphore_mem>> -> memref<!tpu.dma_semaphore, #tpu.memory_space<semaphore_mem>>
        %dma_wait3A_278 = arith.constant 0 : i32
        %dma_wait3A_279 = tpu.memref_slice %arg4[%mul3A_269, %dma_wait3A_278] : memref<8192x128xf32, #tpu.memory_space<hbm>> -> memref<256x128xf32, #tpu.memory_space<hbm>>
        %dma_wait3A_280 = arith.constant 0 : i32
        %dma_wait3A_281 = arith.constant 0 : i32
        %dma_wait3A_282 = tpu.memref_slice %run_scoped3A_8[%rem3A_267, %dma_wait3A_280, %dma_wait3A_281] : memref<2x256x128xf32, #tpu.memory_space<vmem>> -> memref<1x256x128xf32, #tpu.memory_space<vmem>>
        %dma_wait3A_283 = tpu.memref_squeeze %dma_wait3A_282 : memref<1x256x128xf32, #tpu.memory_space<vmem>> -> memref<256x128xf32, #tpu.memory_space<vmem>>
        tpu.wait_dma2 semaphore(%dma_wait3A_277 : memref<!tpu.dma_semaphore, #tpu.memory_space<semaphore_mem>>) src(%dma_wait3A_283 : memref<256x128xf32, #tpu.memory_space<vmem>>) dst(%dma_wait3A_279 : memref<256x128xf32, #tpu.memory_space<hbm>>)
        "tpu.trace_stop"() : () -> ()
      } else {
      }
      %and3A_188 = arith.constant true
      %and3A_189 = arith.andi %and3A_184, %and3A_188 : i1
      %add3A_190 = arith.constant 1 : i32
      %add3A_191 = arith.addi %scan3A_64, %add3A_190 : i32
      %select_n3A_192 = arith.select %and3A_189, %add3A_191, %scan3A_64 : i32
      %ne3A_193 = arith.cmpi ne, %add3A_72, %add3A_92 : i32
      %or3A_194 = arith.constant false
      %or3A_195 = arith.ori %or3A_194, %ne3A_193 : i1
      %or3A_196 = arith.ori %or3A_195, %eq3A_70 : i1
      %add3A_197 = arith.constant 1 : i32
      %add3A_198 = arith.addi %scan3A, %add3A_197 : i32
      %select_n3A_199 = arith.select %or3A_196, %add3A_198, %scan3A : i32
      %select_n3A_200 = arith.constant true
      %select_n3A_201 = arith.constant 0 : i32
      %select_n3A_202 = arith.constant 1 : i32
      %select_n3A_203 = arith.select %select_n3A_200, %select_n3A_202, %select_n3A_201 : i32
      %eq3A_204 = arith.constant 1 : i32
      %eq3A_205 = arith.cmpi eq, %select_n3A_203, %eq3A_204 : i32
      %select_n3A_206 = arith.constant 0 : i32
      %select_n3A_207 = arith.select %eq3A_205, %select_n3A_206, %select_n3A_203 : i32
      %scan3A_208 = arith.constant 0 : i32
      %scan3A_209 = arith.constant 1 : i32
      %sub3A = arith.constant 1 : i32
      %sub3A_210 = arith.subi %scan3A_208, %sub3A : i32
      %select_n3A_211 = arith.constant true
      %select_n3A_212 = arith.select %select_n3A_211, %sub3A_210, %scan3A_208 : i32
      %eq3A_213 = arith.constant -1 : i32
      %eq3A_214 = arith.cmpi eq, %select_n3A_212, %eq3A_213 : i32
      %select_n3A_215 = arith.constant 0 : i32
      %select_n3A_216 = arith.select %eq3A_214, %select_n3A_215, %select_n3A_212 : i32
      %add3A_217 = arith.constant 0 : i32
      %add3A_218 = arith.addi %add3A_217, %mul3A_6 : i32
      %select_n3A_219 = arith.constant true
      %select_n3A_220 = arith.constant 0 : i32
      %select_n3A_221 = arith.constant -1 : i32
      %select_n3A_222 = arith.select %select_n3A_219, %select_n3A_221, %select_n3A_220 : i32
      %eq3A_223 = arith.constant -1 : i32
      %eq3A_224 = arith.cmpi eq, %select_n3A_222, %eq3A_223 : i32
      %select_n3A_225 = arith.constant 0 : i32
      %select_n3A_226 = arith.select %eq3A_224, %select_n3A_225, %select_n3A_222 : i32
      %add3A_227 = arith.constant 0 : i32
      %add3A_228 = arith.addi %add3A_227, %mul3A_6 : i32
      %select_n3A_229 = arith.constant true
      %select_n3A_230 = arith.constant 0 : i32
      %select_n3A_231 = arith.constant 1 : i32
      %select_n3A_232 = arith.select %select_n3A_229, %select_n3A_231, %select_n3A_230 : i32
      %eq3A_233 = arith.constant 1 : i32
      %eq3A_234 = arith.cmpi eq, %select_n3A_232, %eq3A_233 : i32
      %select_n3A_235 = arith.constant 0 : i32
      %select_n3A_236 = arith.select %eq3A_234, %select_n3A_235, %select_n3A_232 : i32
      %add3A_237 = arith.constant 0 : i32
      %add3A_238 = arith.addi %add3A_237, %mul3A_6 : i32
      %select_n3A_239 = arith.constant true
      %select_n3A_240 = arith.constant 0 : i32
      %select_n3A_241 = arith.constant 1 : i32
      %select_n3A_242 = arith.select %select_n3A_239, %select_n3A_241, %select_n3A_240 : i32
      %eq3A_243 = arith.constant 1 : i32
      %eq3A_244 = arith.cmpi eq, %select_n3A_242, %eq3A_243 : i32
      %select_n3A_245 = arith.constant 0 : i32
      %select_n3A_246 = arith.select %eq3A_244, %select_n3A_245, %select_n3A_242 : i32
      %add3A_247 = arith.constant 0 : i32
      %add3A_248 = arith.addi %add3A_247, %mul3A_6 : i32
      "tpu.trace_start"() <{level = 10 : i32, message = "ep_finalize"}> : () -> ()
      %rem3A_249 = arith.constant 2 : i32
      %rem3A_250 = arith.remui %select_n3A_192, %rem3A_249 : i32
      %mul3A_251 = arith.constant 256 : i32
      %mul3A_252 = arith.muli %mul3A_251, %add3A_218 : i32
      %dma_wait3A = arith.constant 0 : i32
      %dma_wait3A_253 = arith.constant 0 : i32
      %dma_wait3A_254 = tpu.memref_slice %run_scoped3A_8[%rem3A_250, %dma_wait3A, %dma_wait3A_253] : memref<2x256x128xf32, #tpu.memory_space<vmem>> -> memref<1x256x128xf32, #tpu.memory_space<vmem>>
      %dma_wait3A_255 = tpu.memref_squeeze %dma_wait3A_254 : memref<1x256x128xf32, #tpu.memory_space<vmem>> -> memref<256x128xf32, #tpu.memory_space<vmem>>
      %dma_wait3A_256 = arith.constant 0 : i32
      %dma_wait3A_257 = tpu.memref_slice %arg4[%mul3A_252, %dma_wait3A_256] : memref<8192x128xf32, #tpu.memory_space<hbm>> -> memref<256x128xf32, #tpu.memory_space<hbm>>
      %dma_wait3A_258 = tpu.memref_slice %run_scoped3A_9[%rem3A_250] : memref<2x!tpu.dma_semaphore, #tpu.memory_space<semaphore_mem>> -> memref<1x!tpu.dma_semaphore, #tpu.memory_space<semaphore_mem>>
      %dma_wait3A_259 = tpu.memref_squeeze %dma_wait3A_258 : memref<1x!tpu.dma_semaphore, #tpu.memory_space<semaphore_mem>> -> memref<!tpu.dma_semaphore, #tpu.memory_space<semaphore_mem>>
      %dma_wait3A_260 = arith.constant 0 : i32
      %dma_wait3A_261 = tpu.memref_slice %arg4[%mul3A_252, %dma_wait3A_260] : memref<8192x128xf32, #tpu.memory_space<hbm>> -> memref<256x128xf32, #tpu.memory_space<hbm>>
      %dma_wait3A_262 = arith.constant 0 : i32
      %dma_wait3A_263 = arith.constant 0 : i32
      %dma_wait3A_264 = tpu.memref_slice %run_scoped3A_8[%rem3A_250, %dma_wait3A_262, %dma_wait3A_263] : memref<2x256x128xf32, #tpu.memory_space<vmem>> -> memref<1x256x128xf32, #tpu.memory_space<vmem>>
      %dma_wait3A_265 = tpu.memref_squeeze %dma_wait3A_264 : memref<1x256x128xf32, #tpu.memory_space<vmem>> -> memref<256x128xf32, #tpu.memory_space<vmem>>
      tpu.wait_dma2 semaphore(%dma_wait3A_259 : memref<!tpu.dma_semaphore, #tpu.memory_space<semaphore_mem>>) src(%dma_wait3A_265 : memref<256x128xf32, #tpu.memory_space<vmem>>) dst(%dma_wait3A_261 : memref<256x128xf32, #tpu.memory_space<hbm>>)
      "tpu.trace_stop"() : () -> ()
      tpu.yield
    }) : () -> ()
    return
  }
}

#map = affine_map<(d0, d1) -> (0, 0)>
module attributes {stable_mosaic.version = 14 : i64} {
  func.func @gather_kernel(%arg0: i32, %arg1: i32, %arg2: memref<8192x128xf32, #tpu.memory_space<hbm>>, %arg3: memref<1x8192xi32, #tpu.memory_space<hbm>>, %arg4: memref<8192x128xf32, #tpu.memory_space<hbm>>) attributes {dimension_semantics = [#tpu.dimension_semantics<core_parallel>, #tpu.dimension_semantics<subcore_parallel>], iteration_bounds = array<i64: 2, 16>, scalar_prefetch = 0 : i64, scratch_operands = 0 : i64, tpu.core_type = #tpu.core_type<sc_vector_subcore>, window_params = [{transform_indices = #map}, {transform_indices = #map}, {transform_indices = #map}]} {
    %mul3A = arith.constant 1 : i32
    %mul3A_0 = arith.muli %arg1, %mul3A : i32
    %add3A = arith.constant 0 : i32
    %add3A_1 = arith.addi %add3A, %mul3A_0 : i32
    %mul3A_2 = arith.constant 16 : i32
    %mul3A_3 = arith.muli %arg0, %mul3A_2 : i32
    %add3A_4 = arith.addi %add3A_1, %mul3A_3 : i32
    %mul3A_5 = arith.constant 1 : i32
    %mul3A_6 = arith.muli %add3A_4, %mul3A_5 : i32
    "tpu.region"() ({
      %run_scoped3A = memref.alloca() : memref<2x1x256xi32, #tpu.memory_space<vmem>>
      %run_scoped3A_7 = tpu.sem_alloc : memref<2x!tpu.dma_semaphore, #tpu.memory_space<semaphore_mem>>
      %run_scoped3A_8 = memref.alloca() : memref<2x256x128xf32, #tpu.memory_space<vmem>>
      %run_scoped3A_9 = tpu.sem_alloc : memref<2x!tpu.dma_semaphore, #tpu.memory_space<semaphore_mem>>
      %add3A_10 = arith.constant 0 : i32
      %add3A_11 = arith.addi %add3A_10, %mul3A_6 : i32
      %select_n3A = arith.constant true
      %select_n3A_12 = arith.constant 0 : i32
      %select_n3A_13 = arith.constant -1 : i32
      %select_n3A_14 = arith.select %select_n3A, %select_n3A_13, %select_n3A_12 : i32
      %eq3A = arith.constant -1 : i32
      %eq3A_15 = arith.cmpi eq, %select_n3A_14, %eq3A : i32
      %select_n3A_16 = arith.constant 0 : i32
      %select_n3A_17 = arith.select %eq3A_15, %select_n3A_16, %select_n3A_14 : i32
      %add3A_18 = arith.constant 0 : i32
      %add3A_19 = arith.addi %add3A_18, %mul3A_6 : i32
      %select_n3A_20 = arith.constant true
      %select_n3A_21 = arith.constant 0 : i32
      %select_n3A_22 = arith.constant 1 : i32
      %select_n3A_23 = arith.select %select_n3A_20, %select_n3A_22, %select_n3A_21 : i32
      %eq3A_24 = arith.constant 1 : i32
      %eq3A_25 = arith.cmpi eq, %select_n3A_23, %eq3A_24 : i32
      %select_n3A_26 = arith.constant 0 : i32
      %select_n3A_27 = arith.select %eq3A_25, %select_n3A_26, %select_n3A_23 : i32
      %add3A_28 = arith.constant 0 : i32
      %add3A_29 = arith.addi %add3A_28, %mul3A_6 : i32
      %select_n3A_30 = arith.constant true
      %select_n3A_31 = arith.constant 0 : i32
      %select_n3A_32 = arith.constant 1 : i32
      %select_n3A_33 = arith.select %select_n3A_30, %select_n3A_32, %select_n3A_31 : i32
      %eq3A_34 = arith.constant 1 : i32
      %eq3A_35 = arith.cmpi eq, %select_n3A_33, %eq3A_34 : i32
      %select_n3A_36 = arith.constant 0 : i32
      %select_n3A_37 = arith.select %eq3A_35, %select_n3A_36, %select_n3A_33 : i32
      %add3A_38 = arith.constant 0 : i32
      %add3A_39 = arith.addi %add3A_38, %mul3A_6 : i32
      "tpu.trace_start"() <{level = 10 : i32, message = "ep_initialize_0"}> : () -> ()
      %rem3A = arith.constant 0 : i32
      %rem3A_40 = arith.constant 2 : i32
      %rem3A_41 = arith.remui %rem3A, %rem3A_40 : i32
      %mul3A_42 = arith.constant 256 : i32
      %mul3A_43 = arith.muli %mul3A_42, %add3A_11 : i32
      %dma_start3A = arith.constant 0 : i32
      %dma_start3A_44 = arith.constant 0 : i32
      %dma_start3A_45 = tpu.memref_slice %run_scoped3A[%rem3A_41, %dma_start3A, %dma_start3A_44] : memref<2x1x256xi32, #tpu.memory_space<vmem>> -> memref<1x1x256xi32, #tpu.memory_space<vmem>>
      %dma_start3A_46 = tpu.memref_squeeze %dma_start3A_45 : memref<1x1x256xi32, #tpu.memory_space<vmem>> -> memref<1x256xi32, #tpu.memory_space<vmem>>
      %dma_start3A_47 = arith.constant 0 : i32
      %dma_start3A_48 = tpu.memref_slice %arg3[%dma_start3A_47, %mul3A_43] : memref<1x8192xi32, #tpu.memory_space<hbm>> -> memref<1x256xi32, #tpu.memory_space<hbm>>
      %dma_start3A_49 = tpu.memref_slice %run_scoped3A_7[%rem3A_41] : memref<2x!tpu.dma_semaphore, #tpu.memory_space<semaphore_mem>> -> memref<1x!tpu.dma_semaphore, #tpu.memory_space<semaphore_mem>>
      %dma_start3A_50 = tpu.memref_squeeze %dma_start3A_49 : memref<1x!tpu.dma_semaphore, #tpu.memory_space<semaphore_mem>> -> memref<!tpu.dma_semaphore, #tpu.memory_space<semaphore_mem>>
      %dma_start3A_51 = arith.constant 0 : i32
      %dma_start3A_52 = arith.constant 0 : i32
      %dma_start3A_53 = tpu.memref_slice %run_scoped3A[%rem3A_41, %dma_start3A_51, %dma_start3A_52] : memref<2x1x256xi32, #tpu.memory_space<vmem>> -> memref<1x1x256xi32, #tpu.memory_space<vmem>>
      %dma_start3A_54 = tpu.memref_squeeze %dma_start3A_53 : memref<1x1x256xi32, #tpu.memory_space<vmem>> -> memref<1x256xi32, #tpu.memory_space<vmem>>
      %dma_start3A_55 = arith.constant 0 : i32
      %dma_start3A_56 = tpu.memref_slice %arg3[%dma_start3A_55, %mul3A_43] : memref<1x8192xi32, #tpu.memory_space<hbm>> -> memref<1x256xi32, #tpu.memory_space<hbm>>
      tpu.enqueue_dma source(%dma_start3A_56 : memref<1x256xi32, #tpu.memory_space<hbm>>) target(%dma_start3A_54 : memref<1x256xi32, #tpu.memory_space<vmem>>) target_semaphore(%dma_start3A_50 : memref<!tpu.dma_semaphore, #tpu.memory_space<semaphore_mem>>)
      %add3A_57 = arith.constant 0 : i32
      %add3A_58 = arith.constant 1 : i32
      %add3A_59 = arith.addi %add3A_57, %add3A_58 : i32
      %select_n3A_60 = arith.constant true
      %select_n3A_61 = arith.constant 0 : i32
      %select_n3A_62 = arith.select %select_n3A_60, %add3A_59, %select_n3A_61 : i32
      "tpu.trace_stop"() : () -> ()
      %scan3A = arith.constant 0 : i32
      %scan3A_63 = arith.constant 0 : i32
      %scan3A_64 = arith.constant 0 : i32
      %scan3A_65 = arith.constant 0 : i32
      %scan3A_66 = arith.constant 0 : i32
      %eq3A_67 = arith.constant 0 : i32
      %eq3A_68 = arith.cmpi eq, %scan3A_66, %eq3A_67 : i32
      %eq3A_69 = arith.constant 0 : i32
      %eq3A_70 = arith.cmpi eq, %scan3A_66, %eq3A_69 : i32
      %add3A_71 = arith.constant 0 : i32
      %add3A_72 = arith.addi %add3A_71, %mul3A_6 : i32
      %select_n3A_73 = arith.constant true
      %select_n3A_74 = arith.constant 0 : i32
      %select_n3A_75 = arith.constant -1 : i32
      %select_n3A_76 = arith.select %select_n3A_73, %select_n3A_75, %select_n3A_74 : i32
      %eq3A_77 = arith.constant -1 : i32
      %eq3A_78 = arith.cmpi eq, %select_n3A_76, %eq3A_77 : i32
      %select_n3A_79 = arith.constant 0 : i32
      %select_n3A_80 = arith.select %eq3A_78, %select_n3A_79, %select_n3A_76 : i32
      %add3A_81 = arith.constant 0 : i32
      %add3A_82 = arith.addi %add3A_81, %mul3A_6 : i32
      %select_n3A_83 = arith.constant true
      %select_n3A_84 = arith.constant 0 : i32
      %select_n3A_85 = arith.constant 1 : i32
      %select_n3A_86 = arith.select %select_n3A_83, %select_n3A_85, %select_n3A_84 : i32
      %eq3A_87 = arith.constant 1 : i32
      %eq3A_88 = arith.cmpi eq, %select_n3A_86, %eq3A_87 : i32
      %select_n3A_89 = arith.constant 0 : i32
      %select_n3A_90 = arith.select %eq3A_88, %select_n3A_89, %select_n3A_86 : i32
      %add3A_91 = arith.constant 0 : i32
      %add3A_92 = arith.addi %add3A_91, %mul3A_6 : i32
      %select_n3A_93 = arith.constant true
      %select_n3A_94 = arith.constant 0 : i32
      %select_n3A_95 = arith.constant 1 : i32
      %select_n3A_96 = arith.select %select_n3A_93, %select_n3A_95, %select_n3A_94 : i32
      %eq3A_97 = arith.constant 1 : i32
      %eq3A_98 = arith.cmpi eq, %select_n3A_96, %eq3A_97 : i32
      %select_n3A_99 = arith.constant 0 : i32
      %select_n3A_100 = arith.select %eq3A_98, %select_n3A_99, %select_n3A_96 : i32
      %add3A_101 = arith.constant 0 : i32
      %add3A_102 = arith.addi %add3A_101, %mul3A_6 : i32
      %ne3A = arith.cmpi ne, %add3A_72, %add3A_92 : i32
      %or3A = arith.constant false
      %or3A_103 = arith.ori %or3A, %ne3A : i1
      %ge3A = arith.constant 0 : i32
      %ge3A_104 = arith.cmpi sge, %scan3A_66, %ge3A : i32
      %not3A = arith.constant true
      %not3A_105 = arith.xori %ge3A_104, %not3A : i1
      %and3A = arith.andi %or3A_103, %not3A_105 : i1
      %convert_element_type3A = arith.extui %and3A : i1 to i32
      %cond3A = arith.constant 0 : i32
      %cond3A_106 = arith.cmpi ne, %convert_element_type3A, %cond3A : i32
      scf.if %cond3A_106 {
        "tpu.trace_start"() <{level = 10 : i32, message = "ep_copy_in"}> : () -> ()
        %rem3A_266 = arith.constant 2 : i32
        %rem3A_267 = arith.remui %select_n3A_62, %rem3A_266 : i32
        %mul3A_268 = arith.constant 256 : i32
        %mul3A_269 = arith.muli %mul3A_268, %add3A_92 : i32
        %dma_start3A_270 = arith.constant 0 : i32
        %dma_start3A_271 = arith.constant 0 : i32
        %dma_start3A_272 = tpu.memref_slice %run_scoped3A[%rem3A_267, %dma_start3A_270, %dma_start3A_271] : memref<2x1x256xi32, #tpu.memory_space<vmem>> -> memref<1x1x256xi32, #tpu.memory_space<vmem>>
        %dma_start3A_273 = tpu.memref_squeeze %dma_start3A_272 : memref<1x1x256xi32, #tpu.memory_space<vmem>> -> memref<1x256xi32, #tpu.memory_space<vmem>>
        %dma_start3A_274 = arith.constant 0 : i32
        %dma_start3A_275 = tpu.memref_slice %arg3[%dma_start3A_274, %mul3A_269] : memref<1x8192xi32, #tpu.memory_space<hbm>> -> memref<1x256xi32, #tpu.memory_space<hbm>>
        %dma_start3A_276 = tpu.memref_slice %run_scoped3A_7[%rem3A_267] : memref<2x!tpu.dma_semaphore, #tpu.memory_space<semaphore_mem>> -> memref<1x!tpu.dma_semaphore, #tpu.memory_space<semaphore_mem>>
        %dma_start3A_277 = tpu.memref_squeeze %dma_start3A_276 : memref<1x!tpu.dma_semaphore, #tpu.memory_space<semaphore_mem>> -> memref<!tpu.dma_semaphore, #tpu.memory_space<semaphore_mem>>
        %dma_start3A_278 = arith.constant 0 : i32
        %dma_start3A_279 = arith.constant 0 : i32
        %dma_start3A_280 = tpu.memref_slice %run_scoped3A[%rem3A_267, %dma_start3A_278, %dma_start3A_279] : memref<2x1x256xi32, #tpu.memory_space<vmem>> -> memref<1x1x256xi32, #tpu.memory_space<vmem>>
        %dma_start3A_281 = tpu.memref_squeeze %dma_start3A_280 : memref<1x1x256xi32, #tpu.memory_space<vmem>> -> memref<1x256xi32, #tpu.memory_space<vmem>>
        %dma_start3A_282 = arith.constant 0 : i32
        %dma_start3A_283 = tpu.memref_slice %arg3[%dma_start3A_282, %mul3A_269] : memref<1x8192xi32, #tpu.memory_space<hbm>> -> memref<1x256xi32, #tpu.memory_space<hbm>>
        tpu.enqueue_dma source(%dma_start3A_283 : memref<1x256xi32, #tpu.memory_space<hbm>>) target(%dma_start3A_281 : memref<1x256xi32, #tpu.memory_space<vmem>>) target_semaphore(%dma_start3A_277 : memref<!tpu.dma_semaphore, #tpu.memory_space<semaphore_mem>>)
        "tpu.trace_stop"() : () -> ()
      } else {
      }
      %and3A_107 = arith.constant true
      %and3A_108 = arith.andi %and3A, %and3A_107 : i1
      %add3A_109 = arith.constant 1 : i32
      %add3A_110 = arith.addi %select_n3A_62, %add3A_109 : i32
      %select_n3A_111 = arith.select %and3A_108, %add3A_110, %select_n3A_62 : i32
      %ne3A_112 = arith.cmpi ne, %add3A_72, %add3A_92 : i32
      %or3A_113 = arith.constant false
      %or3A_114 = arith.ori %or3A_113, %ne3A_112 : i1
      %or3A_115 = arith.constant false
      %or3A_116 = arith.ori %or3A_114, %or3A_115 : i1
      %ge3A_117 = arith.constant 0 : i32
      %ge3A_118 = arith.cmpi sge, %scan3A_66, %ge3A_117 : i32
      %not3A_119 = arith.constant true
      %not3A_120 = arith.xori %ge3A_118, %not3A_119 : i1
      %and3A_121 = arith.andi %or3A_116, %not3A_120 : i1
      %ne3A_122 = arith.cmpi ne, %add3A_72, %add3A_82 : i32
      %or3A_123 = arith.constant false
      %or3A_124 = arith.ori %or3A_123, %ne3A_122 : i1
      %or3A_125 = arith.ori %or3A_124, %eq3A_68 : i1
      %convert_element_type3A_126 = arith.extui %or3A_125 : i1 to i32
      %cond3A_127 = arith.constant 0 : i32
      %cond3A_128 = arith.cmpi ne, %convert_element_type3A_126, %cond3A_127 : i32
      scf.if %cond3A_128 {
        "tpu.trace_start"() <{level = 10 : i32, message = "ep_wait_in"}> : () -> ()
        %mul3A_266 = arith.constant 256 : i32
        %mul3A_267 = arith.muli %mul3A_266, %add3A_72 : i32
        %rem3A_268 = arith.constant 2 : i32
        %rem3A_269 = arith.remui %scan3A, %rem3A_268 : i32
        %dma_wait3A_270 = arith.constant 0 : i32
        %dma_wait3A_271 = arith.constant 0 : i32
        %dma_wait3A_272 = tpu.memref_slice %run_scoped3A[%rem3A_269, %dma_wait3A_270, %dma_wait3A_271] : memref<2x1x256xi32, #tpu.memory_space<vmem>> -> memref<1x1x256xi32, #tpu.memory_space<vmem>>
        %dma_wait3A_273 = tpu.memref_squeeze %dma_wait3A_272 : memref<1x1x256xi32, #tpu.memory_space<vmem>> -> memref<1x256xi32, #tpu.memory_space<vmem>>
        %dma_wait3A_274 = arith.constant 0 : i32
        %dma_wait3A_275 = tpu.memref_slice %arg3[%dma_wait3A_274, %mul3A_267] : memref<1x8192xi32, #tpu.memory_space<hbm>> -> memref<1x256xi32, #tpu.memory_space<hbm>>
        %dma_wait3A_276 = tpu.memref_slice %run_scoped3A_7[%rem3A_269] : memref<2x!tpu.dma_semaphore, #tpu.memory_space<semaphore_mem>> -> memref<1x!tpu.dma_semaphore, #tpu.memory_space<semaphore_mem>>
        %dma_wait3A_277 = tpu.memref_squeeze %dma_wait3A_276 : memref<1x!tpu.dma_semaphore, #tpu.memory_space<semaphore_mem>> -> memref<!tpu.dma_semaphore, #tpu.memory_space<semaphore_mem>>
        %dma_wait3A_278 = arith.constant 0 : i32
        %dma_wait3A_279 = arith.constant 0 : i32
        %dma_wait3A_280 = tpu.memref_slice %run_scoped3A[%rem3A_269, %dma_wait3A_278, %dma_wait3A_279] : memref<2x1x256xi32, #tpu.memory_space<vmem>> -> memref<1x1x256xi32, #tpu.memory_space<vmem>>
        %dma_wait3A_281 = tpu.memref_squeeze %dma_wait3A_280 : memref<1x1x256xi32, #tpu.memory_space<vmem>> -> memref<1x256xi32, #tpu.memory_space<vmem>>
        %dma_wait3A_282 = arith.constant 0 : i32
        %dma_wait3A_283 = tpu.memref_slice %arg3[%dma_wait3A_282, %mul3A_267] : memref<1x8192xi32, #tpu.memory_space<hbm>> -> memref<1x256xi32, #tpu.memory_space<hbm>>
        tpu.wait_dma2 semaphore(%dma_wait3A_277 : memref<!tpu.dma_semaphore, #tpu.memory_space<semaphore_mem>>) src(%dma_wait3A_283 : memref<1x256xi32, #tpu.memory_space<hbm>>) dst(%dma_wait3A_281 : memref<1x256xi32, #tpu.memory_space<vmem>>)
        "tpu.trace_stop"() : () -> ()
      } else {
      }
      %ne3A_129 = arith.cmpi ne, %add3A_72, %add3A_82 : i32
      %or3A_130 = arith.constant false
      %or3A_131 = arith.ori %or3A_130, %ne3A_129 : i1
      %or3A_132 = arith.constant false
      %or3A_133 = arith.ori %or3A_131, %or3A_132 : i1
      %or3A_134 = arith.ori %or3A_133, %eq3A_68 : i1
      %convert_element_type3A_135 = arith.extui %or3A_134 : i1 to i32
      %cond3A_136 = arith.constant 0 : i32
      %cond3A_137 = arith.cmpi ne, %convert_element_type3A_135, %cond3A_136 : i32
      scf.if %cond3A_137 {
      } else {
      }
      %rem3A_138 = arith.constant 2 : i32
      %rem3A_139 = arith.remui %scan3A, %rem3A_138 : i32
      %rem3A_140 = arith.constant 2 : i32
      %rem3A_141 = arith.remui %scan3A_63, %rem3A_140 : i32
      %run_scoped3A_142 = arith.constant 0 : i32
      "tpu.trace_start"() <{level = 10 : i32, message = "ep_run_kernel"}> : () -> ()
      "tpu.region"() ({
        %run_scoped3A_266 = tpu.sem_alloc : memref<!tpu.dma_semaphore, #tpu.memory_space<semaphore_mem>>
        %dma_start3A_267 = arith.constant 0 : i32
        %dma_start3A_268 = arith.constant 0 : i32
        %dma_start3A_269 = tpu.memref_slice %run_scoped3A_8[%rem3A_141, %dma_start3A_267, %dma_start3A_268] : memref<2x256x128xf32, #tpu.memory_space<vmem>> -> memref<1x256x128xf32, #tpu.memory_space<vmem>>
        %dma_start3A_270 = tpu.memref_squeeze %dma_start3A_269 : memref<1x256x128xf32, #tpu.memory_space<vmem>> -> memref<256x128xf32, #tpu.memory_space<vmem>>
        %dma_start3A_271 = arith.constant 0 : i32
        %dma_start3A_272 = arith.constant 0 : i32
        %dma_start3A_273 = tpu.memref_slice %run_scoped3A[%rem3A_139, %dma_start3A_271, %dma_start3A_272] : memref<2x1x256xi32, #tpu.memory_space<vmem>> -> memref<1x1x256xi32, #tpu.memory_space<vmem>>
        %dma_start3A_274 = tpu.memref_squeeze %dma_start3A_273 : memref<1x1x256xi32, #tpu.memory_space<vmem>> -> memref<1x256xi32, #tpu.memory_space<vmem>>
        %dma_start3A_275 = arith.constant 0 : i32
        %dma_start3A_276 = tpu.memref_slice %dma_start3A_274[%run_scoped3A_142, %dma_start3A_275] : memref<1x256xi32, #tpu.memory_space<vmem>> -> memref<1x256xi32, #tpu.memory_space<vmem>>
        %dma_start3A_277 = tpu.memref_squeeze %dma_start3A_276 : memref<1x256xi32, #tpu.memory_space<vmem>> -> memref<256xi32, #tpu.memory_space<vmem>>
        %dma_start3A_278 = arith.constant 0 : i32
        %dma_start3A_279 = arith.constant 0 : i32
        %dma_start3A_280 = tpu.memref_slice %arg2[%dma_start3A_278, %dma_start3A_279] : memref<8192x128xf32, #tpu.memory_space<hbm>> -> memref<8192x128xf32, #tpu.memory_space<hbm>>
        tpu.enqueue_indirect_dma source(%dma_start3A_280 : memref<8192x128xf32, #tpu.memory_space<hbm>>) target(%dma_start3A_270 : memref<256x128xf32, #tpu.memory_space<vmem>>) offsets(%dma_start3A_277 : memref<256xi32, #tpu.memory_space<vmem>>) semaphore(%run_scoped3A_266 : memref<!tpu.dma_semaphore, #tpu.memory_space<semaphore_mem>>)
        %dma_wait3A_281 = arith.constant 0 : i32
        %dma_wait3A_282 = arith.constant 0 : i32
        %dma_wait3A_283 = tpu.memref_slice %run_scoped3A_8[%rem3A_141, %dma_wait3A_281, %dma_wait3A_282] : memref<2x256x128xf32, #tpu.memory_space<vmem>> -> memref<1x256x128xf32, #tpu.memory_space<vmem>>
        %dma_wait3A_284 = tpu.memref_squeeze %dma_wait3A_283 : memref<1x256x128xf32, #tpu.memory_space<vmem>> -> memref<256x128xf32, #tpu.memory_space<vmem>>
        %dma_wait3A_285 = arith.constant 0 : i32
        %dma_wait3A_286 = arith.constant 0 : i32
        %dma_wait3A_287 = tpu.memref_slice %run_scoped3A[%rem3A_139, %dma_wait3A_285, %dma_wait3A_286] : memref<2x1x256xi32, #tpu.memory_space<vmem>> -> memref<1x1x256xi32, #tpu.memory_space<vmem>>
        %dma_wait3A_288 = tpu.memref_squeeze %dma_wait3A_287 : memref<1x1x256xi32, #tpu.memory_space<vmem>> -> memref<1x256xi32, #tpu.memory_space<vmem>>
        %dma_wait3A_289 = arith.constant 0 : i32
        %dma_wait3A_290 = tpu.memref_slice %dma_wait3A_288[%run_scoped3A_142, %dma_wait3A_289] : memref<1x256xi32, #tpu.memory_space<vmem>> -> memref<1x256xi32, #tpu.memory_space<vmem>>
        %dma_wait3A_291 = tpu.memref_squeeze %dma_wait3A_290 : memref<1x256xi32, #tpu.memory_space<vmem>> -> memref<256xi32, #tpu.memory_space<vmem>>
        %dma_wait3A_292 = arith.constant 0 : i32
        %dma_wait3A_293 = arith.constant 0 : i32
        %dma_wait3A_294 = tpu.memref_slice %arg2[%dma_wait3A_292, %dma_wait3A_293] : memref<8192x128xf32, #tpu.memory_space<hbm>> -> memref<8192x128xf32, #tpu.memory_space<hbm>>
        tpu.wait_indirect_dma semaphore(%run_scoped3A_266 : memref<!tpu.dma_semaphore, #tpu.memory_space<semaphore_mem>>) src(%dma_wait3A_294 : memref<8192x128xf32, #tpu.memory_space<hbm>>) dst(%dma_wait3A_284 : memref<256x128xf32, #tpu.memory_space<vmem>>)
        tpu.yield
      }) : () -> ()
      "tpu.trace_stop"() : () -> ()
      %ne3A_143 = arith.cmpi ne, %add3A_72, %add3A_92 : i32
      %or3A_144 = arith.constant false
      %or3A_145 = arith.ori %or3A_144, %ne3A_143 : i1
      %or3A_146 = arith.ori %or3A_145, %eq3A_70 : i1
      %convert_element_type3A_147 = arith.extui %or3A_146 : i1 to i32
      %cond3A_148 = arith.constant 0 : i32
      %cond3A_149 = arith.cmpi ne, %convert_element_type3A_147, %cond3A_148 : i32
      scf.if %cond3A_149 {
      } else {
      }
      %and3A_150 = arith.constant false
      %and3A_151 = arith.andi %or3A_146, %and3A_150 : i1
      %ne3A_152 = arith.cmpi ne, %add3A_72, %add3A_92 : i32
      %or3A_153 = arith.constant false
      %or3A_154 = arith.ori %or3A_153, %ne3A_152 : i1
      %or3A_155 = arith.constant false
      %or3A_156 = arith.ori %or3A_154, %or3A_155 : i1
      %or3A_157 = arith.ori %or3A_156, %eq3A_70 : i1
      %convert_element_type3A_158 = arith.extui %or3A_157 : i1 to i32
      %cond3A_159 = arith.constant 0 : i32
      %cond3A_160 = arith.cmpi ne, %convert_element_type3A_158, %cond3A_159 : i32
      scf.if %cond3A_160 {
        "tpu.trace_start"() <{level = 10 : i32, message = "ep_copy_out"}> : () -> ()
        %rem3A_266 = arith.constant 2 : i32
        %rem3A_267 = arith.remui %scan3A_63, %rem3A_266 : i32
        %mul3A_268 = arith.constant 256 : i32
        %mul3A_269 = arith.muli %mul3A_268, %add3A_72 : i32
        %dma_start3A_270 = arith.constant 0 : i32
        %dma_start3A_271 = arith.constant 0 : i32
        %dma_start3A_272 = tpu.memref_slice %run_scoped3A_8[%rem3A_267, %dma_start3A_270, %dma_start3A_271] : memref<2x256x128xf32, #tpu.memory_space<vmem>> -> memref<1x256x128xf32, #tpu.memory_space<vmem>>
        %dma_start3A_273 = tpu.memref_squeeze %dma_start3A_272 : memref<1x256x128xf32, #tpu.memory_space<vmem>> -> memref<256x128xf32, #tpu.memory_space<vmem>>
        %dma_start3A_274 = arith.constant 0 : i32
        %dma_start3A_275 = tpu.memref_slice %arg4[%mul3A_269, %dma_start3A_274] : memref<8192x128xf32, #tpu.memory_space<hbm>> -> memref<256x128xf32, #tpu.memory_space<hbm>>
        %dma_start3A_276 = tpu.memref_slice %run_scoped3A_9[%rem3A_267] : memref<2x!tpu.dma_semaphore, #tpu.memory_space<semaphore_mem>> -> memref<1x!tpu.dma_semaphore, #tpu.memory_space<semaphore_mem>>
        %dma_start3A_277 = tpu.memref_squeeze %dma_start3A_276 : memref<1x!tpu.dma_semaphore, #tpu.memory_space<semaphore_mem>> -> memref<!tpu.dma_semaphore, #tpu.memory_space<semaphore_mem>>
        %dma_start3A_278 = arith.constant 0 : i32
        %dma_start3A_279 = tpu.memref_slice %arg4[%mul3A_269, %dma_start3A_278] : memref<8192x128xf32, #tpu.memory_space<hbm>> -> memref<256x128xf32, #tpu.memory_space<hbm>>
        %dma_start3A_280 = arith.constant 0 : i32
        %dma_start3A_281 = arith.constant 0 : i32
        %dma_start3A_282 = tpu.memref_slice %run_scoped3A_8[%rem3A_267, %dma_start3A_280, %dma_start3A_281] : memref<2x256x128xf32, #tpu.memory_space<vmem>> -> memref<1x256x128xf32, #tpu.memory_space<vmem>>
        %dma_start3A_283 = tpu.memref_squeeze %dma_start3A_282 : memref<1x256x128xf32, #tpu.memory_space<vmem>> -> memref<256x128xf32, #tpu.memory_space<vmem>>
        tpu.enqueue_dma source(%dma_start3A_283 : memref<256x128xf32, #tpu.memory_space<vmem>>) target(%dma_start3A_279 : memref<256x128xf32, #tpu.memory_space<hbm>>) target_semaphore(%dma_start3A_277 : memref<!tpu.dma_semaphore, #tpu.memory_space<semaphore_mem>>)
        "tpu.trace_stop"() : () -> ()
      } else {
      }
      %and3A_161 = arith.constant true
      %and3A_162 = arith.andi %or3A_157, %and3A_161 : i1
      %add3A_163 = arith.constant 1 : i32
      %add3A_164 = arith.addi %scan3A_63, %add3A_163 : i32
      %select_n3A_165 = arith.select %and3A_162, %add3A_164, %scan3A_63 : i32
      %ne3A_166 = arith.cmpi ne, %add3A_72, %add3A_82 : i32
      %or3A_167 = arith.constant false
      %or3A_168 = arith.ori %or3A_167, %ne3A_166 : i1
      %not3A_169 = arith.constant true
      %not3A_170 = arith.xori %eq3A_68, %not3A_169 : i1
      %and3A_171 = arith.andi %or3A_168, %not3A_170 : i1
      %convert_element_type3A_172 = arith.extui %and3A_171 : i1 to i32
      %cond3A_173 = arith.constant 0 : i32
      %cond3A_174 = arith.cmpi ne, %convert_element_type3A_172, %cond3A_173 : i32
      scf.if %cond3A_174 {
      } else {
      }
      %and3A_175 = arith.constant false
      %and3A_176 = arith.andi %and3A_171, %and3A_175 : i1
      %ne3A_177 = arith.cmpi ne, %add3A_72, %add3A_82 : i32
      %or3A_178 = arith.constant false
      %or3A_179 = arith.ori %or3A_178, %ne3A_177 : i1
      %or3A_180 = arith.constant false
      %or3A_181 = arith.ori %or3A_179, %or3A_180 : i1
      %not3A_182 = arith.constant true
      %not3A_183 = arith.xori %eq3A_68, %not3A_182 : i1
      %and3A_184 = arith.andi %or3A_181, %not3A_183 : i1
      %convert_element_type3A_185 = arith.extui %and3A_184 : i1 to i32
      %cond3A_186 = arith.constant 0 : i32
      %cond3A_187 = arith.cmpi ne, %convert_element_type3A_185, %cond3A_186 : i32
      scf.if %cond3A_187 {
        "tpu.trace_start"() <{level = 10 : i32, message = "ep_wait_out"}> : () -> ()
        %rem3A_266 = arith.constant 2 : i32
        %rem3A_267 = arith.remui %scan3A_64, %rem3A_266 : i32
        %mul3A_268 = arith.constant 256 : i32
        %mul3A_269 = arith.muli %mul3A_268, %add3A_82 : i32
        %dma_wait3A_270 = arith.constant 0 : i32
        %dma_wait3A_271 = arith.constant 0 : i32
        %dma_wait3A_272 = tpu.memref_slice %run_scoped3A_8[%rem3A_267, %dma_wait3A_270, %dma_wait3A_271] : memref<2x256x128xf32, #tpu.memory_space<vmem>> -> memref<1x256x128xf32, #tpu.memory_space<vmem>>
        %dma_wait3A_273 = tpu.memref_squeeze %dma_wait3A_272 : memref<1x256x128xf32, #tpu.memory_space<vmem>> -> memref<256x128xf32, #tpu.memory_space<vmem>>
        %dma_wait3A_274 = arith.constant 0 : i32
        %dma_wait3A_275 = tpu.memref_slice %arg4[%mul3A_269, %dma_wait3A_274] : memref<8192x128xf32, #tpu.memory_space<hbm>> -> memref<256x128xf32, #tpu.memory_space<hbm>>
        %dma_wait3A_276 = tpu.memref_slice %run_scoped3A_9[%rem3A_267] : memref<2x!tpu.dma_semaphore, #tpu.memory_space<semaphore_mem>> -> memref<1x!tpu.dma_semaphore, #tpu.memory_space<semaphore_mem>>
        %dma_wait3A_277 = tpu.memref_squeeze %dma_wait3A_276 : memref<1x!tpu.dma_semaphore, #tpu.memory_space<semaphore_mem>> -> memref<!tpu.dma_semaphore, #tpu.memory_space<semaphore_mem>>
        %dma_wait3A_278 = arith.constant 0 : i32
        %dma_wait3A_279 = tpu.memref_slice %arg4[%mul3A_269, %dma_wait3A_278] : memref<8192x128xf32, #tpu.memory_space<hbm>> -> memref<256x128xf32, #tpu.memory_space<hbm>>
        %dma_wait3A_280 = arith.constant 0 : i32
        %dma_wait3A_281 = arith.constant 0 : i32
        %dma_wait3A_282 = tpu.memref_slice %run_scoped3A_8[%rem3A_267, %dma_wait3A_280, %dma_wait3A_281] : memref<2x256x128xf32, #tpu.memory_space<vmem>> -> memref<1x256x128xf32, #tpu.memory_space<vmem>>
        %dma_wait3A_283 = tpu.memref_squeeze %dma_wait3A_282 : memref<1x256x128xf32, #tpu.memory_space<vmem>> -> memref<256x128xf32, #tpu.memory_space<vmem>>
        tpu.wait_dma2 semaphore(%dma_wait3A_277 : memref<!tpu.dma_semaphore, #tpu.memory_space<semaphore_mem>>) src(%dma_wait3A_283 : memref<256x128xf32, #tpu.memory_space<vmem>>) dst(%dma_wait3A_279 : memref<256x128xf32, #tpu.memory_space<hbm>>)
        "tpu.trace_stop"() : () -> ()
      } else {
      }
      %and3A_188 = arith.constant true
      %and3A_189 = arith.andi %and3A_184, %and3A_188 : i1
      %add3A_190 = arith.constant 1 : i32
      %add3A_191 = arith.addi %scan3A_64, %add3A_190 : i32
      %select_n3A_192 = arith.select %and3A_189, %add3A_191, %scan3A_64 : i32
      %ne3A_193 = arith.cmpi ne, %add3A_72, %add3A_92 : i32
      %or3A_194 = arith.constant false
      %or3A_195 = arith.ori %or3A_194, %ne3A_193 : i1
      %or3A_196 = arith.ori %or3A_195, %eq3A_70 : i1
      %add3A_197 = arith.constant 1 : i32
      %add3A_198 = arith.addi %scan3A, %add3A_197 : i32
      %select_n3A_199 = arith.select %or3A_196, %add3A_198, %scan3A : i32
      %select_n3A_200 = arith.constant true
      %select_n3A_201 = arith.constant 0 : i32
      %select_n3A_202 = arith.constant 1 : i32
      %select_n3A_203 = arith.select %select_n3A_200, %select_n3A_202, %select_n3A_201 : i32
      %eq3A_204 = arith.constant 1 : i32
      %eq3A_205 = arith.cmpi eq, %select_n3A_203, %eq3A_204 : i32
      %select_n3A_206 = arith.constant 0 : i32
      %select_n3A_207 = arith.select %eq3A_205, %select_n3A_206, %select_n3A_203 : i32
      %scan3A_208 = arith.constant 0 : i32
      %scan3A_209 = arith.constant 1 : i32
      %sub3A = arith.constant 1 : i32
      %sub3A_210 = arith.subi %scan3A_208, %sub3A : i32
      %select_n3A_211 = arith.constant true
      %select_n3A_212 = arith.select %select_n3A_211, %sub3A_210, %scan3A_208 : i32
      %eq3A_213 = arith.constant -1 : i32
      %eq3A_214 = arith.cmpi eq, %select_n3A_212, %eq3A_213 : i32
      %select_n3A_215 = arith.constant 0 : i32
      %select_n3A_216 = arith.select %eq3A_214, %select_n3A_215, %select_n3A_212 : i32
      %add3A_217 = arith.constant 0 : i32
      %add3A_218 = arith.addi %add3A_217, %mul3A_6 : i32
      %select_n3A_219 = arith.constant true
      %select_n3A_220 = arith.constant 0 : i32
      %select_n3A_221 = arith.constant -1 : i32
      %select_n3A_222 = arith.select %select_n3A_219, %select_n3A_221, %select_n3A_220 : i32
      %eq3A_223 = arith.constant -1 : i32
      %eq3A_224 = arith.cmpi eq, %select_n3A_222, %eq3A_223 : i32
      %select_n3A_225 = arith.constant 0 : i32
      %select_n3A_226 = arith.select %eq3A_224, %select_n3A_225, %select_n3A_222 : i32
      %add3A_227 = arith.constant 0 : i32
      %add3A_228 = arith.addi %add3A_227, %mul3A_6 : i32
      %select_n3A_229 = arith.constant true
      %select_n3A_230 = arith.constant 0 : i32
      %select_n3A_231 = arith.constant 1 : i32
      %select_n3A_232 = arith.select %select_n3A_229, %select_n3A_231, %select_n3A_230 : i32
      %eq3A_233 = arith.constant 1 : i32
      %eq3A_234 = arith.cmpi eq, %select_n3A_232, %eq3A_233 : i32
      %select_n3A_235 = arith.constant 0 : i32
      %select_n3A_236 = arith.select %eq3A_234, %select_n3A_235, %select_n3A_232 : i32
      %add3A_237 = arith.constant 0 : i32
      %add3A_238 = arith.addi %add3A_237, %mul3A_6 : i32
      %select_n3A_239 = arith.constant true
      %select_n3A_240 = arith.constant 0 : i32
      %select_n3A_241 = arith.constant 1 : i32
      %select_n3A_242 = arith.select %select_n3A_239, %select_n3A_241, %select_n3A_240 : i32
      %eq3A_243 = arith.constant 1 : i32
      %eq3A_244 = arith.cmpi eq, %select_n3A_242, %eq3A_243 : i32
      %select_n3A_245 = arith.constant 0 : i32
      %select_n3A_246 = arith.select %eq3A_244, %select_n3A_245, %select_n3A_242 : i32
      %add3A_247 = arith.constant 0 : i32
      %add3A_248 = arith.addi %add3A_247, %mul3A_6 : i32
      "tpu.trace_start"() <{level = 10 : i32, message = "ep_finalize"}> : () -> ()
      %rem3A_249 = arith.constant 2 : i32
      %rem3A_250 = arith.remui %select_n3A_192, %rem3A_249 : i32
      %mul3A_251 = arith.constant 256 : i32
      %mul3A_252 = arith.muli %mul3A_251, %add3A_218 : i32
      %dma_wait3A = arith.constant 0 : i32
      %dma_wait3A_253 = arith.constant 0 : i32
      %dma_wait3A_254 = tpu.memref_slice %run_scoped3A_8[%rem3A_250, %dma_wait3A, %dma_wait3A_253] : memref<2x256x128xf32, #tpu.memory_space<vmem>> -> memref<1x256x128xf32, #tpu.memory_space<vmem>>
      %dma_wait3A_255 = tpu.memref_squeeze %dma_wait3A_254 : memref<1x256x128xf32, #tpu.memory_space<vmem>> -> memref<256x128xf32, #tpu.memory_space<vmem>>
      %dma_wait3A_256 = arith.constant 0 : i32
      %dma_wait3A_257 = tpu.memref_slice %arg4[%mul3A_252, %dma_wait3A_256] : memref<8192x128xf32, #tpu.memory_space<hbm>> -> memref<256x128xf32, #tpu.memory_space<hbm>>
      %dma_wait3A_258 = tpu.memref_slice %run_scoped3A_9[%rem3A_250] : memref<2x!tpu.dma_semaphore, #tpu.memory_space<semaphore_mem>> -> memref<1x!tpu.dma_semaphore, #tpu.memory_space<semaphore_mem>>
      %dma_wait3A_259 = tpu.memref_squeeze %dma_wait3A_258 : memref<1x!tpu.dma_semaphore, #tpu.memory_space<semaphore_mem>> -> memref<!tpu.dma_semaphore, #tpu.memory_space<semaphore_mem>>
      %dma_wait3A_260 = arith.constant 0 : i32
      %dma_wait3A_261 = tpu.memref_slice %arg4[%mul3A_252, %dma_wait3A_260] : memref<8192x128xf32, #tpu.memory_space<hbm>> -> memref<256x128xf32, #tpu.memory_space<hbm>>
      %dma_wait3A_262 = arith.constant 0 : i32
      %dma_wait3A_263 = arith.constant 0 : i32
      %dma_wait3A_264 = tpu.memref_slice %run_scoped3A_8[%rem3A_250, %dma_wait3A_262, %dma_wait3A_263] : memref<2x256x128xf32, #tpu.memory_space<vmem>> -> memref<1x256x128xf32, #tpu.memory_space<vmem>>
      %dma_wait3A_265 = tpu.memref_squeeze %dma_wait3A_264 : memref<1x256x128xf32, #tpu.memory_space<vmem>> -> memref<256x128xf32, #tpu.memory_space<vmem>>
      tpu.wait_dma2 semaphore(%dma_wait3A_259 : memref<!tpu.dma_semaphore, #tpu.memory_space<semaphore_mem>>) src(%dma_wait3A_265 : memref<256x128xf32, #tpu.memory_space<vmem>>) dst(%dma_wait3A_261 : memref<256x128xf32, #tpu.memory_space<hbm>>)
      "tpu.trace_stop"() : () -> ()
      tpu.yield
    }) : () -> ()
    return
  }
}

#map = affine_map<(d0, d1) -> (0, 0)>
module attributes {stable_mosaic.version = 14 : i64} {
  func.func @gather_kernel(%arg0: i32, %arg1: i32, %arg2: memref<8192x128xf32, #tpu.memory_space<hbm>>, %arg3: memref<1x8192xi32, #tpu.memory_space<hbm>>, %arg4: memref<8192x128xf32, #tpu.memory_space<hbm>>) attributes {dimension_semantics = [#tpu.dimension_semantics<core_parallel>, #tpu.dimension_semantics<subcore_parallel>], iteration_bounds = array<i64: 2, 16>, scalar_prefetch = 0 : i64, scratch_operands = 0 : i64, tpu.core_type = #tpu.core_type<sc_vector_subcore>, window_params = [{transform_indices = #map}, {transform_indices = #map}, {transform_indices = #map}]} {
    %mul3A = arith.constant 1 : i32
    %mul3A_0 = arith.muli %arg1, %mul3A : i32
    %add3A = arith.constant 0 : i32
    %add3A_1 = arith.addi %add3A, %mul3A_0 : i32
    %mul3A_2 = arith.constant 16 : i32
    %mul3A_3 = arith.muli %arg0, %mul3A_2 : i32
    %add3A_4 = arith.addi %add3A_1, %mul3A_3 : i32
    %mul3A_5 = arith.constant 1 : i32
    %mul3A_6 = arith.muli %add3A_4, %mul3A_5 : i32
    "tpu.region"() ({
      %run_scoped3A = memref.alloca() : memref<2x1x256xi32, #tpu.memory_space<vmem>>
      %run_scoped3A_7 = tpu.sem_alloc : memref<2x!tpu.dma_semaphore, #tpu.memory_space<semaphore_mem>>
      %run_scoped3A_8 = memref.alloca() : memref<2x256x128xf32, #tpu.memory_space<vmem>>
      %run_scoped3A_9 = tpu.sem_alloc : memref<2x!tpu.dma_semaphore, #tpu.memory_space<semaphore_mem>>
      %add3A_10 = arith.constant 0 : i32
      %add3A_11 = arith.addi %add3A_10, %mul3A_6 : i32
      %select_n3A = arith.constant true
      %select_n3A_12 = arith.constant 0 : i32
      %select_n3A_13 = arith.constant -1 : i32
      %select_n3A_14 = arith.select %select_n3A, %select_n3A_13, %select_n3A_12 : i32
      %eq3A = arith.constant -1 : i32
      %eq3A_15 = arith.cmpi eq, %select_n3A_14, %eq3A : i32
      %select_n3A_16 = arith.constant 0 : i32
      %select_n3A_17 = arith.select %eq3A_15, %select_n3A_16, %select_n3A_14 : i32
      %add3A_18 = arith.constant 0 : i32
      %add3A_19 = arith.addi %add3A_18, %mul3A_6 : i32
      %select_n3A_20 = arith.constant true
      %select_n3A_21 = arith.constant 0 : i32
      %select_n3A_22 = arith.constant 1 : i32
      %select_n3A_23 = arith.select %select_n3A_20, %select_n3A_22, %select_n3A_21 : i32
      %eq3A_24 = arith.constant 1 : i32
      %eq3A_25 = arith.cmpi eq, %select_n3A_23, %eq3A_24 : i32
      %select_n3A_26 = arith.constant 0 : i32
      %select_n3A_27 = arith.select %eq3A_25, %select_n3A_26, %select_n3A_23 : i32
      %add3A_28 = arith.constant 0 : i32
      %add3A_29 = arith.addi %add3A_28, %mul3A_6 : i32
      %select_n3A_30 = arith.constant true
      %select_n3A_31 = arith.constant 0 : i32
      %select_n3A_32 = arith.constant 1 : i32
      %select_n3A_33 = arith.select %select_n3A_30, %select_n3A_32, %select_n3A_31 : i32
      %eq3A_34 = arith.constant 1 : i32
      %eq3A_35 = arith.cmpi eq, %select_n3A_33, %eq3A_34 : i32
      %select_n3A_36 = arith.constant 0 : i32
      %select_n3A_37 = arith.select %eq3A_35, %select_n3A_36, %select_n3A_33 : i32
      %add3A_38 = arith.constant 0 : i32
      %add3A_39 = arith.addi %add3A_38, %mul3A_6 : i32
      "tpu.trace_start"() <{level = 10 : i32, message = "ep_initialize_0"}> : () -> ()
      %rem3A = arith.constant 0 : i32
      %rem3A_40 = arith.constant 2 : i32
      %rem3A_41 = arith.remui %rem3A, %rem3A_40 : i32
      %mul3A_42 = arith.constant 256 : i32
      %mul3A_43 = arith.muli %mul3A_42, %add3A_11 : i32
      %dma_start3A = arith.constant 0 : i32
      %dma_start3A_44 = arith.constant 0 : i32
      %dma_start3A_45 = tpu.memref_slice %run_scoped3A[%rem3A_41, %dma_start3A, %dma_start3A_44] : memref<2x1x256xi32, #tpu.memory_space<vmem>> -> memref<1x1x256xi32, #tpu.memory_space<vmem>>
      %dma_start3A_46 = tpu.memref_squeeze %dma_start3A_45 : memref<1x1x256xi32, #tpu.memory_space<vmem>> -> memref<1x256xi32, #tpu.memory_space<vmem>>
      %dma_start3A_47 = arith.constant 0 : i32
      %dma_start3A_48 = tpu.memref_slice %arg3[%dma_start3A_47, %mul3A_43] : memref<1x8192xi32, #tpu.memory_space<hbm>> -> memref<1x256xi32, #tpu.memory_space<hbm>>
      %dma_start3A_49 = tpu.memref_slice %run_scoped3A_7[%rem3A_41] : memref<2x!tpu.dma_semaphore, #tpu.memory_space<semaphore_mem>> -> memref<1x!tpu.dma_semaphore, #tpu.memory_space<semaphore_mem>>
      %dma_start3A_50 = tpu.memref_squeeze %dma_start3A_49 : memref<1x!tpu.dma_semaphore, #tpu.memory_space<semaphore_mem>> -> memref<!tpu.dma_semaphore, #tpu.memory_space<semaphore_mem>>
      %dma_start3A_51 = arith.constant 0 : i32
      %dma_start3A_52 = arith.constant 0 : i32
      %dma_start3A_53 = tpu.memref_slice %run_scoped3A[%rem3A_41, %dma_start3A_51, %dma_start3A_52] : memref<2x1x256xi32, #tpu.memory_space<vmem>> -> memref<1x1x256xi32, #tpu.memory_space<vmem>>
      %dma_start3A_54 = tpu.memref_squeeze %dma_start3A_53 : memref<1x1x256xi32, #tpu.memory_space<vmem>> -> memref<1x256xi32, #tpu.memory_space<vmem>>
      %dma_start3A_55 = arith.constant 0 : i32
      %dma_start3A_56 = tpu.memref_slice %arg3[%dma_start3A_55, %mul3A_43] : memref<1x8192xi32, #tpu.memory_space<hbm>> -> memref<1x256xi32, #tpu.memory_space<hbm>>
      tpu.enqueue_dma source(%dma_start3A_56 : memref<1x256xi32, #tpu.memory_space<hbm>>) target(%dma_start3A_54 : memref<1x256xi32, #tpu.memory_space<vmem>>) target_semaphore(%dma_start3A_50 : memref<!tpu.dma_semaphore, #tpu.memory_space<semaphore_mem>>)
      %add3A_57 = arith.constant 0 : i32
      %add3A_58 = arith.constant 1 : i32
      %add3A_59 = arith.addi %add3A_57, %add3A_58 : i32
      %select_n3A_60 = arith.constant true
      %select_n3A_61 = arith.constant 0 : i32
      %select_n3A_62 = arith.select %select_n3A_60, %add3A_59, %select_n3A_61 : i32
      "tpu.trace_stop"() : () -> ()
      %scan3A = arith.constant 0 : i32
      %scan3A_63 = arith.constant 0 : i32
      %scan3A_64 = arith.constant 0 : i32
      %scan3A_65 = arith.constant 0 : i32
      %scan3A_66 = arith.constant 0 : i32
      %eq3A_67 = arith.constant 0 : i32
      %eq3A_68 = arith.cmpi eq, %scan3A_66, %eq3A_67 : i32
      %eq3A_69 = arith.constant 0 : i32
      %eq3A_70 = arith.cmpi eq, %scan3A_66, %eq3A_69 : i32
      %add3A_71 = arith.constant 0 : i32
      %add3A_72 = arith.addi %add3A_71, %mul3A_6 : i32
      %select_n3A_73 = arith.constant true
      %select_n3A_74 = arith.constant 0 : i32
      %select_n3A_75 = arith.constant -1 : i32
      %select_n3A_76 = arith.select %select_n3A_73, %select_n3A_75, %select_n3A_74 : i32
      %eq3A_77 = arith.constant -1 : i32
      %eq3A_78 = arith.cmpi eq, %select_n3A_76, %eq3A_77 : i32
      %select_n3A_79 = arith.constant 0 : i32
      %select_n3A_80 = arith.select %eq3A_78, %select_n3A_79, %select_n3A_76 : i32
      %add3A_81 = arith.constant 0 : i32
      %add3A_82 = arith.addi %add3A_81, %mul3A_6 : i32
      %select_n3A_83 = arith.constant true
      %select_n3A_84 = arith.constant 0 : i32
      %select_n3A_85 = arith.constant 1 : i32
      %select_n3A_86 = arith.select %select_n3A_83, %select_n3A_85, %select_n3A_84 : i32
      %eq3A_87 = arith.constant 1 : i32
      %eq3A_88 = arith.cmpi eq, %select_n3A_86, %eq3A_87 : i32
      %select_n3A_89 = arith.constant 0 : i32
      %select_n3A_90 = arith.select %eq3A_88, %select_n3A_89, %select_n3A_86 : i32
      %add3A_91 = arith.constant 0 : i32
      %add3A_92 = arith.addi %add3A_91, %mul3A_6 : i32
      %select_n3A_93 = arith.constant true
      %select_n3A_94 = arith.constant 0 : i32
      %select_n3A_95 = arith.constant 1 : i32
      %select_n3A_96 = arith.select %select_n3A_93, %select_n3A_95, %select_n3A_94 : i32
      %eq3A_97 = arith.constant 1 : i32
      %eq3A_98 = arith.cmpi eq, %select_n3A_96, %eq3A_97 : i32
      %select_n3A_99 = arith.constant 0 : i32
      %select_n3A_100 = arith.select %eq3A_98, %select_n3A_99, %select_n3A_96 : i32
      %add3A_101 = arith.constant 0 : i32
      %add3A_102 = arith.addi %add3A_101, %mul3A_6 : i32
      %ne3A = arith.cmpi ne, %add3A_72, %add3A_92 : i32
      %or3A = arith.constant false
      %or3A_103 = arith.ori %or3A, %ne3A : i1
      %ge3A = arith.constant 0 : i32
      %ge3A_104 = arith.cmpi sge, %scan3A_66, %ge3A : i32
      %not3A = arith.constant true
      %not3A_105 = arith.xori %ge3A_104, %not3A : i1
      %and3A = arith.andi %or3A_103, %not3A_105 : i1
      %convert_element_type3A = arith.extui %and3A : i1 to i32
      %cond3A = arith.constant 0 : i32
      %cond3A_106 = arith.cmpi ne, %convert_element_type3A, %cond3A : i32
      scf.if %cond3A_106 {
        "tpu.trace_start"() <{level = 10 : i32, message = "ep_copy_in"}> : () -> ()
        %rem3A_266 = arith.constant 2 : i32
        %rem3A_267 = arith.remui %select_n3A_62, %rem3A_266 : i32
        %mul3A_268 = arith.constant 256 : i32
        %mul3A_269 = arith.muli %mul3A_268, %add3A_92 : i32
        %dma_start3A_270 = arith.constant 0 : i32
        %dma_start3A_271 = arith.constant 0 : i32
        %dma_start3A_272 = tpu.memref_slice %run_scoped3A[%rem3A_267, %dma_start3A_270, %dma_start3A_271] : memref<2x1x256xi32, #tpu.memory_space<vmem>> -> memref<1x1x256xi32, #tpu.memory_space<vmem>>
        %dma_start3A_273 = tpu.memref_squeeze %dma_start3A_272 : memref<1x1x256xi32, #tpu.memory_space<vmem>> -> memref<1x256xi32, #tpu.memory_space<vmem>>
        %dma_start3A_274 = arith.constant 0 : i32
        %dma_start3A_275 = tpu.memref_slice %arg3[%dma_start3A_274, %mul3A_269] : memref<1x8192xi32, #tpu.memory_space<hbm>> -> memref<1x256xi32, #tpu.memory_space<hbm>>
        %dma_start3A_276 = tpu.memref_slice %run_scoped3A_7[%rem3A_267] : memref<2x!tpu.dma_semaphore, #tpu.memory_space<semaphore_mem>> -> memref<1x!tpu.dma_semaphore, #tpu.memory_space<semaphore_mem>>
        %dma_start3A_277 = tpu.memref_squeeze %dma_start3A_276 : memref<1x!tpu.dma_semaphore, #tpu.memory_space<semaphore_mem>> -> memref<!tpu.dma_semaphore, #tpu.memory_space<semaphore_mem>>
        %dma_start3A_278 = arith.constant 0 : i32
        %dma_start3A_279 = arith.constant 0 : i32
        %dma_start3A_280 = tpu.memref_slice %run_scoped3A[%rem3A_267, %dma_start3A_278, %dma_start3A_279] : memref<2x1x256xi32, #tpu.memory_space<vmem>> -> memref<1x1x256xi32, #tpu.memory_space<vmem>>
        %dma_start3A_281 = tpu.memref_squeeze %dma_start3A_280 : memref<1x1x256xi32, #tpu.memory_space<vmem>> -> memref<1x256xi32, #tpu.memory_space<vmem>>
        %dma_start3A_282 = arith.constant 0 : i32
        %dma_start3A_283 = tpu.memref_slice %arg3[%dma_start3A_282, %mul3A_269] : memref<1x8192xi32, #tpu.memory_space<hbm>> -> memref<1x256xi32, #tpu.memory_space<hbm>>
        tpu.enqueue_dma source(%dma_start3A_283 : memref<1x256xi32, #tpu.memory_space<hbm>>) target(%dma_start3A_281 : memref<1x256xi32, #tpu.memory_space<vmem>>) target_semaphore(%dma_start3A_277 : memref<!tpu.dma_semaphore, #tpu.memory_space<semaphore_mem>>)
        "tpu.trace_stop"() : () -> ()
      } else {
      }
      %and3A_107 = arith.constant true
      %and3A_108 = arith.andi %and3A, %and3A_107 : i1
      %add3A_109 = arith.constant 1 : i32
      %add3A_110 = arith.addi %select_n3A_62, %add3A_109 : i32
      %select_n3A_111 = arith.select %and3A_108, %add3A_110, %select_n3A_62 : i32
      %ne3A_112 = arith.cmpi ne, %add3A_72, %add3A_92 : i32
      %or3A_113 = arith.constant false
      %or3A_114 = arith.ori %or3A_113, %ne3A_112 : i1
      %or3A_115 = arith.constant false
      %or3A_116 = arith.ori %or3A_114, %or3A_115 : i1
      %ge3A_117 = arith.constant 0 : i32
      %ge3A_118 = arith.cmpi sge, %scan3A_66, %ge3A_117 : i32
      %not3A_119 = arith.constant true
      %not3A_120 = arith.xori %ge3A_118, %not3A_119 : i1
      %and3A_121 = arith.andi %or3A_116, %not3A_120 : i1
      %ne3A_122 = arith.cmpi ne, %add3A_72, %add3A_82 : i32
      %or3A_123 = arith.constant false
      %or3A_124 = arith.ori %or3A_123, %ne3A_122 : i1
      %or3A_125 = arith.ori %or3A_124, %eq3A_68 : i1
      %convert_element_type3A_126 = arith.extui %or3A_125 : i1 to i32
      %cond3A_127 = arith.constant 0 : i32
      %cond3A_128 = arith.cmpi ne, %convert_element_type3A_126, %cond3A_127 : i32
      scf.if %cond3A_128 {
        "tpu.trace_start"() <{level = 10 : i32, message = "ep_wait_in"}> : () -> ()
        %mul3A_266 = arith.constant 256 : i32
        %mul3A_267 = arith.muli %mul3A_266, %add3A_72 : i32
        %rem3A_268 = arith.constant 2 : i32
        %rem3A_269 = arith.remui %scan3A, %rem3A_268 : i32
        %dma_wait3A_270 = arith.constant 0 : i32
        %dma_wait3A_271 = arith.constant 0 : i32
        %dma_wait3A_272 = tpu.memref_slice %run_scoped3A[%rem3A_269, %dma_wait3A_270, %dma_wait3A_271] : memref<2x1x256xi32, #tpu.memory_space<vmem>> -> memref<1x1x256xi32, #tpu.memory_space<vmem>>
        %dma_wait3A_273 = tpu.memref_squeeze %dma_wait3A_272 : memref<1x1x256xi32, #tpu.memory_space<vmem>> -> memref<1x256xi32, #tpu.memory_space<vmem>>
        %dma_wait3A_274 = arith.constant 0 : i32
        %dma_wait3A_275 = tpu.memref_slice %arg3[%dma_wait3A_274, %mul3A_267] : memref<1x8192xi32, #tpu.memory_space<hbm>> -> memref<1x256xi32, #tpu.memory_space<hbm>>
        %dma_wait3A_276 = tpu.memref_slice %run_scoped3A_7[%rem3A_269] : memref<2x!tpu.dma_semaphore, #tpu.memory_space<semaphore_mem>> -> memref<1x!tpu.dma_semaphore, #tpu.memory_space<semaphore_mem>>
        %dma_wait3A_277 = tpu.memref_squeeze %dma_wait3A_276 : memref<1x!tpu.dma_semaphore, #tpu.memory_space<semaphore_mem>> -> memref<!tpu.dma_semaphore, #tpu.memory_space<semaphore_mem>>
        %dma_wait3A_278 = arith.constant 0 : i32
        %dma_wait3A_279 = arith.constant 0 : i32
        %dma_wait3A_280 = tpu.memref_slice %run_scoped3A[%rem3A_269, %dma_wait3A_278, %dma_wait3A_279] : memref<2x1x256xi32, #tpu.memory_space<vmem>> -> memref<1x1x256xi32, #tpu.memory_space<vmem>>
        %dma_wait3A_281 = tpu.memref_squeeze %dma_wait3A_280 : memref<1x1x256xi32, #tpu.memory_space<vmem>> -> memref<1x256xi32, #tpu.memory_space<vmem>>
        %dma_wait3A_282 = arith.constant 0 : i32
        %dma_wait3A_283 = tpu.memref_slice %arg3[%dma_wait3A_282, %mul3A_267] : memref<1x8192xi32, #tpu.memory_space<hbm>> -> memref<1x256xi32, #tpu.memory_space<hbm>>
        tpu.wait_dma2 semaphore(%dma_wait3A_277 : memref<!tpu.dma_semaphore, #tpu.memory_space<semaphore_mem>>) src(%dma_wait3A_283 : memref<1x256xi32, #tpu.memory_space<hbm>>) dst(%dma_wait3A_281 : memref<1x256xi32, #tpu.memory_space<vmem>>)
        "tpu.trace_stop"() : () -> ()
      } else {
      }
      %ne3A_129 = arith.cmpi ne, %add3A_72, %add3A_82 : i32
      %or3A_130 = arith.constant false
      %or3A_131 = arith.ori %or3A_130, %ne3A_129 : i1
      %or3A_132 = arith.constant false
      %or3A_133 = arith.ori %or3A_131, %or3A_132 : i1
      %or3A_134 = arith.ori %or3A_133, %eq3A_68 : i1
      %convert_element_type3A_135 = arith.extui %or3A_134 : i1 to i32
      %cond3A_136 = arith.constant 0 : i32
      %cond3A_137 = arith.cmpi ne, %convert_element_type3A_135, %cond3A_136 : i32
      scf.if %cond3A_137 {
      } else {
      }
      %rem3A_138 = arith.constant 2 : i32
      %rem3A_139 = arith.remui %scan3A, %rem3A_138 : i32
      %rem3A_140 = arith.constant 2 : i32
      %rem3A_141 = arith.remui %scan3A_63, %rem3A_140 : i32
      %run_scoped3A_142 = arith.constant 0 : i32
      "tpu.trace_start"() <{level = 10 : i32, message = "ep_run_kernel"}> : () -> ()
      "tpu.region"() ({
        %run_scoped3A_266 = tpu.sem_alloc : memref<!tpu.dma_semaphore, #tpu.memory_space<semaphore_mem>>
        %dma_start3A_267 = arith.constant 0 : i32
        %dma_start3A_268 = arith.constant 0 : i32
        %dma_start3A_269 = tpu.memref_slice %run_scoped3A_8[%rem3A_141, %dma_start3A_267, %dma_start3A_268] : memref<2x256x128xf32, #tpu.memory_space<vmem>> -> memref<1x256x128xf32, #tpu.memory_space<vmem>>
        %dma_start3A_270 = tpu.memref_squeeze %dma_start3A_269 : memref<1x256x128xf32, #tpu.memory_space<vmem>> -> memref<256x128xf32, #tpu.memory_space<vmem>>
        %dma_start3A_271 = arith.constant 0 : i32
        %dma_start3A_272 = arith.constant 0 : i32
        %dma_start3A_273 = tpu.memref_slice %run_scoped3A[%rem3A_139, %dma_start3A_271, %dma_start3A_272] : memref<2x1x256xi32, #tpu.memory_space<vmem>> -> memref<1x1x256xi32, #tpu.memory_space<vmem>>
        %dma_start3A_274 = tpu.memref_squeeze %dma_start3A_273 : memref<1x1x256xi32, #tpu.memory_space<vmem>> -> memref<1x256xi32, #tpu.memory_space<vmem>>
        %dma_start3A_275 = arith.constant 0 : i32
        %dma_start3A_276 = tpu.memref_slice %dma_start3A_274[%run_scoped3A_142, %dma_start3A_275] : memref<1x256xi32, #tpu.memory_space<vmem>> -> memref<1x256xi32, #tpu.memory_space<vmem>>
        %dma_start3A_277 = tpu.memref_squeeze %dma_start3A_276 : memref<1x256xi32, #tpu.memory_space<vmem>> -> memref<256xi32, #tpu.memory_space<vmem>>
        %dma_start3A_278 = arith.constant 0 : i32
        %dma_start3A_279 = arith.constant 0 : i32
        %dma_start3A_280 = tpu.memref_slice %arg2[%dma_start3A_278, %dma_start3A_279] : memref<8192x128xf32, #tpu.memory_space<hbm>> -> memref<8192x128xf32, #tpu.memory_space<hbm>>
        tpu.enqueue_indirect_dma source(%dma_start3A_280 : memref<8192x128xf32, #tpu.memory_space<hbm>>) target(%dma_start3A_270 : memref<256x128xf32, #tpu.memory_space<vmem>>) offsets(%dma_start3A_277 : memref<256xi32, #tpu.memory_space<vmem>>) semaphore(%run_scoped3A_266 : memref<!tpu.dma_semaphore, #tpu.memory_space<semaphore_mem>>)
        %dma_wait3A_281 = arith.constant 0 : i32
        %dma_wait3A_282 = arith.constant 0 : i32
        %dma_wait3A_283 = tpu.memref_slice %run_scoped3A_8[%rem3A_141, %dma_wait3A_281, %dma_wait3A_282] : memref<2x256x128xf32, #tpu.memory_space<vmem>> -> memref<1x256x128xf32, #tpu.memory_space<vmem>>
        %dma_wait3A_284 = tpu.memref_squeeze %dma_wait3A_283 : memref<1x256x128xf32, #tpu.memory_space<vmem>> -> memref<256x128xf32, #tpu.memory_space<vmem>>
        %dma_wait3A_285 = arith.constant 0 : i32
        %dma_wait3A_286 = arith.constant 0 : i32
        %dma_wait3A_287 = tpu.memref_slice %run_scoped3A[%rem3A_139, %dma_wait3A_285, %dma_wait3A_286] : memref<2x1x256xi32, #tpu.memory_space<vmem>> -> memref<1x1x256xi32, #tpu.memory_space<vmem>>
        %dma_wait3A_288 = tpu.memref_squeeze %dma_wait3A_287 : memref<1x1x256xi32, #tpu.memory_space<vmem>> -> memref<1x256xi32, #tpu.memory_space<vmem>>
        %dma_wait3A_289 = arith.constant 0 : i32
        %dma_wait3A_290 = tpu.memref_slice %dma_wait3A_288[%run_scoped3A_142, %dma_wait3A_289] : memref<1x256xi32, #tpu.memory_space<vmem>> -> memref<1x256xi32, #tpu.memory_space<vmem>>
        %dma_wait3A_291 = tpu.memref_squeeze %dma_wait3A_290 : memref<1x256xi32, #tpu.memory_space<vmem>> -> memref<256xi32, #tpu.memory_space<vmem>>
        %dma_wait3A_292 = arith.constant 0 : i32
        %dma_wait3A_293 = arith.constant 0 : i32
        %dma_wait3A_294 = tpu.memref_slice %arg2[%dma_wait3A_292, %dma_wait3A_293] : memref<8192x128xf32, #tpu.memory_space<hbm>> -> memref<8192x128xf32, #tpu.memory_space<hbm>>
        tpu.wait_indirect_dma semaphore(%run_scoped3A_266 : memref<!tpu.dma_semaphore, #tpu.memory_space<semaphore_mem>>) src(%dma_wait3A_294 : memref<8192x128xf32, #tpu.memory_space<hbm>>) dst(%dma_wait3A_284 : memref<256x128xf32, #tpu.memory_space<vmem>>)
        tpu.yield
      }) : () -> ()
      "tpu.trace_stop"() : () -> ()
      %ne3A_143 = arith.cmpi ne, %add3A_72, %add3A_92 : i32
      %or3A_144 = arith.constant false
      %or3A_145 = arith.ori %or3A_144, %ne3A_143 : i1
      %or3A_146 = arith.ori %or3A_145, %eq3A_70 : i1
      %convert_element_type3A_147 = arith.extui %or3A_146 : i1 to i32
      %cond3A_148 = arith.constant 0 : i32
      %cond3A_149 = arith.cmpi ne, %convert_element_type3A_147, %cond3A_148 : i32
      scf.if %cond3A_149 {
      } else {
      }
      %and3A_150 = arith.constant false
      %and3A_151 = arith.andi %or3A_146, %and3A_150 : i1
      %ne3A_152 = arith.cmpi ne, %add3A_72, %add3A_92 : i32
      %or3A_153 = arith.constant false
      %or3A_154 = arith.ori %or3A_153, %ne3A_152 : i1
      %or3A_155 = arith.constant false
      %or3A_156 = arith.ori %or3A_154, %or3A_155 : i1
      %or3A_157 = arith.ori %or3A_156, %eq3A_70 : i1
      %convert_element_type3A_158 = arith.extui %or3A_157 : i1 to i32
      %cond3A_159 = arith.constant 0 : i32
      %cond3A_160 = arith.cmpi ne, %convert_element_type3A_158, %cond3A_159 : i32
      scf.if %cond3A_160 {
        "tpu.trace_start"() <{level = 10 : i32, message = "ep_copy_out"}> : () -> ()
        %rem3A_266 = arith.constant 2 : i32
        %rem3A_267 = arith.remui %scan3A_63, %rem3A_266 : i32
        %mul3A_268 = arith.constant 256 : i32
        %mul3A_269 = arith.muli %mul3A_268, %add3A_72 : i32
        %dma_start3A_270 = arith.constant 0 : i32
        %dma_start3A_271 = arith.constant 0 : i32
        %dma_start3A_272 = tpu.memref_slice %run_scoped3A_8[%rem3A_267, %dma_start3A_270, %dma_start3A_271] : memref<2x256x128xf32, #tpu.memory_space<vmem>> -> memref<1x256x128xf32, #tpu.memory_space<vmem>>
        %dma_start3A_273 = tpu.memref_squeeze %dma_start3A_272 : memref<1x256x128xf32, #tpu.memory_space<vmem>> -> memref<256x128xf32, #tpu.memory_space<vmem>>
        %dma_start3A_274 = arith.constant 0 : i32
        %dma_start3A_275 = tpu.memref_slice %arg4[%mul3A_269, %dma_start3A_274] : memref<8192x128xf32, #tpu.memory_space<hbm>> -> memref<256x128xf32, #tpu.memory_space<hbm>>
        %dma_start3A_276 = tpu.memref_slice %run_scoped3A_9[%rem3A_267] : memref<2x!tpu.dma_semaphore, #tpu.memory_space<semaphore_mem>> -> memref<1x!tpu.dma_semaphore, #tpu.memory_space<semaphore_mem>>
        %dma_start3A_277 = tpu.memref_squeeze %dma_start3A_276 : memref<1x!tpu.dma_semaphore, #tpu.memory_space<semaphore_mem>> -> memref<!tpu.dma_semaphore, #tpu.memory_space<semaphore_mem>>
        %dma_start3A_278 = arith.constant 0 : i32
        %dma_start3A_279 = tpu.memref_slice %arg4[%mul3A_269, %dma_start3A_278] : memref<8192x128xf32, #tpu.memory_space<hbm>> -> memref<256x128xf32, #tpu.memory_space<hbm>>
        %dma_start3A_280 = arith.constant 0 : i32
        %dma_start3A_281 = arith.constant 0 : i32
        %dma_start3A_282 = tpu.memref_slice %run_scoped3A_8[%rem3A_267, %dma_start3A_280, %dma_start3A_281] : memref<2x256x128xf32, #tpu.memory_space<vmem>> -> memref<1x256x128xf32, #tpu.memory_space<vmem>>
        %dma_start3A_283 = tpu.memref_squeeze %dma_start3A_282 : memref<1x256x128xf32, #tpu.memory_space<vmem>> -> memref<256x128xf32, #tpu.memory_space<vmem>>
        tpu.enqueue_dma source(%dma_start3A_283 : memref<256x128xf32, #tpu.memory_space<vmem>>) target(%dma_start3A_279 : memref<256x128xf32, #tpu.memory_space<hbm>>) target_semaphore(%dma_start3A_277 : memref<!tpu.dma_semaphore, #tpu.memory_space<semaphore_mem>>)
        "tpu.trace_stop"() : () -> ()
      } else {
      }
      %and3A_161 = arith.constant true
      %and3A_162 = arith.andi %or3A_157, %and3A_161 : i1
      %add3A_163 = arith.constant 1 : i32
      %add3A_164 = arith.addi %scan3A_63, %add3A_163 : i32
      %select_n3A_165 = arith.select %and3A_162, %add3A_164, %scan3A_63 : i32
      %ne3A_166 = arith.cmpi ne, %add3A_72, %add3A_82 : i32
      %or3A_167 = arith.constant false
      %or3A_168 = arith.ori %or3A_167, %ne3A_166 : i1
      %not3A_169 = arith.constant true
      %not3A_170 = arith.xori %eq3A_68, %not3A_169 : i1
      %and3A_171 = arith.andi %or3A_168, %not3A_170 : i1
      %convert_element_type3A_172 = arith.extui %and3A_171 : i1 to i32
      %cond3A_173 = arith.constant 0 : i32
      %cond3A_174 = arith.cmpi ne, %convert_element_type3A_172, %cond3A_173 : i32
      scf.if %cond3A_174 {
      } else {
      }
      %and3A_175 = arith.constant false
      %and3A_176 = arith.andi %and3A_171, %and3A_175 : i1
      %ne3A_177 = arith.cmpi ne, %add3A_72, %add3A_82 : i32
      %or3A_178 = arith.constant false
      %or3A_179 = arith.ori %or3A_178, %ne3A_177 : i1
      %or3A_180 = arith.constant false
      %or3A_181 = arith.ori %or3A_179, %or3A_180 : i1
      %not3A_182 = arith.constant true
      %not3A_183 = arith.xori %eq3A_68, %not3A_182 : i1
      %and3A_184 = arith.andi %or3A_181, %not3A_183 : i1
      %convert_element_type3A_185 = arith.extui %and3A_184 : i1 to i32
      %cond3A_186 = arith.constant 0 : i32
      %cond3A_187 = arith.cmpi ne, %convert_element_type3A_185, %cond3A_186 : i32
      scf.if %cond3A_187 {
        "tpu.trace_start"() <{level = 10 : i32, message = "ep_wait_out"}> : () -> ()
        %rem3A_266 = arith.constant 2 : i32
        %rem3A_267 = arith.remui %scan3A_64, %rem3A_266 : i32
        %mul3A_268 = arith.constant 256 : i32
        %mul3A_269 = arith.muli %mul3A_268, %add3A_82 : i32
        %dma_wait3A_270 = arith.constant 0 : i32
        %dma_wait3A_271 = arith.constant 0 : i32
        %dma_wait3A_272 = tpu.memref_slice %run_scoped3A_8[%rem3A_267, %dma_wait3A_270, %dma_wait3A_271] : memref<2x256x128xf32, #tpu.memory_space<vmem>> -> memref<1x256x128xf32, #tpu.memory_space<vmem>>
        %dma_wait3A_273 = tpu.memref_squeeze %dma_wait3A_272 : memref<1x256x128xf32, #tpu.memory_space<vmem>> -> memref<256x128xf32, #tpu.memory_space<vmem>>
        %dma_wait3A_274 = arith.constant 0 : i32
        %dma_wait3A_275 = tpu.memref_slice %arg4[%mul3A_269, %dma_wait3A_274] : memref<8192x128xf32, #tpu.memory_space<hbm>> -> memref<256x128xf32, #tpu.memory_space<hbm>>
        %dma_wait3A_276 = tpu.memref_slice %run_scoped3A_9[%rem3A_267] : memref<2x!tpu.dma_semaphore, #tpu.memory_space<semaphore_mem>> -> memref<1x!tpu.dma_semaphore, #tpu.memory_space<semaphore_mem>>
        %dma_wait3A_277 = tpu.memref_squeeze %dma_wait3A_276 : memref<1x!tpu.dma_semaphore, #tpu.memory_space<semaphore_mem>> -> memref<!tpu.dma_semaphore, #tpu.memory_space<semaphore_mem>>
        %dma_wait3A_278 = arith.constant 0 : i32
        %dma_wait3A_279 = tpu.memref_slice %arg4[%mul3A_269, %dma_wait3A_278] : memref<8192x128xf32, #tpu.memory_space<hbm>> -> memref<256x128xf32, #tpu.memory_space<hbm>>
        %dma_wait3A_280 = arith.constant 0 : i32
        %dma_wait3A_281 = arith.constant 0 : i32
        %dma_wait3A_282 = tpu.memref_slice %run_scoped3A_8[%rem3A_267, %dma_wait3A_280, %dma_wait3A_281] : memref<2x256x128xf32, #tpu.memory_space<vmem>> -> memref<1x256x128xf32, #tpu.memory_space<vmem>>
        %dma_wait3A_283 = tpu.memref_squeeze %dma_wait3A_282 : memref<1x256x128xf32, #tpu.memory_space<vmem>> -> memref<256x128xf32, #tpu.memory_space<vmem>>
        tpu.wait_dma2 semaphore(%dma_wait3A_277 : memref<!tpu.dma_semaphore, #tpu.memory_space<semaphore_mem>>) src(%dma_wait3A_283 : memref<256x128xf32, #tpu.memory_space<vmem>>) dst(%dma_wait3A_279 : memref<256x128xf32, #tpu.memory_space<hbm>>)
        "tpu.trace_stop"() : () -> ()
      } else {
      }
      %and3A_188 = arith.constant true
      %and3A_189 = arith.andi %and3A_184, %and3A_188 : i1
      %add3A_190 = arith.constant 1 : i32
      %add3A_191 = arith.addi %scan3A_64, %add3A_190 : i32
      %select_n3A_192 = arith.select %and3A_189, %add3A_191, %scan3A_64 : i32
      %ne3A_193 = arith.cmpi ne, %add3A_72, %add3A_92 : i32
      %or3A_194 = arith.constant false
      %or3A_195 = arith.ori %or3A_194, %ne3A_193 : i1
      %or3A_196 = arith.ori %or3A_195, %eq3A_70 : i1
      %add3A_197 = arith.constant 1 : i32
      %add3A_198 = arith.addi %scan3A, %add3A_197 : i32
      %select_n3A_199 = arith.select %or3A_196, %add3A_198, %scan3A : i32
      %select_n3A_200 = arith.constant true
      %select_n3A_201 = arith.constant 0 : i32
      %select_n3A_202 = arith.constant 1 : i32
      %select_n3A_203 = arith.select %select_n3A_200, %select_n3A_202, %select_n3A_201 : i32
      %eq3A_204 = arith.constant 1 : i32
      %eq3A_205 = arith.cmpi eq, %select_n3A_203, %eq3A_204 : i32
      %select_n3A_206 = arith.constant 0 : i32
      %select_n3A_207 = arith.select %eq3A_205, %select_n3A_206, %select_n3A_203 : i32
      %scan3A_208 = arith.constant 0 : i32
      %scan3A_209 = arith.constant 1 : i32
      %sub3A = arith.constant 1 : i32
      %sub3A_210 = arith.subi %scan3A_208, %sub3A : i32
      %select_n3A_211 = arith.constant true
      %select_n3A_212 = arith.select %select_n3A_211, %sub3A_210, %scan3A_208 : i32
      %eq3A_213 = arith.constant -1 : i32
      %eq3A_214 = arith.cmpi eq, %select_n3A_212, %eq3A_213 : i32
      %select_n3A_215 = arith.constant 0 : i32
      %select_n3A_216 = arith.select %eq3A_214, %select_n3A_215, %select_n3A_212 : i32
      %add3A_217 = arith.constant 0 : i32
      %add3A_218 = arith.addi %add3A_217, %mul3A_6 : i32
      %select_n3A_219 = arith.constant true
      %select_n3A_220 = arith.constant 0 : i32
      %select_n3A_221 = arith.constant -1 : i32
      %select_n3A_222 = arith.select %select_n3A_219, %select_n3A_221, %select_n3A_220 : i32
      %eq3A_223 = arith.constant -1 : i32
      %eq3A_224 = arith.cmpi eq, %select_n3A_222, %eq3A_223 : i32
      %select_n3A_225 = arith.constant 0 : i32
      %select_n3A_226 = arith.select %eq3A_224, %select_n3A_225, %select_n3A_222 : i32
      %add3A_227 = arith.constant 0 : i32
      %add3A_228 = arith.addi %add3A_227, %mul3A_6 : i32
      %select_n3A_229 = arith.constant true
      %select_n3A_230 = arith.constant 0 : i32
      %select_n3A_231 = arith.constant 1 : i32
      %select_n3A_232 = arith.select %select_n3A_229, %select_n3A_231, %select_n3A_230 : i32
      %eq3A_233 = arith.constant 1 : i32
      %eq3A_234 = arith.cmpi eq, %select_n3A_232, %eq3A_233 : i32
      %select_n3A_235 = arith.constant 0 : i32
      %select_n3A_236 = arith.select %eq3A_234, %select_n3A_235, %select_n3A_232 : i32
      %add3A_237 = arith.constant 0 : i32
      %add3A_238 = arith.addi %add3A_237, %mul3A_6 : i32
      %select_n3A_239 = arith.constant true
      %select_n3A_240 = arith.constant 0 : i32
      %select_n3A_241 = arith.constant 1 : i32
      %select_n3A_242 = arith.select %select_n3A_239, %select_n3A_241, %select_n3A_240 : i32
      %eq3A_243 = arith.constant 1 : i32
      %eq3A_244 = arith.cmpi eq, %select_n3A_242, %eq3A_243 : i32
      %select_n3A_245 = arith.constant 0 : i32
      %select_n3A_246 = arith.select %eq3A_244, %select_n3A_245, %select_n3A_242 : i32
      %add3A_247 = arith.constant 0 : i32
      %add3A_248 = arith.addi %add3A_247, %mul3A_6 : i32
      "tpu.trace_start"() <{level = 10 : i32, message = "ep_finalize"}> : () -> ()
      %rem3A_249 = arith.constant 2 : i32
      %rem3A_250 = arith.remui %select_n3A_192, %rem3A_249 : i32
      %mul3A_251 = arith.constant 256 : i32
      %mul3A_252 = arith.muli %mul3A_251, %add3A_218 : i32
      %dma_wait3A = arith.constant 0 : i32
      %dma_wait3A_253 = arith.constant 0 : i32
      %dma_wait3A_254 = tpu.memref_slice %run_scoped3A_8[%rem3A_250, %dma_wait3A, %dma_wait3A_253] : memref<2x256x128xf32, #tpu.memory_space<vmem>> -> memref<1x256x128xf32, #tpu.memory_space<vmem>>
      %dma_wait3A_255 = tpu.memref_squeeze %dma_wait3A_254 : memref<1x256x128xf32, #tpu.memory_space<vmem>> -> memref<256x128xf32, #tpu.memory_space<vmem>>
      %dma_wait3A_256 = arith.constant 0 : i32
      %dma_wait3A_257 = tpu.memref_slice %arg4[%mul3A_252, %dma_wait3A_256] : memref<8192x128xf32, #tpu.memory_space<hbm>> -> memref<256x128xf32, #tpu.memory_space<hbm>>
      %dma_wait3A_258 = tpu.memref_slice %run_scoped3A_9[%rem3A_250] : memref<2x!tpu.dma_semaphore, #tpu.memory_space<semaphore_mem>> -> memref<1x!tpu.dma_semaphore, #tpu.memory_space<semaphore_mem>>
      %dma_wait3A_259 = tpu.memref_squeeze %dma_wait3A_258 : memref<1x!tpu.dma_semaphore, #tpu.memory_space<semaphore_mem>> -> memref<!tpu.dma_semaphore, #tpu.memory_space<semaphore_mem>>
      %dma_wait3A_260 = arith.constant 0 : i32
      %dma_wait3A_261 = tpu.memref_slice %arg4[%mul3A_252, %dma_wait3A_260] : memref<8192x128xf32, #tpu.memory_space<hbm>> -> memref<256x128xf32, #tpu.memory_space<hbm>>
      %dma_wait3A_262 = arith.constant 0 : i32
      %dma_wait3A_263 = arith.constant 0 : i32
      %dma_wait3A_264 = tpu.memref_slice %run_scoped3A_8[%rem3A_250, %dma_wait3A_262, %dma_wait3A_263] : memref<2x256x128xf32, #tpu.memory_space<vmem>> -> memref<1x256x128xf32, #tpu.memory_space<vmem>>
      %dma_wait3A_265 = tpu.memref_squeeze %dma_wait3A_264 : memref<1x256x128xf32, #tpu.memory_space<vmem>> -> memref<256x128xf32, #tpu.memory_space<vmem>>
      tpu.wait_dma2 semaphore(%dma_wait3A_259 : memref<!tpu.dma_semaphore, #tpu.memory_space<semaphore_mem>>) src(%dma_wait3A_265 : memref<256x128xf32, #tpu.memory_space<vmem>>) dst(%dma_wait3A_261 : memref<256x128xf32, #tpu.memory_space<hbm>>)
      "tpu.trace_stop"() : () -> ()
      tpu.yield
    }) : () -> ()
    return
  }
}

#map = affine_map<(d0, d1) -> (0, 0)>
module attributes {stable_mosaic.version = 14 : i64} {
  func.func @gather_kernel(%arg0: i32, %arg1: i32, %arg2: memref<8192x128xf32, #tpu.memory_space<hbm>>, %arg3: memref<1x8192xi32, #tpu.memory_space<hbm>>, %arg4: memref<8192x128xf32, #tpu.memory_space<hbm>>) attributes {dimension_semantics = [#tpu.dimension_semantics<core_parallel>, #tpu.dimension_semantics<subcore_parallel>], iteration_bounds = array<i64: 2, 16>, scalar_prefetch = 0 : i64, scratch_operands = 0 : i64, tpu.core_type = #tpu.core_type<sc_vector_subcore>, window_params = [{transform_indices = #map}, {transform_indices = #map}, {transform_indices = #map}]} {
    %mul3A = arith.constant 1 : i32
    %mul3A_0 = arith.muli %arg1, %mul3A : i32
    %add3A = arith.constant 0 : i32
    %add3A_1 = arith.addi %add3A, %mul3A_0 : i32
    %mul3A_2 = arith.constant 16 : i32
    %mul3A_3 = arith.muli %arg0, %mul3A_2 : i32
    %add3A_4 = arith.addi %add3A_1, %mul3A_3 : i32
    %mul3A_5 = arith.constant 1 : i32
    %mul3A_6 = arith.muli %add3A_4, %mul3A_5 : i32
    "tpu.region"() ({
      %run_scoped3A = memref.alloca() : memref<2x1x256xi32, #tpu.memory_space<vmem>>
      %run_scoped3A_7 = tpu.sem_alloc : memref<2x!tpu.dma_semaphore, #tpu.memory_space<semaphore_mem>>
      %run_scoped3A_8 = memref.alloca() : memref<2x256x128xf32, #tpu.memory_space<vmem>>
      %run_scoped3A_9 = tpu.sem_alloc : memref<2x!tpu.dma_semaphore, #tpu.memory_space<semaphore_mem>>
      %add3A_10 = arith.constant 0 : i32
      %add3A_11 = arith.addi %add3A_10, %mul3A_6 : i32
      %select_n3A = arith.constant true
      %select_n3A_12 = arith.constant 0 : i32
      %select_n3A_13 = arith.constant -1 : i32
      %select_n3A_14 = arith.select %select_n3A, %select_n3A_13, %select_n3A_12 : i32
      %eq3A = arith.constant -1 : i32
      %eq3A_15 = arith.cmpi eq, %select_n3A_14, %eq3A : i32
      %select_n3A_16 = arith.constant 0 : i32
      %select_n3A_17 = arith.select %eq3A_15, %select_n3A_16, %select_n3A_14 : i32
      %add3A_18 = arith.constant 0 : i32
      %add3A_19 = arith.addi %add3A_18, %mul3A_6 : i32
      %select_n3A_20 = arith.constant true
      %select_n3A_21 = arith.constant 0 : i32
      %select_n3A_22 = arith.constant 1 : i32
      %select_n3A_23 = arith.select %select_n3A_20, %select_n3A_22, %select_n3A_21 : i32
      %eq3A_24 = arith.constant 1 : i32
      %eq3A_25 = arith.cmpi eq, %select_n3A_23, %eq3A_24 : i32
      %select_n3A_26 = arith.constant 0 : i32
      %select_n3A_27 = arith.select %eq3A_25, %select_n3A_26, %select_n3A_23 : i32
      %add3A_28 = arith.constant 0 : i32
      %add3A_29 = arith.addi %add3A_28, %mul3A_6 : i32
      %select_n3A_30 = arith.constant true
      %select_n3A_31 = arith.constant 0 : i32
      %select_n3A_32 = arith.constant 1 : i32
      %select_n3A_33 = arith.select %select_n3A_30, %select_n3A_32, %select_n3A_31 : i32
      %eq3A_34 = arith.constant 1 : i32
      %eq3A_35 = arith.cmpi eq, %select_n3A_33, %eq3A_34 : i32
      %select_n3A_36 = arith.constant 0 : i32
      %select_n3A_37 = arith.select %eq3A_35, %select_n3A_36, %select_n3A_33 : i32
      %add3A_38 = arith.constant 0 : i32
      %add3A_39 = arith.addi %add3A_38, %mul3A_6 : i32
      "tpu.trace_start"() <{level = 10 : i32, message = "ep_initialize_0"}> : () -> ()
      %rem3A = arith.constant 0 : i32
      %rem3A_40 = arith.constant 2 : i32
      %rem3A_41 = arith.remui %rem3A, %rem3A_40 : i32
      %mul3A_42 = arith.constant 256 : i32
      %mul3A_43 = arith.muli %mul3A_42, %add3A_11 : i32
      %dma_start3A = arith.constant 0 : i32
      %dma_start3A_44 = arith.constant 0 : i32
      %dma_start3A_45 = tpu.memref_slice %run_scoped3A[%rem3A_41, %dma_start3A, %dma_start3A_44] : memref<2x1x256xi32, #tpu.memory_space<vmem>> -> memref<1x1x256xi32, #tpu.memory_space<vmem>>
      %dma_start3A_46 = tpu.memref_squeeze %dma_start3A_45 : memref<1x1x256xi32, #tpu.memory_space<vmem>> -> memref<1x256xi32, #tpu.memory_space<vmem>>
      %dma_start3A_47 = arith.constant 0 : i32
      %dma_start3A_48 = tpu.memref_slice %arg3[%dma_start3A_47, %mul3A_43] : memref<1x8192xi32, #tpu.memory_space<hbm>> -> memref<1x256xi32, #tpu.memory_space<hbm>>
      %dma_start3A_49 = tpu.memref_slice %run_scoped3A_7[%rem3A_41] : memref<2x!tpu.dma_semaphore, #tpu.memory_space<semaphore_mem>> -> memref<1x!tpu.dma_semaphore, #tpu.memory_space<semaphore_mem>>
      %dma_start3A_50 = tpu.memref_squeeze %dma_start3A_49 : memref<1x!tpu.dma_semaphore, #tpu.memory_space<semaphore_mem>> -> memref<!tpu.dma_semaphore, #tpu.memory_space<semaphore_mem>>
      %dma_start3A_51 = arith.constant 0 : i32
      %dma_start3A_52 = arith.constant 0 : i32
      %dma_start3A_53 = tpu.memref_slice %run_scoped3A[%rem3A_41, %dma_start3A_51, %dma_start3A_52] : memref<2x1x256xi32, #tpu.memory_space<vmem>> -> memref<1x1x256xi32, #tpu.memory_space<vmem>>
      %dma_start3A_54 = tpu.memref_squeeze %dma_start3A_53 : memref<1x1x256xi32, #tpu.memory_space<vmem>> -> memref<1x256xi32, #tpu.memory_space<vmem>>
      %dma_start3A_55 = arith.constant 0 : i32
      %dma_start3A_56 = tpu.memref_slice %arg3[%dma_start3A_55, %mul3A_43] : memref<1x8192xi32, #tpu.memory_space<hbm>> -> memref<1x256xi32, #tpu.memory_space<hbm>>
      tpu.enqueue_dma source(%dma_start3A_56 : memref<1x256xi32, #tpu.memory_space<hbm>>) target(%dma_start3A_54 : memref<1x256xi32, #tpu.memory_space<vmem>>) target_semaphore(%dma_start3A_50 : memref<!tpu.dma_semaphore, #tpu.memory_space<semaphore_mem>>)
      %add3A_57 = arith.constant 0 : i32
      %add3A_58 = arith.constant 1 : i32
      %add3A_59 = arith.addi %add3A_57, %add3A_58 : i32
      %select_n3A_60 = arith.constant true
      %select_n3A_61 = arith.constant 0 : i32
      %select_n3A_62 = arith.select %select_n3A_60, %add3A_59, %select_n3A_61 : i32
      "tpu.trace_stop"() : () -> ()
      %scan3A = arith.constant 0 : i32
      %scan3A_63 = arith.constant 0 : i32
      %scan3A_64 = arith.constant 0 : i32
      %scan3A_65 = arith.constant 0 : i32
      %scan3A_66 = arith.constant 0 : i32
      %eq3A_67 = arith.constant 0 : i32
      %eq3A_68 = arith.cmpi eq, %scan3A_66, %eq3A_67 : i32
      %eq3A_69 = arith.constant 0 : i32
      %eq3A_70 = arith.cmpi eq, %scan3A_66, %eq3A_69 : i32
      %add3A_71 = arith.constant 0 : i32
      %add3A_72 = arith.addi %add3A_71, %mul3A_6 : i32
      %select_n3A_73 = arith.constant true
      %select_n3A_74 = arith.constant 0 : i32
      %select_n3A_75 = arith.constant -1 : i32
      %select_n3A_76 = arith.select %select_n3A_73, %select_n3A_75, %select_n3A_74 : i32
      %eq3A_77 = arith.constant -1 : i32
      %eq3A_78 = arith.cmpi eq, %select_n3A_76, %eq3A_77 : i32
      %select_n3A_79 = arith.constant 0 : i32
      %select_n3A_80 = arith.select %eq3A_78, %select_n3A_79, %select_n3A_76 : i32
      %add3A_81 = arith.constant 0 : i32
      %add3A_82 = arith.addi %add3A_81, %mul3A_6 : i32
      %select_n3A_83 = arith.constant true
      %select_n3A_84 = arith.constant 0 : i32
      %select_n3A_85 = arith.constant 1 : i32
      %select_n3A_86 = arith.select %select_n3A_83, %select_n3A_85, %select_n3A_84 : i32
      %eq3A_87 = arith.constant 1 : i32
      %eq3A_88 = arith.cmpi eq, %select_n3A_86, %eq3A_87 : i32
      %select_n3A_89 = arith.constant 0 : i32
      %select_n3A_90 = arith.select %eq3A_88, %select_n3A_89, %select_n3A_86 : i32
      %add3A_91 = arith.constant 0 : i32
      %add3A_92 = arith.addi %add3A_91, %mul3A_6 : i32
      %select_n3A_93 = arith.constant true
      %select_n3A_94 = arith.constant 0 : i32
      %select_n3A_95 = arith.constant 1 : i32
      %select_n3A_96 = arith.select %select_n3A_93, %select_n3A_95, %select_n3A_94 : i32
      %eq3A_97 = arith.constant 1 : i32
      %eq3A_98 = arith.cmpi eq, %select_n3A_96, %eq3A_97 : i32
      %select_n3A_99 = arith.constant 0 : i32
      %select_n3A_100 = arith.select %eq3A_98, %select_n3A_99, %select_n3A_96 : i32
      %add3A_101 = arith.constant 0 : i32
      %add3A_102 = arith.addi %add3A_101, %mul3A_6 : i32
      %ne3A = arith.cmpi ne, %add3A_72, %add3A_92 : i32
      %or3A = arith.constant false
      %or3A_103 = arith.ori %or3A, %ne3A : i1
      %ge3A = arith.constant 0 : i32
      %ge3A_104 = arith.cmpi sge, %scan3A_66, %ge3A : i32
      %not3A = arith.constant true
      %not3A_105 = arith.xori %ge3A_104, %not3A : i1
      %and3A = arith.andi %or3A_103, %not3A_105 : i1
      %convert_element_type3A = arith.extui %and3A : i1 to i32
      %cond3A = arith.constant 0 : i32
      %cond3A_106 = arith.cmpi ne, %convert_element_type3A, %cond3A : i32
      scf.if %cond3A_106 {
        "tpu.trace_start"() <{level = 10 : i32, message = "ep_copy_in"}> : () -> ()
        %rem3A_266 = arith.constant 2 : i32
        %rem3A_267 = arith.remui %select_n3A_62, %rem3A_266 : i32
        %mul3A_268 = arith.constant 256 : i32
        %mul3A_269 = arith.muli %mul3A_268, %add3A_92 : i32
        %dma_start3A_270 = arith.constant 0 : i32
        %dma_start3A_271 = arith.constant 0 : i32
        %dma_start3A_272 = tpu.memref_slice %run_scoped3A[%rem3A_267, %dma_start3A_270, %dma_start3A_271] : memref<2x1x256xi32, #tpu.memory_space<vmem>> -> memref<1x1x256xi32, #tpu.memory_space<vmem>>
        %dma_start3A_273 = tpu.memref_squeeze %dma_start3A_272 : memref<1x1x256xi32, #tpu.memory_space<vmem>> -> memref<1x256xi32, #tpu.memory_space<vmem>>
        %dma_start3A_274 = arith.constant 0 : i32
        %dma_start3A_275 = tpu.memref_slice %arg3[%dma_start3A_274, %mul3A_269] : memref<1x8192xi32, #tpu.memory_space<hbm>> -> memref<1x256xi32, #tpu.memory_space<hbm>>
        %dma_start3A_276 = tpu.memref_slice %run_scoped3A_7[%rem3A_267] : memref<2x!tpu.dma_semaphore, #tpu.memory_space<semaphore_mem>> -> memref<1x!tpu.dma_semaphore, #tpu.memory_space<semaphore_mem>>
        %dma_start3A_277 = tpu.memref_squeeze %dma_start3A_276 : memref<1x!tpu.dma_semaphore, #tpu.memory_space<semaphore_mem>> -> memref<!tpu.dma_semaphore, #tpu.memory_space<semaphore_mem>>
        %dma_start3A_278 = arith.constant 0 : i32
        %dma_start3A_279 = arith.constant 0 : i32
        %dma_start3A_280 = tpu.memref_slice %run_scoped3A[%rem3A_267, %dma_start3A_278, %dma_start3A_279] : memref<2x1x256xi32, #tpu.memory_space<vmem>> -> memref<1x1x256xi32, #tpu.memory_space<vmem>>
        %dma_start3A_281 = tpu.memref_squeeze %dma_start3A_280 : memref<1x1x256xi32, #tpu.memory_space<vmem>> -> memref<1x256xi32, #tpu.memory_space<vmem>>
        %dma_start3A_282 = arith.constant 0 : i32
        %dma_start3A_283 = tpu.memref_slice %arg3[%dma_start3A_282, %mul3A_269] : memref<1x8192xi32, #tpu.memory_space<hbm>> -> memref<1x256xi32, #tpu.memory_space<hbm>>
        tpu.enqueue_dma source(%dma_start3A_283 : memref<1x256xi32, #tpu.memory_space<hbm>>) target(%dma_start3A_281 : memref<1x256xi32, #tpu.memory_space<vmem>>) target_semaphore(%dma_start3A_277 : memref<!tpu.dma_semaphore, #tpu.memory_space<semaphore_mem>>)
        "tpu.trace_stop"() : () -> ()
      } else {
      }
      %and3A_107 = arith.constant true
      %and3A_108 = arith.andi %and3A, %and3A_107 : i1
      %add3A_109 = arith.constant 1 : i32
      %add3A_110 = arith.addi %select_n3A_62, %add3A_109 : i32
      %select_n3A_111 = arith.select %and3A_108, %add3A_110, %select_n3A_62 : i32
      %ne3A_112 = arith.cmpi ne, %add3A_72, %add3A_92 : i32
      %or3A_113 = arith.constant false
      %or3A_114 = arith.ori %or3A_113, %ne3A_112 : i1
      %or3A_115 = arith.constant false
      %or3A_116 = arith.ori %or3A_114, %or3A_115 : i1
      %ge3A_117 = arith.constant 0 : i32
      %ge3A_118 = arith.cmpi sge, %scan3A_66, %ge3A_117 : i32
      %not3A_119 = arith.constant true
      %not3A_120 = arith.xori %ge3A_118, %not3A_119 : i1
      %and3A_121 = arith.andi %or3A_116, %not3A_120 : i1
      %ne3A_122 = arith.cmpi ne, %add3A_72, %add3A_82 : i32
      %or3A_123 = arith.constant false
      %or3A_124 = arith.ori %or3A_123, %ne3A_122 : i1
      %or3A_125 = arith.ori %or3A_124, %eq3A_68 : i1
      %convert_element_type3A_126 = arith.extui %or3A_125 : i1 to i32
      %cond3A_127 = arith.constant 0 : i32
      %cond3A_128 = arith.cmpi ne, %convert_element_type3A_126, %cond3A_127 : i32
      scf.if %cond3A_128 {
        "tpu.trace_start"() <{level = 10 : i32, message = "ep_wait_in"}> : () -> ()
        %mul3A_266 = arith.constant 256 : i32
        %mul3A_267 = arith.muli %mul3A_266, %add3A_72 : i32
        %rem3A_268 = arith.constant 2 : i32
        %rem3A_269 = arith.remui %scan3A, %rem3A_268 : i32
        %dma_wait3A_270 = arith.constant 0 : i32
        %dma_wait3A_271 = arith.constant 0 : i32
        %dma_wait3A_272 = tpu.memref_slice %run_scoped3A[%rem3A_269, %dma_wait3A_270, %dma_wait3A_271] : memref<2x1x256xi32, #tpu.memory_space<vmem>> -> memref<1x1x256xi32, #tpu.memory_space<vmem>>
        %dma_wait3A_273 = tpu.memref_squeeze %dma_wait3A_272 : memref<1x1x256xi32, #tpu.memory_space<vmem>> -> memref<1x256xi32, #tpu.memory_space<vmem>>
        %dma_wait3A_274 = arith.constant 0 : i32
        %dma_wait3A_275 = tpu.memref_slice %arg3[%dma_wait3A_274, %mul3A_267] : memref<1x8192xi32, #tpu.memory_space<hbm>> -> memref<1x256xi32, #tpu.memory_space<hbm>>
        %dma_wait3A_276 = tpu.memref_slice %run_scoped3A_7[%rem3A_269] : memref<2x!tpu.dma_semaphore, #tpu.memory_space<semaphore_mem>> -> memref<1x!tpu.dma_semaphore, #tpu.memory_space<semaphore_mem>>
        %dma_wait3A_277 = tpu.memref_squeeze %dma_wait3A_276 : memref<1x!tpu.dma_semaphore, #tpu.memory_space<semaphore_mem>> -> memref<!tpu.dma_semaphore, #tpu.memory_space<semaphore_mem>>
        %dma_wait3A_278 = arith.constant 0 : i32
        %dma_wait3A_279 = arith.constant 0 : i32
        %dma_wait3A_280 = tpu.memref_slice %run_scoped3A[%rem3A_269, %dma_wait3A_278, %dma_wait3A_279] : memref<2x1x256xi32, #tpu.memory_space<vmem>> -> memref<1x1x256xi32, #tpu.memory_space<vmem>>
        %dma_wait3A_281 = tpu.memref_squeeze %dma_wait3A_280 : memref<1x1x256xi32, #tpu.memory_space<vmem>> -> memref<1x256xi32, #tpu.memory_space<vmem>>
        %dma_wait3A_282 = arith.constant 0 : i32
        %dma_wait3A_283 = tpu.memref_slice %arg3[%dma_wait3A_282, %mul3A_267] : memref<1x8192xi32, #tpu.memory_space<hbm>> -> memref<1x256xi32, #tpu.memory_space<hbm>>
        tpu.wait_dma2 semaphore(%dma_wait3A_277 : memref<!tpu.dma_semaphore, #tpu.memory_space<semaphore_mem>>) src(%dma_wait3A_283 : memref<1x256xi32, #tpu.memory_space<hbm>>) dst(%dma_wait3A_281 : memref<1x256xi32, #tpu.memory_space<vmem>>)
        "tpu.trace_stop"() : () -> ()
      } else {
      }
      %ne3A_129 = arith.cmpi ne, %add3A_72, %add3A_82 : i32
      %or3A_130 = arith.constant false
      %or3A_131 = arith.ori %or3A_130, %ne3A_129 : i1
      %or3A_132 = arith.constant false
      %or3A_133 = arith.ori %or3A_131, %or3A_132 : i1
      %or3A_134 = arith.ori %or3A_133, %eq3A_68 : i1
      %convert_element_type3A_135 = arith.extui %or3A_134 : i1 to i32
      %cond3A_136 = arith.constant 0 : i32
      %cond3A_137 = arith.cmpi ne, %convert_element_type3A_135, %cond3A_136 : i32
      scf.if %cond3A_137 {
      } else {
      }
      %rem3A_138 = arith.constant 2 : i32
      %rem3A_139 = arith.remui %scan3A, %rem3A_138 : i32
      %rem3A_140 = arith.constant 2 : i32
      %rem3A_141 = arith.remui %scan3A_63, %rem3A_140 : i32
      %run_scoped3A_142 = arith.constant 0 : i32
      "tpu.trace_start"() <{level = 10 : i32, message = "ep_run_kernel"}> : () -> ()
      "tpu.region"() ({
        %run_scoped3A_266 = tpu.sem_alloc : memref<!tpu.dma_semaphore, #tpu.memory_space<semaphore_mem>>
        %dma_start3A_267 = arith.constant 0 : i32
        %dma_start3A_268 = arith.constant 0 : i32
        %dma_start3A_269 = tpu.memref_slice %run_scoped3A_8[%rem3A_141, %dma_start3A_267, %dma_start3A_268] : memref<2x256x128xf32, #tpu.memory_space<vmem>> -> memref<1x256x128xf32, #tpu.memory_space<vmem>>
        %dma_start3A_270 = tpu.memref_squeeze %dma_start3A_269 : memref<1x256x128xf32, #tpu.memory_space<vmem>> -> memref<256x128xf32, #tpu.memory_space<vmem>>
        %dma_start3A_271 = arith.constant 0 : i32
        %dma_start3A_272 = arith.constant 0 : i32
        %dma_start3A_273 = tpu.memref_slice %run_scoped3A[%rem3A_139, %dma_start3A_271, %dma_start3A_272] : memref<2x1x256xi32, #tpu.memory_space<vmem>> -> memref<1x1x256xi32, #tpu.memory_space<vmem>>
        %dma_start3A_274 = tpu.memref_squeeze %dma_start3A_273 : memref<1x1x256xi32, #tpu.memory_space<vmem>> -> memref<1x256xi32, #tpu.memory_space<vmem>>
        %dma_start3A_275 = arith.constant 0 : i32
        %dma_start3A_276 = tpu.memref_slice %dma_start3A_274[%run_scoped3A_142, %dma_start3A_275] : memref<1x256xi32, #tpu.memory_space<vmem>> -> memref<1x256xi32, #tpu.memory_space<vmem>>
        %dma_start3A_277 = tpu.memref_squeeze %dma_start3A_276 : memref<1x256xi32, #tpu.memory_space<vmem>> -> memref<256xi32, #tpu.memory_space<vmem>>
        %dma_start3A_278 = arith.constant 0 : i32
        %dma_start3A_279 = arith.constant 0 : i32
        %dma_start3A_280 = tpu.memref_slice %arg2[%dma_start3A_278, %dma_start3A_279] : memref<8192x128xf32, #tpu.memory_space<hbm>> -> memref<8192x128xf32, #tpu.memory_space<hbm>>
        tpu.enqueue_indirect_dma source(%dma_start3A_280 : memref<8192x128xf32, #tpu.memory_space<hbm>>) target(%dma_start3A_270 : memref<256x128xf32, #tpu.memory_space<vmem>>) offsets(%dma_start3A_277 : memref<256xi32, #tpu.memory_space<vmem>>) semaphore(%run_scoped3A_266 : memref<!tpu.dma_semaphore, #tpu.memory_space<semaphore_mem>>)
        %dma_wait3A_281 = arith.constant 0 : i32
        %dma_wait3A_282 = arith.constant 0 : i32
        %dma_wait3A_283 = tpu.memref_slice %run_scoped3A_8[%rem3A_141, %dma_wait3A_281, %dma_wait3A_282] : memref<2x256x128xf32, #tpu.memory_space<vmem>> -> memref<1x256x128xf32, #tpu.memory_space<vmem>>
        %dma_wait3A_284 = tpu.memref_squeeze %dma_wait3A_283 : memref<1x256x128xf32, #tpu.memory_space<vmem>> -> memref<256x128xf32, #tpu.memory_space<vmem>>
        %dma_wait3A_285 = arith.constant 0 : i32
        %dma_wait3A_286 = arith.constant 0 : i32
        %dma_wait3A_287 = tpu.memref_slice %run_scoped3A[%rem3A_139, %dma_wait3A_285, %dma_wait3A_286] : memref<2x1x256xi32, #tpu.memory_space<vmem>> -> memref<1x1x256xi32, #tpu.memory_space<vmem>>
        %dma_wait3A_288 = tpu.memref_squeeze %dma_wait3A_287 : memref<1x1x256xi32, #tpu.memory_space<vmem>> -> memref<1x256xi32, #tpu.memory_space<vmem>>
        %dma_wait3A_289 = arith.constant 0 : i32
        %dma_wait3A_290 = tpu.memref_slice %dma_wait3A_288[%run_scoped3A_142, %dma_wait3A_289] : memref<1x256xi32, #tpu.memory_space<vmem>> -> memref<1x256xi32, #tpu.memory_space<vmem>>
        %dma_wait3A_291 = tpu.memref_squeeze %dma_wait3A_290 : memref<1x256xi32, #tpu.memory_space<vmem>> -> memref<256xi32, #tpu.memory_space<vmem>>
        %dma_wait3A_292 = arith.constant 0 : i32
        %dma_wait3A_293 = arith.constant 0 : i32
        %dma_wait3A_294 = tpu.memref_slice %arg2[%dma_wait3A_292, %dma_wait3A_293] : memref<8192x128xf32, #tpu.memory_space<hbm>> -> memref<8192x128xf32, #tpu.memory_space<hbm>>
        tpu.wait_indirect_dma semaphore(%run_scoped3A_266 : memref<!tpu.dma_semaphore, #tpu.memory_space<semaphore_mem>>) src(%dma_wait3A_294 : memref<8192x128xf32, #tpu.memory_space<hbm>>) dst(%dma_wait3A_284 : memref<256x128xf32, #tpu.memory_space<vmem>>)
        tpu.yield
      }) : () -> ()
      "tpu.trace_stop"() : () -> ()
      %ne3A_143 = arith.cmpi ne, %add3A_72, %add3A_92 : i32
      %or3A_144 = arith.constant false
      %or3A_145 = arith.ori %or3A_144, %ne3A_143 : i1
      %or3A_146 = arith.ori %or3A_145, %eq3A_70 : i1
      %convert_element_type3A_147 = arith.extui %or3A_146 : i1 to i32
      %cond3A_148 = arith.constant 0 : i32
      %cond3A_149 = arith.cmpi ne, %convert_element_type3A_147, %cond3A_148 : i32
      scf.if %cond3A_149 {
      } else {
      }
      %and3A_150 = arith.constant false
      %and3A_151 = arith.andi %or3A_146, %and3A_150 : i1
      %ne3A_152 = arith.cmpi ne, %add3A_72, %add3A_92 : i32
      %or3A_153 = arith.constant false
      %or3A_154 = arith.ori %or3A_153, %ne3A_152 : i1
      %or3A_155 = arith.constant false
      %or3A_156 = arith.ori %or3A_154, %or3A_155 : i1
      %or3A_157 = arith.ori %or3A_156, %eq3A_70 : i1
      %convert_element_type3A_158 = arith.extui %or3A_157 : i1 to i32
      %cond3A_159 = arith.constant 0 : i32
      %cond3A_160 = arith.cmpi ne, %convert_element_type3A_158, %cond3A_159 : i32
      scf.if %cond3A_160 {
        "tpu.trace_start"() <{level = 10 : i32, message = "ep_copy_out"}> : () -> ()
        %rem3A_266 = arith.constant 2 : i32
        %rem3A_267 = arith.remui %scan3A_63, %rem3A_266 : i32
        %mul3A_268 = arith.constant 256 : i32
        %mul3A_269 = arith.muli %mul3A_268, %add3A_72 : i32
        %dma_start3A_270 = arith.constant 0 : i32
        %dma_start3A_271 = arith.constant 0 : i32
        %dma_start3A_272 = tpu.memref_slice %run_scoped3A_8[%rem3A_267, %dma_start3A_270, %dma_start3A_271] : memref<2x256x128xf32, #tpu.memory_space<vmem>> -> memref<1x256x128xf32, #tpu.memory_space<vmem>>
        %dma_start3A_273 = tpu.memref_squeeze %dma_start3A_272 : memref<1x256x128xf32, #tpu.memory_space<vmem>> -> memref<256x128xf32, #tpu.memory_space<vmem>>
        %dma_start3A_274 = arith.constant 0 : i32
        %dma_start3A_275 = tpu.memref_slice %arg4[%mul3A_269, %dma_start3A_274] : memref<8192x128xf32, #tpu.memory_space<hbm>> -> memref<256x128xf32, #tpu.memory_space<hbm>>
        %dma_start3A_276 = tpu.memref_slice %run_scoped3A_9[%rem3A_267] : memref<2x!tpu.dma_semaphore, #tpu.memory_space<semaphore_mem>> -> memref<1x!tpu.dma_semaphore, #tpu.memory_space<semaphore_mem>>
        %dma_start3A_277 = tpu.memref_squeeze %dma_start3A_276 : memref<1x!tpu.dma_semaphore, #tpu.memory_space<semaphore_mem>> -> memref<!tpu.dma_semaphore, #tpu.memory_space<semaphore_mem>>
        %dma_start3A_278 = arith.constant 0 : i32
        %dma_start3A_279 = tpu.memref_slice %arg4[%mul3A_269, %dma_start3A_278] : memref<8192x128xf32, #tpu.memory_space<hbm>> -> memref<256x128xf32, #tpu.memory_space<hbm>>
        %dma_start3A_280 = arith.constant 0 : i32
        %dma_start3A_281 = arith.constant 0 : i32
        %dma_start3A_282 = tpu.memref_slice %run_scoped3A_8[%rem3A_267, %dma_start3A_280, %dma_start3A_281] : memref<2x256x128xf32, #tpu.memory_space<vmem>> -> memref<1x256x128xf32, #tpu.memory_space<vmem>>
        %dma_start3A_283 = tpu.memref_squeeze %dma_start3A_282 : memref<1x256x128xf32, #tpu.memory_space<vmem>> -> memref<256x128xf32, #tpu.memory_space<vmem>>
        tpu.enqueue_dma source(%dma_start3A_283 : memref<256x128xf32, #tpu.memory_space<vmem>>) target(%dma_start3A_279 : memref<256x128xf32, #tpu.memory_space<hbm>>) target_semaphore(%dma_start3A_277 : memref<!tpu.dma_semaphore, #tpu.memory_space<semaphore_mem>>)
        "tpu.trace_stop"() : () -> ()
      } else {
      }
      %and3A_161 = arith.constant true
      %and3A_162 = arith.andi %or3A_157, %and3A_161 : i1
      %add3A_163 = arith.constant 1 : i32
      %add3A_164 = arith.addi %scan3A_63, %add3A_163 : i32
      %select_n3A_165 = arith.select %and3A_162, %add3A_164, %scan3A_63 : i32
      %ne3A_166 = arith.cmpi ne, %add3A_72, %add3A_82 : i32
      %or3A_167 = arith.constant false
      %or3A_168 = arith.ori %or3A_167, %ne3A_166 : i1
      %not3A_169 = arith.constant true
      %not3A_170 = arith.xori %eq3A_68, %not3A_169 : i1
      %and3A_171 = arith.andi %or3A_168, %not3A_170 : i1
      %convert_element_type3A_172 = arith.extui %and3A_171 : i1 to i32
      %cond3A_173 = arith.constant 0 : i32
      %cond3A_174 = arith.cmpi ne, %convert_element_type3A_172, %cond3A_173 : i32
      scf.if %cond3A_174 {
      } else {
      }
      %and3A_175 = arith.constant false
      %and3A_176 = arith.andi %and3A_171, %and3A_175 : i1
      %ne3A_177 = arith.cmpi ne, %add3A_72, %add3A_82 : i32
      %or3A_178 = arith.constant false
      %or3A_179 = arith.ori %or3A_178, %ne3A_177 : i1
      %or3A_180 = arith.constant false
      %or3A_181 = arith.ori %or3A_179, %or3A_180 : i1
      %not3A_182 = arith.constant true
      %not3A_183 = arith.xori %eq3A_68, %not3A_182 : i1
      %and3A_184 = arith.andi %or3A_181, %not3A_183 : i1
      %convert_element_type3A_185 = arith.extui %and3A_184 : i1 to i32
      %cond3A_186 = arith.constant 0 : i32
      %cond3A_187 = arith.cmpi ne, %convert_element_type3A_185, %cond3A_186 : i32
      scf.if %cond3A_187 {
        "tpu.trace_start"() <{level = 10 : i32, message = "ep_wait_out"}> : () -> ()
        %rem3A_266 = arith.constant 2 : i32
        %rem3A_267 = arith.remui %scan3A_64, %rem3A_266 : i32
        %mul3A_268 = arith.constant 256 : i32
        %mul3A_269 = arith.muli %mul3A_268, %add3A_82 : i32
        %dma_wait3A_270 = arith.constant 0 : i32
        %dma_wait3A_271 = arith.constant 0 : i32
        %dma_wait3A_272 = tpu.memref_slice %run_scoped3A_8[%rem3A_267, %dma_wait3A_270, %dma_wait3A_271] : memref<2x256x128xf32, #tpu.memory_space<vmem>> -> memref<1x256x128xf32, #tpu.memory_space<vmem>>
        %dma_wait3A_273 = tpu.memref_squeeze %dma_wait3A_272 : memref<1x256x128xf32, #tpu.memory_space<vmem>> -> memref<256x128xf32, #tpu.memory_space<vmem>>
        %dma_wait3A_274 = arith.constant 0 : i32
        %dma_wait3A_275 = tpu.memref_slice %arg4[%mul3A_269, %dma_wait3A_274] : memref<8192x128xf32, #tpu.memory_space<hbm>> -> memref<256x128xf32, #tpu.memory_space<hbm>>
        %dma_wait3A_276 = tpu.memref_slice %run_scoped3A_9[%rem3A_267] : memref<2x!tpu.dma_semaphore, #tpu.memory_space<semaphore_mem>> -> memref<1x!tpu.dma_semaphore, #tpu.memory_space<semaphore_mem>>
        %dma_wait3A_277 = tpu.memref_squeeze %dma_wait3A_276 : memref<1x!tpu.dma_semaphore, #tpu.memory_space<semaphore_mem>> -> memref<!tpu.dma_semaphore, #tpu.memory_space<semaphore_mem>>
        %dma_wait3A_278 = arith.constant 0 : i32
        %dma_wait3A_279 = tpu.memref_slice %arg4[%mul3A_269, %dma_wait3A_278] : memref<8192x128xf32, #tpu.memory_space<hbm>> -> memref<256x128xf32, #tpu.memory_space<hbm>>
        %dma_wait3A_280 = arith.constant 0 : i32
        %dma_wait3A_281 = arith.constant 0 : i32
        %dma_wait3A_282 = tpu.memref_slice %run_scoped3A_8[%rem3A_267, %dma_wait3A_280, %dma_wait3A_281] : memref<2x256x128xf32, #tpu.memory_space<vmem>> -> memref<1x256x128xf32, #tpu.memory_space<vmem>>
        %dma_wait3A_283 = tpu.memref_squeeze %dma_wait3A_282 : memref<1x256x128xf32, #tpu.memory_space<vmem>> -> memref<256x128xf32, #tpu.memory_space<vmem>>
        tpu.wait_dma2 semaphore(%dma_wait3A_277 : memref<!tpu.dma_semaphore, #tpu.memory_space<semaphore_mem>>) src(%dma_wait3A_283 : memref<256x128xf32, #tpu.memory_space<vmem>>) dst(%dma_wait3A_279 : memref<256x128xf32, #tpu.memory_space<hbm>>)
        "tpu.trace_stop"() : () -> ()
      } else {
      }
      %and3A_188 = arith.constant true
      %and3A_189 = arith.andi %and3A_184, %and3A_188 : i1
      %add3A_190 = arith.constant 1 : i32
      %add3A_191 = arith.addi %scan3A_64, %add3A_190 : i32
      %select_n3A_192 = arith.select %and3A_189, %add3A_191, %scan3A_64 : i32
      %ne3A_193 = arith.cmpi ne, %add3A_72, %add3A_92 : i32
      %or3A_194 = arith.constant false
      %or3A_195 = arith.ori %or3A_194, %ne3A_193 : i1
      %or3A_196 = arith.ori %or3A_195, %eq3A_70 : i1
      %add3A_197 = arith.constant 1 : i32
      %add3A_198 = arith.addi %scan3A, %add3A_197 : i32
      %select_n3A_199 = arith.select %or3A_196, %add3A_198, %scan3A : i32
      %select_n3A_200 = arith.constant true
      %select_n3A_201 = arith.constant 0 : i32
      %select_n3A_202 = arith.constant 1 : i32
      %select_n3A_203 = arith.select %select_n3A_200, %select_n3A_202, %select_n3A_201 : i32
      %eq3A_204 = arith.constant 1 : i32
      %eq3A_205 = arith.cmpi eq, %select_n3A_203, %eq3A_204 : i32
      %select_n3A_206 = arith.constant 0 : i32
      %select_n3A_207 = arith.select %eq3A_205, %select_n3A_206, %select_n3A_203 : i32
      %scan3A_208 = arith.constant 0 : i32
      %scan3A_209 = arith.constant 1 : i32
      %sub3A = arith.constant 1 : i32
      %sub3A_210 = arith.subi %scan3A_208, %sub3A : i32
      %select_n3A_211 = arith.constant true
      %select_n3A_212 = arith.select %select_n3A_211, %sub3A_210, %scan3A_208 : i32
      %eq3A_213 = arith.constant -1 : i32
      %eq3A_214 = arith.cmpi eq, %select_n3A_212, %eq3A_213 : i32
      %select_n3A_215 = arith.constant 0 : i32
      %select_n3A_216 = arith.select %eq3A_214, %select_n3A_215, %select_n3A_212 : i32
      %add3A_217 = arith.constant 0 : i32
      %add3A_218 = arith.addi %add3A_217, %mul3A_6 : i32
      %select_n3A_219 = arith.constant true
      %select_n3A_220 = arith.constant 0 : i32
      %select_n3A_221 = arith.constant -1 : i32
      %select_n3A_222 = arith.select %select_n3A_219, %select_n3A_221, %select_n3A_220 : i32
      %eq3A_223 = arith.constant -1 : i32
      %eq3A_224 = arith.cmpi eq, %select_n3A_222, %eq3A_223 : i32
      %select_n3A_225 = arith.constant 0 : i32
      %select_n3A_226 = arith.select %eq3A_224, %select_n3A_225, %select_n3A_222 : i32
      %add3A_227 = arith.constant 0 : i32
      %add3A_228 = arith.addi %add3A_227, %mul3A_6 : i32
      %select_n3A_229 = arith.constant true
      %select_n3A_230 = arith.constant 0 : i32
      %select_n3A_231 = arith.constant 1 : i32
      %select_n3A_232 = arith.select %select_n3A_229, %select_n3A_231, %select_n3A_230 : i32
      %eq3A_233 = arith.constant 1 : i32
      %eq3A_234 = arith.cmpi eq, %select_n3A_232, %eq3A_233 : i32
      %select_n3A_235 = arith.constant 0 : i32
      %select_n3A_236 = arith.select %eq3A_234, %select_n3A_235, %select_n3A_232 : i32
      %add3A_237 = arith.constant 0 : i32
      %add3A_238 = arith.addi %add3A_237, %mul3A_6 : i32
      %select_n3A_239 = arith.constant true
      %select_n3A_240 = arith.constant 0 : i32
      %select_n3A_241 = arith.constant 1 : i32
      %select_n3A_242 = arith.select %select_n3A_239, %select_n3A_241, %select_n3A_240 : i32
      %eq3A_243 = arith.constant 1 : i32
      %eq3A_244 = arith.cmpi eq, %select_n3A_242, %eq3A_243 : i32
      %select_n3A_245 = arith.constant 0 : i32
      %select_n3A_246 = arith.select %eq3A_244, %select_n3A_245, %select_n3A_242 : i32
      %add3A_247 = arith.constant 0 : i32
      %add3A_248 = arith.addi %add3A_247, %mul3A_6 : i32
      "tpu.trace_start"() <{level = 10 : i32, message = "ep_finalize"}> : () -> ()
      %rem3A_249 = arith.constant 2 : i32
      %rem3A_250 = arith.remui %select_n3A_192, %rem3A_249 : i32
      %mul3A_251 = arith.constant 256 : i32
      %mul3A_252 = arith.muli %mul3A_251, %add3A_218 : i32
      %dma_wait3A = arith.constant 0 : i32
      %dma_wait3A_253 = arith.constant 0 : i32
      %dma_wait3A_254 = tpu.memref_slice %run_scoped3A_8[%rem3A_250, %dma_wait3A, %dma_wait3A_253] : memref<2x256x128xf32, #tpu.memory_space<vmem>> -> memref<1x256x128xf32, #tpu.memory_space<vmem>>
      %dma_wait3A_255 = tpu.memref_squeeze %dma_wait3A_254 : memref<1x256x128xf32, #tpu.memory_space<vmem>> -> memref<256x128xf32, #tpu.memory_space<vmem>>
      %dma_wait3A_256 = arith.constant 0 : i32
      %dma_wait3A_257 = tpu.memref_slice %arg4[%mul3A_252, %dma_wait3A_256] : memref<8192x128xf32, #tpu.memory_space<hbm>> -> memref<256x128xf32, #tpu.memory_space<hbm>>
      %dma_wait3A_258 = tpu.memref_slice %run_scoped3A_9[%rem3A_250] : memref<2x!tpu.dma_semaphore, #tpu.memory_space<semaphore_mem>> -> memref<1x!tpu.dma_semaphore, #tpu.memory_space<semaphore_mem>>
      %dma_wait3A_259 = tpu.memref_squeeze %dma_wait3A_258 : memref<1x!tpu.dma_semaphore, #tpu.memory_space<semaphore_mem>> -> memref<!tpu.dma_semaphore, #tpu.memory_space<semaphore_mem>>
      %dma_wait3A_260 = arith.constant 0 : i32
      %dma_wait3A_261 = tpu.memref_slice %arg4[%mul3A_252, %dma_wait3A_260] : memref<8192x128xf32, #tpu.memory_space<hbm>> -> memref<256x128xf32, #tpu.memory_space<hbm>>
      %dma_wait3A_262 = arith.constant 0 : i32
      %dma_wait3A_263 = arith.constant 0 : i32
      %dma_wait3A_264 = tpu.memref_slice %run_scoped3A_8[%rem3A_250, %dma_wait3A_262, %dma_wait3A_263] : memref<2x256x128xf32, #tpu.memory_space<vmem>> -> memref<1x256x128xf32, #tpu.memory_space<vmem>>
      %dma_wait3A_265 = tpu.memref_squeeze %dma_wait3A_264 : memref<1x256x128xf32, #tpu.memory_space<vmem>> -> memref<256x128xf32, #tpu.memory_space<vmem>>
      tpu.wait_dma2 semaphore(%dma_wait3A_259 : memref<!tpu.dma_semaphore, #tpu.memory_space<semaphore_mem>>) src(%dma_wait3A_265 : memref<256x128xf32, #tpu.memory_space<vmem>>) dst(%dma_wait3A_261 : memref<256x128xf32, #tpu.memory_space<hbm>>)
      "tpu.trace_stop"() : () -> ()
      tpu.yield
    }) : () -> ()
    return
  }
}

module attributes {stable_mosaic.version = 14 : i64} {
  func.func @_vq_body(%arg0: i32, %arg1: memref<512x128xf32, #tpu.memory_space<vmem>>, %arg2: memref<512x1xf32, #tpu.memory_space<vmem>>, %arg3: memref<8192x128xf32, #tpu.memory_space<vmem>>, %arg4: memref<1x8192xf32, #tpu.memory_space<vmem>>, %arg5: memref<512xi32, #tpu.memory_space<vmem>>, %arg6: memref<512xf32, #tpu.memory_space<vmem>>) attributes {dimension_semantics = [#tpu.dimension_semantics<parallel>], iteration_bounds = array<i64: 16>, scalar_prefetch = 0 : i64, scratch_operands = 0 : i64, tpu.core_type = #tpu.core_type<tc>, window_params = [{transform_indices = @transform_0, window_bounds = array<i64: 512, 128>}, {transform_indices = @transform_1, window_bounds = array<i64: 512, 1>}, {pipeline_mode = #tpu.pipeline_mode<synchronous>, transform_indices = @transform_2, window_bounds = array<i64: 8192, 128>}, {pipeline_mode = #tpu.pipeline_mode<synchronous>, transform_indices = @transform_3, window_bounds = array<i64: 1, 8192>}, {transform_indices = @transform_4, window_bounds = array<i64: 512>}, {transform_indices = @transform_5, window_bounds = array<i64: 512>}]} {
    %get3A = arith.constant 0 : index
    %get3A_0 = arith.constant 0 : index
    %get3A_1 = vector.load %arg1[%get3A, %get3A_0] : memref<512x128xf32, #tpu.memory_space<vmem>>, vector<512x128xf32>
    %broadcast_in_dim3A = arith.constant 0x7F800000 : f32
    %broadcast_in_dim3A_2 = vector.broadcast %broadcast_in_dim3A : f32 to vector<512xf32>
    %broadcast_in_dim3A_3 = arith.constant 0 : i32
    %broadcast_in_dim3A_4 = vector.broadcast %broadcast_in_dim3A_3 : i32 to vector<512xi32>
    %get3A_5 = arith.constant 0 : index
    %get3A_6 = arith.constant 0 : index
    %get3A_7 = vector.load %arg3[%get3A_5, %get3A_6] : memref<8192x128xf32, #tpu.memory_space<vmem>>, vector<4096x128xf32>
    %dot_general3A = arith.constant dense<0.000000e+00> : vector<512x4096xf32>
    %dot_general3A_8 = tpu.matmul %get3A_1, %get3A_7, %dot_general3A {dimension_numbers = #tpu.dot_dimension_numbers<[1], [1], [0], [0], [0, 0, 1, 0], [], []>, transpose_lhs_hint = false} : vector<512x128xf32>, vector<4096x128xf32>, vector<512x4096xf32> -> vector<512x4096xf32>
    %get3A_9 = arith.constant 0 : index
    %get3A_10 = arith.constant 0 : index
    %get3A_11 = vector.load %arg2[%get3A_9, %get3A_10] : memref<512x1xf32, #tpu.memory_space<vmem>>, vector<512x1xf32>
    %add3A = vector.broadcast %get3A_11 : vector<512x1xf32> to vector<512x4096xf32>
    %add3A_12 = arith.addf %add3A, %dot_general3A_8 : vector<512x4096xf32>
    %get3A_13 = arith.constant 0 : index
    %get3A_14 = arith.constant 0 : index
    %get3A_15 = vector.load %arg4[%get3A_13, %get3A_14] : memref<1x8192xf32, #tpu.memory_space<vmem>>, vector<1x4096xf32>
    %add3A_16 = vector.broadcast %get3A_15 : vector<1x4096xf32> to vector<512x4096xf32>
    %add3A_17 = arith.addf %add3A_12, %add3A_16 : vector<512x4096xf32>
    %reduce_min3A = arith.constant dense<0x7F800000> : vector<512xf32>
    %reduce_min3A_18 = vector.multi_reduction <minimumf>, %add3A_17, %reduce_min3A [1] : vector<512x4096xf32> to vector<512xf32>
    %iota3A = tpu.iota {dimensions = array<i32: 1>} : vector<512x4096xi32>
    %broadcast_in_dim3A_19 = vector.shape_cast %reduce_min3A_18 : vector<512xf32> to vector<512x1xf32>
    %eq3A = vector.broadcast %broadcast_in_dim3A_19 : vector<512x1xf32> to vector<512x4096xf32>
    %eq3A_20 = arith.cmpf oeq, %add3A_17, %eq3A : vector<512x4096xf32>
    %jit3A = arith.constant 4096 : i32
    %broadcast_in_dim3A_21 = vector.broadcast %jit3A : i32 to vector<512x4096xi32>
    %select_n3A = arith.select %eq3A_20, %iota3A, %broadcast_in_dim3A_21 : vector<512x4096xi1>, vector<512x4096xi32>
    %reduce_min3A_22 = arith.constant dense<2147483647> : vector<512xi32>
    %reduce_min3A_23 = vector.multi_reduction <minsi>, %select_n3A, %reduce_min3A_22 [1] : vector<512x4096xi32> to vector<512xi32>
    %add3A_24 = arith.constant 0 : i32
    %add3A_25 = vector.broadcast %add3A_24 : i32 to vector<512xi32>
    %add3A_26 = arith.addi %reduce_min3A_23, %add3A_25 : vector<512xi32>
    %lt3A = arith.cmpf olt, %reduce_min3A_18, %broadcast_in_dim3A_2 : vector<512xf32>
    %select_n3A_27 = arith.select %lt3A, %add3A_26, %broadcast_in_dim3A_4 : vector<512xi1>, vector<512xi32>
    %select_n3A_28 = arith.select %lt3A, %reduce_min3A_18, %broadcast_in_dim3A_2 : vector<512xi1>, vector<512xf32>
    %get3A_29 = arith.constant 4096 : index
    %get3A_30 = arith.constant 0 : index
    %get3A_31 = vector.load %arg3[%get3A_29, %get3A_30] : memref<8192x128xf32, #tpu.memory_space<vmem>>, vector<4096x128xf32>
    %dot_general3A_32 = arith.constant dense<0.000000e+00> : vector<512x4096xf32>
    %dot_general3A_33 = tpu.matmul %get3A_1, %get3A_31, %dot_general3A_32 {dimension_numbers = #tpu.dot_dimension_numbers<[1], [1], [0], [0], [0, 0, 1, 0], [], []>, transpose_lhs_hint = false} : vector<512x128xf32>, vector<4096x128xf32>, vector<512x4096xf32> -> vector<512x4096xf32>
    %get3A_34 = arith.constant 0 : index
    %get3A_35 = arith.constant 0 : index
    %get3A_36 = vector.load %arg2[%get3A_34, %get3A_35] : memref<512x1xf32, #tpu.memory_space<vmem>>, vector<512x1xf32>
    %add3A_37 = vector.broadcast %get3A_36 : vector<512x1xf32> to vector<512x4096xf32>
    %add3A_38 = arith.addf %add3A_37, %dot_general3A_33 : vector<512x4096xf32>
    %get3A_39 = arith.constant 0 : index
    %get3A_40 = arith.constant 4096 : index
    %get3A_41 = vector.load %arg4[%get3A_39, %get3A_40] : memref<1x8192xf32, #tpu.memory_space<vmem>>, vector<1x4096xf32>
    %add3A_42 = vector.broadcast %get3A_41 : vector<1x4096xf32> to vector<512x4096xf32>
    %add3A_43 = arith.addf %add3A_38, %add3A_42 : vector<512x4096xf32>
    %reduce_min3A_44 = arith.constant dense<0x7F800000> : vector<512xf32>
    %reduce_min3A_45 = vector.multi_reduction <minimumf>, %add3A_43, %reduce_min3A_44 [1] : vector<512x4096xf32> to vector<512xf32>
    %iota3A_46 = tpu.iota {dimensions = array<i32: 1>} : vector<512x4096xi32>
    %broadcast_in_dim3A_47 = vector.shape_cast %reduce_min3A_45 : vector<512xf32> to vector<512x1xf32>
    %eq3A_48 = vector.broadcast %broadcast_in_dim3A_47 : vector<512x1xf32> to vector<512x4096xf32>
    %eq3A_49 = arith.cmpf oeq, %add3A_43, %eq3A_48 : vector<512x4096xf32>
    %jit3A_50 = arith.constant 4096 : i32
    %broadcast_in_dim3A_51 = vector.broadcast %jit3A_50 : i32 to vector<512x4096xi32>
    %select_n3A_52 = arith.select %eq3A_49, %iota3A_46, %broadcast_in_dim3A_51 : vector<512x4096xi1>, vector<512x4096xi32>
    %reduce_min3A_53 = arith.constant dense<2147483647> : vector<512xi32>
    %reduce_min3A_54 = vector.multi_reduction <minsi>, %select_n3A_52, %reduce_min3A_53 [1] : vector<512x4096xi32> to vector<512xi32>
    %add3A_55 = arith.constant 4096 : i32
    %add3A_56 = vector.broadcast %add3A_55 : i32 to vector<512xi32>
    %add3A_57 = arith.addi %reduce_min3A_54, %add3A_56 : vector<512xi32>
    %lt3A_58 = arith.cmpf olt, %reduce_min3A_45, %select_n3A_28 : vector<512xf32>
    %select_n3A_59 = arith.select %lt3A_58, %add3A_57, %select_n3A_27 : vector<512xi1>, vector<512xi32>
    %select_n3A_60 = arith.select %lt3A_58, %reduce_min3A_45, %select_n3A_28 : vector<512xi1>, vector<512xf32>
    %swap3A = arith.constant 0 : index
    %swap3A_61 = vector.load %arg5[%swap3A] : memref<512xi32, #tpu.memory_space<vmem>>, vector<512xi32>
    tpu.vector_store %arg5[%swap3A], %select_n3A_59 {strides = array<i32>} : memref<512xi32, #tpu.memory_space<vmem>>, vector<512xi32>,
    %swap3A_62 = arith.constant 0 : index
    %swap3A_63 = vector.load %arg6[%swap3A_62] : memref<512xf32, #tpu.memory_space<vmem>>, vector<512xf32>
    tpu.vector_store %arg6[%swap3A_62], %select_n3A_60 {strides = array<i32>} : memref<512xf32, #tpu.memory_space<vmem>>, vector<512xf32>,
    return
  }
  func.func @transform_0(%arg0: i32) -> (i32, i32) {
    %add3A = arith.constant 0 : i32
    %add3A_0 = arith.addi %arg0, %add3A : i32
    %c0_i32 = arith.constant 0 : i32
    %c0_i32_1 = arith.constant 0 : i32
    return %add3A_0, %c0_i32 : i32, i32
  }
  func.func @transform_1(%arg0: i32) -> (i32, i32) {
    %add3A = arith.constant 0 : i32
    %add3A_0 = arith.addi %arg0, %add3A : i32
    %c0_i32 = arith.constant 0 : i32
    %c0_i32_1 = arith.constant 0 : i32
    return %add3A_0, %c0_i32 : i32, i32
  }
  func.func @transform_2(%arg0: i32) -> (i32, i32) {
    %c0_i32 = arith.constant 0 : i32
    %c0_i32_0 = arith.constant 0 : i32
    %c0_i32_1 = arith.constant 0 : i32
    return %c0_i32, %c0_i32_0 : i32, i32
  }
  func.func @transform_3(%arg0: i32) -> (i32, i32) {
    %c0_i32 = arith.constant 0 : i32
    %c0_i32_0 = arith.constant 0 : i32
    %c0_i32_1 = arith.constant 0 : i32
    return %c0_i32, %c0_i32_0 : i32, i32
  }
  func.func @transform_4(%arg0: i32) -> i32 {
    %c0_i32 = arith.constant 0 : i32
    return %arg0 : i32
  }
  func.func @transform_5(%arg0: i32) -> i32 {
    %c0_i32 = arith.constant 0 : i32
    return %arg0 : i32
  }
}

module attributes {stable_mosaic.version = 14 : i64} {
  func.func @_vq_body(%arg0: i32, %arg1: memref<512x128xf32, #tpu.memory_space<vmem>>, %arg2: memref<512x1xf32, #tpu.memory_space<vmem>>, %arg3: memref<8192x128xf32, #tpu.memory_space<vmem>>, %arg4: memref<1x8192xf32, #tpu.memory_space<vmem>>, %arg5: memref<512xi32, #tpu.memory_space<vmem>>, %arg6: memref<512xf32, #tpu.memory_space<vmem>>) attributes {dimension_semantics = [#tpu.dimension_semantics<parallel>], iteration_bounds = array<i64: 16>, scalar_prefetch = 0 : i64, scratch_operands = 0 : i64, tpu.core_type = #tpu.core_type<tc>, window_params = [{transform_indices = @transform_0, window_bounds = array<i64: 512, 128>}, {transform_indices = @transform_1, window_bounds = array<i64: 512, 1>}, {pipeline_mode = #tpu.pipeline_mode<synchronous>, transform_indices = @transform_2, window_bounds = array<i64: 8192, 128>}, {pipeline_mode = #tpu.pipeline_mode<synchronous>, transform_indices = @transform_3, window_bounds = array<i64: 1, 8192>}, {transform_indices = @transform_4, window_bounds = array<i64: 512>}, {transform_indices = @transform_5, window_bounds = array<i64: 512>}]} {
    %get3A = arith.constant 0 : index
    %get3A_0 = arith.constant 0 : index
    %get3A_1 = vector.load %arg1[%get3A, %get3A_0] : memref<512x128xf32, #tpu.memory_space<vmem>>, vector<512x128xf32>
    %broadcast_in_dim3A = arith.constant 0x7F800000 : f32
    %broadcast_in_dim3A_2 = vector.broadcast %broadcast_in_dim3A : f32 to vector<512xf32>
    %broadcast_in_dim3A_3 = arith.constant 0 : i32
    %broadcast_in_dim3A_4 = vector.broadcast %broadcast_in_dim3A_3 : i32 to vector<512xi32>
    %get3A_5 = arith.constant 0 : index
    %get3A_6 = arith.constant 0 : index
    %get3A_7 = vector.load %arg3[%get3A_5, %get3A_6] : memref<8192x128xf32, #tpu.memory_space<vmem>>, vector<4096x128xf32>
    %dot_general3A = arith.constant dense<0.000000e+00> : vector<512x4096xf32>
    %dot_general3A_8 = tpu.matmul %get3A_1, %get3A_7, %dot_general3A {dimension_numbers = #tpu.dot_dimension_numbers<[1], [1], [0], [0], [0, 0, 1, 0], [], []>, transpose_lhs_hint = false} : vector<512x128xf32>, vector<4096x128xf32>, vector<512x4096xf32> -> vector<512x4096xf32>
    %get3A_9 = arith.constant 0 : index
    %get3A_10 = arith.constant 0 : index
    %get3A_11 = vector.load %arg2[%get3A_9, %get3A_10] : memref<512x1xf32, #tpu.memory_space<vmem>>, vector<512x1xf32>
    %add3A = vector.broadcast %get3A_11 : vector<512x1xf32> to vector<512x4096xf32>
    %add3A_12 = arith.addf %add3A, %dot_general3A_8 : vector<512x4096xf32>
    %get3A_13 = arith.constant 0 : index
    %get3A_14 = arith.constant 0 : index
    %get3A_15 = vector.load %arg4[%get3A_13, %get3A_14] : memref<1x8192xf32, #tpu.memory_space<vmem>>, vector<1x4096xf32>
    %add3A_16 = vector.broadcast %get3A_15 : vector<1x4096xf32> to vector<512x4096xf32>
    %add3A_17 = arith.addf %add3A_12, %add3A_16 : vector<512x4096xf32>
    %reduce_min3A = arith.constant dense<0x7F800000> : vector<512xf32>
    %reduce_min3A_18 = vector.multi_reduction <minimumf>, %add3A_17, %reduce_min3A [1] : vector<512x4096xf32> to vector<512xf32>
    %iota3A = tpu.iota {dimensions = array<i32: 1>} : vector<512x4096xi32>
    %broadcast_in_dim3A_19 = vector.shape_cast %reduce_min3A_18 : vector<512xf32> to vector<512x1xf32>
    %eq3A = vector.broadcast %broadcast_in_dim3A_19 : vector<512x1xf32> to vector<512x4096xf32>
    %eq3A_20 = arith.cmpf oeq, %add3A_17, %eq3A : vector<512x4096xf32>
    %jit3A = arith.constant 4096 : i32
    %broadcast_in_dim3A_21 = vector.broadcast %jit3A : i32 to vector<512x4096xi32>
    %select_n3A = arith.select %eq3A_20, %iota3A, %broadcast_in_dim3A_21 : vector<512x4096xi1>, vector<512x4096xi32>
    %reduce_min3A_22 = arith.constant dense<2147483647> : vector<512xi32>
    %reduce_min3A_23 = vector.multi_reduction <minsi>, %select_n3A, %reduce_min3A_22 [1] : vector<512x4096xi32> to vector<512xi32>
    %add3A_24 = arith.constant 0 : i32
    %add3A_25 = vector.broadcast %add3A_24 : i32 to vector<512xi32>
    %add3A_26 = arith.addi %reduce_min3A_23, %add3A_25 : vector<512xi32>
    %lt3A = arith.cmpf olt, %reduce_min3A_18, %broadcast_in_dim3A_2 : vector<512xf32>
    %select_n3A_27 = arith.select %lt3A, %add3A_26, %broadcast_in_dim3A_4 : vector<512xi1>, vector<512xi32>
    %select_n3A_28 = arith.select %lt3A, %reduce_min3A_18, %broadcast_in_dim3A_2 : vector<512xi1>, vector<512xf32>
    %get3A_29 = arith.constant 4096 : index
    %get3A_30 = arith.constant 0 : index
    %get3A_31 = vector.load %arg3[%get3A_29, %get3A_30] : memref<8192x128xf32, #tpu.memory_space<vmem>>, vector<4096x128xf32>
    %dot_general3A_32 = arith.constant dense<0.000000e+00> : vector<512x4096xf32>
    %dot_general3A_33 = tpu.matmul %get3A_1, %get3A_31, %dot_general3A_32 {dimension_numbers = #tpu.dot_dimension_numbers<[1], [1], [0], [0], [0, 0, 1, 0], [], []>, transpose_lhs_hint = false} : vector<512x128xf32>, vector<4096x128xf32>, vector<512x4096xf32> -> vector<512x4096xf32>
    %get3A_34 = arith.constant 0 : index
    %get3A_35 = arith.constant 0 : index
    %get3A_36 = vector.load %arg2[%get3A_34, %get3A_35] : memref<512x1xf32, #tpu.memory_space<vmem>>, vector<512x1xf32>
    %add3A_37 = vector.broadcast %get3A_36 : vector<512x1xf32> to vector<512x4096xf32>
    %add3A_38 = arith.addf %add3A_37, %dot_general3A_33 : vector<512x4096xf32>
    %get3A_39 = arith.constant 0 : index
    %get3A_40 = arith.constant 4096 : index
    %get3A_41 = vector.load %arg4[%get3A_39, %get3A_40] : memref<1x8192xf32, #tpu.memory_space<vmem>>, vector<1x4096xf32>
    %add3A_42 = vector.broadcast %get3A_41 : vector<1x4096xf32> to vector<512x4096xf32>
    %add3A_43 = arith.addf %add3A_38, %add3A_42 : vector<512x4096xf32>
    %reduce_min3A_44 = arith.constant dense<0x7F800000> : vector<512xf32>
    %reduce_min3A_45 = vector.multi_reduction <minimumf>, %add3A_43, %reduce_min3A_44 [1] : vector<512x4096xf32> to vector<512xf32>
    %iota3A_46 = tpu.iota {dimensions = array<i32: 1>} : vector<512x4096xi32>
    %broadcast_in_dim3A_47 = vector.shape_cast %reduce_min3A_45 : vector<512xf32> to vector<512x1xf32>
    %eq3A_48 = vector.broadcast %broadcast_in_dim3A_47 : vector<512x1xf32> to vector<512x4096xf32>
    %eq3A_49 = arith.cmpf oeq, %add3A_43, %eq3A_48 : vector<512x4096xf32>
    %jit3A_50 = arith.constant 4096 : i32
    %broadcast_in_dim3A_51 = vector.broadcast %jit3A_50 : i32 to vector<512x4096xi32>
    %select_n3A_52 = arith.select %eq3A_49, %iota3A_46, %broadcast_in_dim3A_51 : vector<512x4096xi1>, vector<512x4096xi32>
    %reduce_min3A_53 = arith.constant dense<2147483647> : vector<512xi32>
    %reduce_min3A_54 = vector.multi_reduction <minsi>, %select_n3A_52, %reduce_min3A_53 [1] : vector<512x4096xi32> to vector<512xi32>
    %add3A_55 = arith.constant 4096 : i32
    %add3A_56 = vector.broadcast %add3A_55 : i32 to vector<512xi32>
    %add3A_57 = arith.addi %reduce_min3A_54, %add3A_56 : vector<512xi32>
    %lt3A_58 = arith.cmpf olt, %reduce_min3A_45, %select_n3A_28 : vector<512xf32>
    %select_n3A_59 = arith.select %lt3A_58, %add3A_57, %select_n3A_27 : vector<512xi1>, vector<512xi32>
    %select_n3A_60 = arith.select %lt3A_58, %reduce_min3A_45, %select_n3A_28 : vector<512xi1>, vector<512xf32>
    %swap3A = arith.constant 0 : index
    %swap3A_61 = vector.load %arg5[%swap3A] : memref<512xi32, #tpu.memory_space<vmem>>, vector<512xi32>
    tpu.vector_store %arg5[%swap3A], %select_n3A_59 {strides = array<i32>} : memref<512xi32, #tpu.memory_space<vmem>>, vector<512xi32>,
    %swap3A_62 = arith.constant 0 : index
    %swap3A_63 = vector.load %arg6[%swap3A_62] : memref<512xf32, #tpu.memory_space<vmem>>, vector<512xf32>
    tpu.vector_store %arg6[%swap3A_62], %select_n3A_60 {strides = array<i32>} : memref<512xf32, #tpu.memory_space<vmem>>, vector<512xf32>,
    return
  }
  func.func @transform_0(%arg0: i32) -> (i32, i32) {
    %add3A = arith.constant 48 : i32
    %add3A_0 = arith.addi %arg0, %add3A : i32
    %c0_i32 = arith.constant 0 : i32
    %c0_i32_1 = arith.constant 0 : i32
    return %add3A_0, %c0_i32 : i32, i32
  }
  func.func @transform_1(%arg0: i32) -> (i32, i32) {
    %add3A = arith.constant 48 : i32
    %add3A_0 = arith.addi %arg0, %add3A : i32
    %c0_i32 = arith.constant 0 : i32
    %c0_i32_1 = arith.constant 0 : i32
    return %add3A_0, %c0_i32 : i32, i32
  }
  func.func @transform_2(%arg0: i32) -> (i32, i32) {
    %c0_i32 = arith.constant 0 : i32
    %c0_i32_0 = arith.constant 0 : i32
    %c0_i32_1 = arith.constant 0 : i32
    return %c0_i32, %c0_i32_0 : i32, i32
  }
  func.func @transform_3(%arg0: i32) -> (i32, i32) {
    %c0_i32 = arith.constant 0 : i32
    %c0_i32_0 = arith.constant 0 : i32
    %c0_i32_1 = arith.constant 0 : i32
    return %c0_i32, %c0_i32_0 : i32, i32
  }
  func.func @transform_4(%arg0: i32) -> i32 {
    %c0_i32 = arith.constant 0 : i32
    return %arg0 : i32
  }
  func.func @transform_5(%arg0: i32) -> i32 {
    %c0_i32 = arith.constant 0 : i32
    return %arg0 : i32
  }
}

module attributes {stable_mosaic.version = 14 : i64} {
  func.func @_vq_body(%arg0: i32, %arg1: memref<512x128xf32, #tpu.memory_space<vmem>>, %arg2: memref<512x1xf32, #tpu.memory_space<vmem>>, %arg3: memref<8192x128xf32, #tpu.memory_space<vmem>>, %arg4: memref<1x8192xf32, #tpu.memory_space<vmem>>, %arg5: memref<512xi32, #tpu.memory_space<vmem>>, %arg6: memref<512xf32, #tpu.memory_space<vmem>>) attributes {dimension_semantics = [#tpu.dimension_semantics<parallel>], iteration_bounds = array<i64: 16>, scalar_prefetch = 0 : i64, scratch_operands = 0 : i64, tpu.core_type = #tpu.core_type<tc>, window_params = [{transform_indices = @transform_0, window_bounds = array<i64: 512, 128>}, {transform_indices = @transform_1, window_bounds = array<i64: 512, 1>}, {pipeline_mode = #tpu.pipeline_mode<synchronous>, transform_indices = @transform_2, window_bounds = array<i64: 8192, 128>}, {pipeline_mode = #tpu.pipeline_mode<synchronous>, transform_indices = @transform_3, window_bounds = array<i64: 1, 8192>}, {transform_indices = @transform_4, window_bounds = array<i64: 512>}, {transform_indices = @transform_5, window_bounds = array<i64: 512>}]} {
    %get3A = arith.constant 0 : index
    %get3A_0 = arith.constant 0 : index
    %get3A_1 = vector.load %arg1[%get3A, %get3A_0] : memref<512x128xf32, #tpu.memory_space<vmem>>, vector<512x128xf32>
    %broadcast_in_dim3A = arith.constant 0x7F800000 : f32
    %broadcast_in_dim3A_2 = vector.broadcast %broadcast_in_dim3A : f32 to vector<512xf32>
    %broadcast_in_dim3A_3 = arith.constant 0 : i32
    %broadcast_in_dim3A_4 = vector.broadcast %broadcast_in_dim3A_3 : i32 to vector<512xi32>
    %get3A_5 = arith.constant 0 : index
    %get3A_6 = arith.constant 0 : index
    %get3A_7 = vector.load %arg3[%get3A_5, %get3A_6] : memref<8192x128xf32, #tpu.memory_space<vmem>>, vector<4096x128xf32>
    %dot_general3A = arith.constant dense<0.000000e+00> : vector<512x4096xf32>
    %dot_general3A_8 = tpu.matmul %get3A_1, %get3A_7, %dot_general3A {dimension_numbers = #tpu.dot_dimension_numbers<[1], [1], [0], [0], [0, 0, 1, 0], [], []>, transpose_lhs_hint = false} : vector<512x128xf32>, vector<4096x128xf32>, vector<512x4096xf32> -> vector<512x4096xf32>
    %get3A_9 = arith.constant 0 : index
    %get3A_10 = arith.constant 0 : index
    %get3A_11 = vector.load %arg2[%get3A_9, %get3A_10] : memref<512x1xf32, #tpu.memory_space<vmem>>, vector<512x1xf32>
    %add3A = vector.broadcast %get3A_11 : vector<512x1xf32> to vector<512x4096xf32>
    %add3A_12 = arith.addf %add3A, %dot_general3A_8 : vector<512x4096xf32>
    %get3A_13 = arith.constant 0 : index
    %get3A_14 = arith.constant 0 : index
    %get3A_15 = vector.load %arg4[%get3A_13, %get3A_14] : memref<1x8192xf32, #tpu.memory_space<vmem>>, vector<1x4096xf32>
    %add3A_16 = vector.broadcast %get3A_15 : vector<1x4096xf32> to vector<512x4096xf32>
    %add3A_17 = arith.addf %add3A_12, %add3A_16 : vector<512x4096xf32>
    %reduce_min3A = arith.constant dense<0x7F800000> : vector<512xf32>
    %reduce_min3A_18 = vector.multi_reduction <minimumf>, %add3A_17, %reduce_min3A [1] : vector<512x4096xf32> to vector<512xf32>
    %iota3A = tpu.iota {dimensions = array<i32: 1>} : vector<512x4096xi32>
    %broadcast_in_dim3A_19 = vector.shape_cast %reduce_min3A_18 : vector<512xf32> to vector<512x1xf32>
    %eq3A = vector.broadcast %broadcast_in_dim3A_19 : vector<512x1xf32> to vector<512x4096xf32>
    %eq3A_20 = arith.cmpf oeq, %add3A_17, %eq3A : vector<512x4096xf32>
    %jit3A = arith.constant 4096 : i32
    %broadcast_in_dim3A_21 = vector.broadcast %jit3A : i32 to vector<512x4096xi32>
    %select_n3A = arith.select %eq3A_20, %iota3A, %broadcast_in_dim3A_21 : vector<512x4096xi1>, vector<512x4096xi32>
    %reduce_min3A_22 = arith.constant dense<2147483647> : vector<512xi32>
    %reduce_min3A_23 = vector.multi_reduction <minsi>, %select_n3A, %reduce_min3A_22 [1] : vector<512x4096xi32> to vector<512xi32>
    %add3A_24 = arith.constant 0 : i32
    %add3A_25 = vector.broadcast %add3A_24 : i32 to vector<512xi32>
    %add3A_26 = arith.addi %reduce_min3A_23, %add3A_25 : vector<512xi32>
    %lt3A = arith.cmpf olt, %reduce_min3A_18, %broadcast_in_dim3A_2 : vector<512xf32>
    %select_n3A_27 = arith.select %lt3A, %add3A_26, %broadcast_in_dim3A_4 : vector<512xi1>, vector<512xi32>
    %select_n3A_28 = arith.select %lt3A, %reduce_min3A_18, %broadcast_in_dim3A_2 : vector<512xi1>, vector<512xf32>
    %get3A_29 = arith.constant 4096 : index
    %get3A_30 = arith.constant 0 : index
    %get3A_31 = vector.load %arg3[%get3A_29, %get3A_30] : memref<8192x128xf32, #tpu.memory_space<vmem>>, vector<4096x128xf32>
    %dot_general3A_32 = arith.constant dense<0.000000e+00> : vector<512x4096xf32>
    %dot_general3A_33 = tpu.matmul %get3A_1, %get3A_31, %dot_general3A_32 {dimension_numbers = #tpu.dot_dimension_numbers<[1], [1], [0], [0], [0, 0, 1, 0], [], []>, transpose_lhs_hint = false} : vector<512x128xf32>, vector<4096x128xf32>, vector<512x4096xf32> -> vector<512x4096xf32>
    %get3A_34 = arith.constant 0 : index
    %get3A_35 = arith.constant 0 : index
    %get3A_36 = vector.load %arg2[%get3A_34, %get3A_35] : memref<512x1xf32, #tpu.memory_space<vmem>>, vector<512x1xf32>
    %add3A_37 = vector.broadcast %get3A_36 : vector<512x1xf32> to vector<512x4096xf32>
    %add3A_38 = arith.addf %add3A_37, %dot_general3A_33 : vector<512x4096xf32>
    %get3A_39 = arith.constant 0 : index
    %get3A_40 = arith.constant 4096 : index
    %get3A_41 = vector.load %arg4[%get3A_39, %get3A_40] : memref<1x8192xf32, #tpu.memory_space<vmem>>, vector<1x4096xf32>
    %add3A_42 = vector.broadcast %get3A_41 : vector<1x4096xf32> to vector<512x4096xf32>
    %add3A_43 = arith.addf %add3A_38, %add3A_42 : vector<512x4096xf32>
    %reduce_min3A_44 = arith.constant dense<0x7F800000> : vector<512xf32>
    %reduce_min3A_45 = vector.multi_reduction <minimumf>, %add3A_43, %reduce_min3A_44 [1] : vector<512x4096xf32> to vector<512xf32>
    %iota3A_46 = tpu.iota {dimensions = array<i32: 1>} : vector<512x4096xi32>
    %broadcast_in_dim3A_47 = vector.shape_cast %reduce_min3A_45 : vector<512xf32> to vector<512x1xf32>
    %eq3A_48 = vector.broadcast %broadcast_in_dim3A_47 : vector<512x1xf32> to vector<512x4096xf32>
    %eq3A_49 = arith.cmpf oeq, %add3A_43, %eq3A_48 : vector<512x4096xf32>
    %jit3A_50 = arith.constant 4096 : i32
    %broadcast_in_dim3A_51 = vector.broadcast %jit3A_50 : i32 to vector<512x4096xi32>
    %select_n3A_52 = arith.select %eq3A_49, %iota3A_46, %broadcast_in_dim3A_51 : vector<512x4096xi1>, vector<512x4096xi32>
    %reduce_min3A_53 = arith.constant dense<2147483647> : vector<512xi32>
    %reduce_min3A_54 = vector.multi_reduction <minsi>, %select_n3A_52, %reduce_min3A_53 [1] : vector<512x4096xi32> to vector<512xi32>
    %add3A_55 = arith.constant 4096 : i32
    %add3A_56 = vector.broadcast %add3A_55 : i32 to vector<512xi32>
    %add3A_57 = arith.addi %reduce_min3A_54, %add3A_56 : vector<512xi32>
    %lt3A_58 = arith.cmpf olt, %reduce_min3A_45, %select_n3A_28 : vector<512xf32>
    %select_n3A_59 = arith.select %lt3A_58, %add3A_57, %select_n3A_27 : vector<512xi1>, vector<512xi32>
    %select_n3A_60 = arith.select %lt3A_58, %reduce_min3A_45, %select_n3A_28 : vector<512xi1>, vector<512xf32>
    %swap3A = arith.constant 0 : index
    %swap3A_61 = vector.load %arg5[%swap3A] : memref<512xi32, #tpu.memory_space<vmem>>, vector<512xi32>
    tpu.vector_store %arg5[%swap3A], %select_n3A_59 {strides = array<i32>} : memref<512xi32, #tpu.memory_space<vmem>>, vector<512xi32>,
    %swap3A_62 = arith.constant 0 : index
    %swap3A_63 = vector.load %arg6[%swap3A_62] : memref<512xf32, #tpu.memory_space<vmem>>, vector<512xf32>
    tpu.vector_store %arg6[%swap3A_62], %select_n3A_60 {strides = array<i32>} : memref<512xf32, #tpu.memory_space<vmem>>, vector<512xf32>,
    return
  }
  func.func @transform_0(%arg0: i32) -> (i32, i32) {
    %add3A = arith.constant 32 : i32
    %add3A_0 = arith.addi %arg0, %add3A : i32
    %c0_i32 = arith.constant 0 : i32
    %c0_i32_1 = arith.constant 0 : i32
    return %add3A_0, %c0_i32 : i32, i32
  }
  func.func @transform_1(%arg0: i32) -> (i32, i32) {
    %add3A = arith.constant 32 : i32
    %add3A_0 = arith.addi %arg0, %add3A : i32
    %c0_i32 = arith.constant 0 : i32
    %c0_i32_1 = arith.constant 0 : i32
    return %add3A_0, %c0_i32 : i32, i32
  }
  func.func @transform_2(%arg0: i32) -> (i32, i32) {
    %c0_i32 = arith.constant 0 : i32
    %c0_i32_0 = arith.constant 0 : i32
    %c0_i32_1 = arith.constant 0 : i32
    return %c0_i32, %c0_i32_0 : i32, i32
  }
  func.func @transform_3(%arg0: i32) -> (i32, i32) {
    %c0_i32 = arith.constant 0 : i32
    %c0_i32_0 = arith.constant 0 : i32
    %c0_i32_1 = arith.constant 0 : i32
    return %c0_i32, %c0_i32_0 : i32, i32
  }
  func.func @transform_4(%arg0: i32) -> i32 {
    %c0_i32 = arith.constant 0 : i32
    return %arg0 : i32
  }
  func.func @transform_5(%arg0: i32) -> i32 {
    %c0_i32 = arith.constant 0 : i32
    return %arg0 : i32
  }
}

module attributes {stable_mosaic.version = 14 : i64} {
  func.func @_vq_body(%arg0: i32, %arg1: memref<512x128xf32, #tpu.memory_space<vmem>>, %arg2: memref<512x1xf32, #tpu.memory_space<vmem>>, %arg3: memref<8192x128xf32, #tpu.memory_space<vmem>>, %arg4: memref<1x8192xf32, #tpu.memory_space<vmem>>, %arg5: memref<512xi32, #tpu.memory_space<vmem>>, %arg6: memref<512xf32, #tpu.memory_space<vmem>>) attributes {dimension_semantics = [#tpu.dimension_semantics<parallel>], iteration_bounds = array<i64: 16>, scalar_prefetch = 0 : i64, scratch_operands = 0 : i64, tpu.core_type = #tpu.core_type<tc>, window_params = [{transform_indices = @transform_0, window_bounds = array<i64: 512, 128>}, {transform_indices = @transform_1, window_bounds = array<i64: 512, 1>}, {pipeline_mode = #tpu.pipeline_mode<synchronous>, transform_indices = @transform_2, window_bounds = array<i64: 8192, 128>}, {pipeline_mode = #tpu.pipeline_mode<synchronous>, transform_indices = @transform_3, window_bounds = array<i64: 1, 8192>}, {transform_indices = @transform_4, window_bounds = array<i64: 512>}, {transform_indices = @transform_5, window_bounds = array<i64: 512>}]} {
    %get3A = arith.constant 0 : index
    %get3A_0 = arith.constant 0 : index
    %get3A_1 = vector.load %arg1[%get3A, %get3A_0] : memref<512x128xf32, #tpu.memory_space<vmem>>, vector<512x128xf32>
    %broadcast_in_dim3A = arith.constant 0x7F800000 : f32
    %broadcast_in_dim3A_2 = vector.broadcast %broadcast_in_dim3A : f32 to vector<512xf32>
    %broadcast_in_dim3A_3 = arith.constant 0 : i32
    %broadcast_in_dim3A_4 = vector.broadcast %broadcast_in_dim3A_3 : i32 to vector<512xi32>
    %get3A_5 = arith.constant 0 : index
    %get3A_6 = arith.constant 0 : index
    %get3A_7 = vector.load %arg3[%get3A_5, %get3A_6] : memref<8192x128xf32, #tpu.memory_space<vmem>>, vector<4096x128xf32>
    %dot_general3A = arith.constant dense<0.000000e+00> : vector<512x4096xf32>
    %dot_general3A_8 = tpu.matmul %get3A_1, %get3A_7, %dot_general3A {dimension_numbers = #tpu.dot_dimension_numbers<[1], [1], [0], [0], [0, 0, 1, 0], [], []>, transpose_lhs_hint = false} : vector<512x128xf32>, vector<4096x128xf32>, vector<512x4096xf32> -> vector<512x4096xf32>
    %get3A_9 = arith.constant 0 : index
    %get3A_10 = arith.constant 0 : index
    %get3A_11 = vector.load %arg2[%get3A_9, %get3A_10] : memref<512x1xf32, #tpu.memory_space<vmem>>, vector<512x1xf32>
    %add3A = vector.broadcast %get3A_11 : vector<512x1xf32> to vector<512x4096xf32>
    %add3A_12 = arith.addf %add3A, %dot_general3A_8 : vector<512x4096xf32>
    %get3A_13 = arith.constant 0 : index
    %get3A_14 = arith.constant 0 : index
    %get3A_15 = vector.load %arg4[%get3A_13, %get3A_14] : memref<1x8192xf32, #tpu.memory_space<vmem>>, vector<1x4096xf32>
    %add3A_16 = vector.broadcast %get3A_15 : vector<1x4096xf32> to vector<512x4096xf32>
    %add3A_17 = arith.addf %add3A_12, %add3A_16 : vector<512x4096xf32>
    %reduce_min3A = arith.constant dense<0x7F800000> : vector<512xf32>
    %reduce_min3A_18 = vector.multi_reduction <minimumf>, %add3A_17, %reduce_min3A [1] : vector<512x4096xf32> to vector<512xf32>
    %iota3A = tpu.iota {dimensions = array<i32: 1>} : vector<512x4096xi32>
    %broadcast_in_dim3A_19 = vector.shape_cast %reduce_min3A_18 : vector<512xf32> to vector<512x1xf32>
    %eq3A = vector.broadcast %broadcast_in_dim3A_19 : vector<512x1xf32> to vector<512x4096xf32>
    %eq3A_20 = arith.cmpf oeq, %add3A_17, %eq3A : vector<512x4096xf32>
    %jit3A = arith.constant 4096 : i32
    %broadcast_in_dim3A_21 = vector.broadcast %jit3A : i32 to vector<512x4096xi32>
    %select_n3A = arith.select %eq3A_20, %iota3A, %broadcast_in_dim3A_21 : vector<512x4096xi1>, vector<512x4096xi32>
    %reduce_min3A_22 = arith.constant dense<2147483647> : vector<512xi32>
    %reduce_min3A_23 = vector.multi_reduction <minsi>, %select_n3A, %reduce_min3A_22 [1] : vector<512x4096xi32> to vector<512xi32>
    %add3A_24 = arith.constant 0 : i32
    %add3A_25 = vector.broadcast %add3A_24 : i32 to vector<512xi32>
    %add3A_26 = arith.addi %reduce_min3A_23, %add3A_25 : vector<512xi32>
    %lt3A = arith.cmpf olt, %reduce_min3A_18, %broadcast_in_dim3A_2 : vector<512xf32>
    %select_n3A_27 = arith.select %lt3A, %add3A_26, %broadcast_in_dim3A_4 : vector<512xi1>, vector<512xi32>
    %select_n3A_28 = arith.select %lt3A, %reduce_min3A_18, %broadcast_in_dim3A_2 : vector<512xi1>, vector<512xf32>
    %get3A_29 = arith.constant 4096 : index
    %get3A_30 = arith.constant 0 : index
    %get3A_31 = vector.load %arg3[%get3A_29, %get3A_30] : memref<8192x128xf32, #tpu.memory_space<vmem>>, vector<4096x128xf32>
    %dot_general3A_32 = arith.constant dense<0.000000e+00> : vector<512x4096xf32>
    %dot_general3A_33 = tpu.matmul %get3A_1, %get3A_31, %dot_general3A_32 {dimension_numbers = #tpu.dot_dimension_numbers<[1], [1], [0], [0], [0, 0, 1, 0], [], []>, transpose_lhs_hint = false} : vector<512x128xf32>, vector<4096x128xf32>, vector<512x4096xf32> -> vector<512x4096xf32>
    %get3A_34 = arith.constant 0 : index
    %get3A_35 = arith.constant 0 : index
    %get3A_36 = vector.load %arg2[%get3A_34, %get3A_35] : memref<512x1xf32, #tpu.memory_space<vmem>>, vector<512x1xf32>
    %add3A_37 = vector.broadcast %get3A_36 : vector<512x1xf32> to vector<512x4096xf32>
    %add3A_38 = arith.addf %add3A_37, %dot_general3A_33 : vector<512x4096xf32>
    %get3A_39 = arith.constant 0 : index
    %get3A_40 = arith.constant 4096 : index
    %get3A_41 = vector.load %arg4[%get3A_39, %get3A_40] : memref<1x8192xf32, #tpu.memory_space<vmem>>, vector<1x4096xf32>
    %add3A_42 = vector.broadcast %get3A_41 : vector<1x4096xf32> to vector<512x4096xf32>
    %add3A_43 = arith.addf %add3A_38, %add3A_42 : vector<512x4096xf32>
    %reduce_min3A_44 = arith.constant dense<0x7F800000> : vector<512xf32>
    %reduce_min3A_45 = vector.multi_reduction <minimumf>, %add3A_43, %reduce_min3A_44 [1] : vector<512x4096xf32> to vector<512xf32>
    %iota3A_46 = tpu.iota {dimensions = array<i32: 1>} : vector<512x4096xi32>
    %broadcast_in_dim3A_47 = vector.shape_cast %reduce_min3A_45 : vector<512xf32> to vector<512x1xf32>
    %eq3A_48 = vector.broadcast %broadcast_in_dim3A_47 : vector<512x1xf32> to vector<512x4096xf32>
    %eq3A_49 = arith.cmpf oeq, %add3A_43, %eq3A_48 : vector<512x4096xf32>
    %jit3A_50 = arith.constant 4096 : i32
    %broadcast_in_dim3A_51 = vector.broadcast %jit3A_50 : i32 to vector<512x4096xi32>
    %select_n3A_52 = arith.select %eq3A_49, %iota3A_46, %broadcast_in_dim3A_51 : vector<512x4096xi1>, vector<512x4096xi32>
    %reduce_min3A_53 = arith.constant dense<2147483647> : vector<512xi32>
    %reduce_min3A_54 = vector.multi_reduction <minsi>, %select_n3A_52, %reduce_min3A_53 [1] : vector<512x4096xi32> to vector<512xi32>
    %add3A_55 = arith.constant 4096 : i32
    %add3A_56 = vector.broadcast %add3A_55 : i32 to vector<512xi32>
    %add3A_57 = arith.addi %reduce_min3A_54, %add3A_56 : vector<512xi32>
    %lt3A_58 = arith.cmpf olt, %reduce_min3A_45, %select_n3A_28 : vector<512xf32>
    %select_n3A_59 = arith.select %lt3A_58, %add3A_57, %select_n3A_27 : vector<512xi1>, vector<512xi32>
    %select_n3A_60 = arith.select %lt3A_58, %reduce_min3A_45, %select_n3A_28 : vector<512xi1>, vector<512xf32>
    %swap3A = arith.constant 0 : index
    %swap3A_61 = vector.load %arg5[%swap3A] : memref<512xi32, #tpu.memory_space<vmem>>, vector<512xi32>
    tpu.vector_store %arg5[%swap3A], %select_n3A_59 {strides = array<i32>} : memref<512xi32, #tpu.memory_space<vmem>>, vector<512xi32>,
    %swap3A_62 = arith.constant 0 : index
    %swap3A_63 = vector.load %arg6[%swap3A_62] : memref<512xf32, #tpu.memory_space<vmem>>, vector<512xf32>
    tpu.vector_store %arg6[%swap3A_62], %select_n3A_60 {strides = array<i32>} : memref<512xf32, #tpu.memory_space<vmem>>, vector<512xf32>,
    return
  }
  func.func @transform_0(%arg0: i32) -> (i32, i32) {
    %add3A = arith.constant 16 : i32
    %add3A_0 = arith.addi %arg0, %add3A : i32
    %c0_i32 = arith.constant 0 : i32
    %c0_i32_1 = arith.constant 0 : i32
    return %add3A_0, %c0_i32 : i32, i32
  }
  func.func @transform_1(%arg0: i32) -> (i32, i32) {
    %add3A = arith.constant 16 : i32
    %add3A_0 = arith.addi %arg0, %add3A : i32
    %c0_i32 = arith.constant 0 : i32
    %c0_i32_1 = arith.constant 0 : i32
    return %add3A_0, %c0_i32 : i32, i32
  }
  func.func @transform_2(%arg0: i32) -> (i32, i32) {
    %c0_i32 = arith.constant 0 : i32
    %c0_i32_0 = arith.constant 0 : i32
    %c0_i32_1 = arith.constant 0 : i32
    return %c0_i32, %c0_i32_0 : i32, i32
  }
  func.func @transform_3(%arg0: i32) -> (i32, i32) {
    %c0_i32 = arith.constant 0 : i32
    %c0_i32_0 = arith.constant 0 : i32
    %c0_i32_1 = arith.constant 0 : i32
    return %c0_i32, %c0_i32_0 : i32, i32
  }
  func.func @transform_4(%arg0: i32) -> i32 {
    %c0_i32 = arith.constant 0 : i32
    return %arg0 : i32
  }
  func.func @transform_5(%arg0: i32) -> i32 {
    %c0_i32 = arith.constant 0 : i32
    return %arg0 : i32
  }
}

module attributes {stable_mosaic.version = 14 : i64} {
  func.func @_vq_body(%arg0: i32, %arg1: memref<512x128xf32, #tpu.memory_space<vmem>>, %arg2: memref<512x1xf32, #tpu.memory_space<vmem>>, %arg3: memref<512x128xf32, #tpu.memory_space<vmem>>, %arg4: memref<1x512xf32, #tpu.memory_space<vmem>>, %arg5: memref<512xi32, #tpu.memory_space<vmem>>, %arg6: memref<512xf32, #tpu.memory_space<vmem>>) attributes {dimension_semantics = [#tpu.dimension_semantics<parallel>], iteration_bounds = array<i64: 4>, scalar_prefetch = 0 : i64, scratch_operands = 0 : i64, tpu.core_type = #tpu.core_type<tc>, window_params = [{transform_indices = @transform_0, window_bounds = array<i64: 512, 128>}, {transform_indices = @transform_1, window_bounds = array<i64: 512, 1>}, {pipeline_mode = #tpu.pipeline_mode<synchronous>, transform_indices = @transform_2, window_bounds = array<i64: 512, 128>}, {pipeline_mode = #tpu.pipeline_mode<synchronous>, transform_indices = @transform_3, window_bounds = array<i64: 1, 512>}, {transform_indices = @transform_4, window_bounds = array<i64: 512>}, {transform_indices = @transform_5, window_bounds = array<i64: 512>}]} {
    %get3A = arith.constant 0 : index
    %get3A_0 = arith.constant 0 : index
    %get3A_1 = vector.load %arg1[%get3A, %get3A_0] : memref<512x128xf32, #tpu.memory_space<vmem>>, vector<512x128xf32>
    %broadcast_in_dim3A = arith.constant 0x7F800000 : f32
    %broadcast_in_dim3A_2 = vector.broadcast %broadcast_in_dim3A : f32 to vector<512xf32>
    %broadcast_in_dim3A_3 = arith.constant 0 : i32
    %broadcast_in_dim3A_4 = vector.broadcast %broadcast_in_dim3A_3 : i32 to vector<512xi32>
    %get3A_5 = arith.constant 0 : index
    %get3A_6 = arith.constant 0 : index
    %get3A_7 = vector.load %arg3[%get3A_5, %get3A_6] : memref<512x128xf32, #tpu.memory_space<vmem>>, vector<512x128xf32>
    %dot_general3A = arith.constant dense<0.000000e+00> : vector<512x512xf32>
    %dot_general3A_8 = tpu.matmul %get3A_1, %get3A_7, %dot_general3A {dimension_numbers = #tpu.dot_dimension_numbers<[1], [1], [0], [0], [0, 0, 1, 0], [], []>, transpose_lhs_hint = false} : vector<512x128xf32>, vector<512x128xf32>, vector<512x512xf32> -> vector<512x512xf32>
    %get3A_9 = arith.constant 0 : index
    %get3A_10 = arith.constant 0 : index
    %get3A_11 = vector.load %arg2[%get3A_9, %get3A_10] : memref<512x1xf32, #tpu.memory_space<vmem>>, vector<512x1xf32>
    %add3A = vector.broadcast %get3A_11 : vector<512x1xf32> to vector<512x512xf32>
    %add3A_12 = arith.addf %add3A, %dot_general3A_8 : vector<512x512xf32>
    %get3A_13 = arith.constant 0 : index
    %get3A_14 = arith.constant 0 : index
    %get3A_15 = vector.load %arg4[%get3A_13, %get3A_14] : memref<1x512xf32, #tpu.memory_space<vmem>>, vector<1x512xf32>
    %add3A_16 = vector.broadcast %get3A_15 : vector<1x512xf32> to vector<512x512xf32>
    %add3A_17 = arith.addf %add3A_12, %add3A_16 : vector<512x512xf32>
    %reduce_min3A = arith.constant dense<0x7F800000> : vector<512xf32>
    %reduce_min3A_18 = vector.multi_reduction <minimumf>, %add3A_17, %reduce_min3A [1] : vector<512x512xf32> to vector<512xf32>
    %iota3A = tpu.iota {dimensions = array<i32: 1>} : vector<512x512xi32>
    %broadcast_in_dim3A_19 = vector.shape_cast %reduce_min3A_18 : vector<512xf32> to vector<512x1xf32>
    %eq3A = vector.broadcast %broadcast_in_dim3A_19 : vector<512x1xf32> to vector<512x512xf32>
    %eq3A_20 = arith.cmpf oeq, %add3A_17, %eq3A : vector<512x512xf32>
    %jit3A = arith.constant 512 : i32
    %broadcast_in_dim3A_21 = vector.broadcast %jit3A : i32 to vector<512x512xi32>
    %select_n3A = arith.select %eq3A_20, %iota3A, %broadcast_in_dim3A_21 : vector<512x512xi1>, vector<512x512xi32>
    %reduce_min3A_22 = arith.constant dense<2147483647> : vector<512xi32>
    %reduce_min3A_23 = vector.multi_reduction <minsi>, %select_n3A, %reduce_min3A_22 [1] : vector<512x512xi32> to vector<512xi32>
    %add3A_24 = arith.constant 0 : i32
    %add3A_25 = vector.broadcast %add3A_24 : i32 to vector<512xi32>
    %add3A_26 = arith.addi %reduce_min3A_23, %add3A_25 : vector<512xi32>
    %lt3A = arith.cmpf olt, %reduce_min3A_18, %broadcast_in_dim3A_2 : vector<512xf32>
    %select_n3A_27 = arith.select %lt3A, %add3A_26, %broadcast_in_dim3A_4 : vector<512xi1>, vector<512xi32>
    %select_n3A_28 = arith.select %lt3A, %reduce_min3A_18, %broadcast_in_dim3A_2 : vector<512xi1>, vector<512xf32>
    %swap3A = arith.constant 0 : index
    %swap3A_29 = vector.load %arg5[%swap3A] : memref<512xi32, #tpu.memory_space<vmem>>, vector<512xi32>
    tpu.vector_store %arg5[%swap3A], %select_n3A_27 {strides = array<i32>} : memref<512xi32, #tpu.memory_space<vmem>>, vector<512xi32>,
    %swap3A_30 = arith.constant 0 : index
    %swap3A_31 = vector.load %arg6[%swap3A_30] : memref<512xf32, #tpu.memory_space<vmem>>, vector<512xf32>
    tpu.vector_store %arg6[%swap3A_30], %select_n3A_28 {strides = array<i32>} : memref<512xf32, #tpu.memory_space<vmem>>, vector<512xf32>,
    return
  }
  func.func @transform_0(%arg0: i32) -> (i32, i32) {
    %add3A = arith.constant 0 : i32
    %add3A_0 = arith.addi %arg0, %add3A : i32
    %c0_i32 = arith.constant 0 : i32
    %c0_i32_1 = arith.constant 0 : i32
    return %add3A_0, %c0_i32 : i32, i32
  }
  func.func @transform_1(%arg0: i32) -> (i32, i32) {
    %add3A = arith.constant 0 : i32
    %add3A_0 = arith.addi %arg0, %add3A : i32
    %c0_i32 = arith.constant 0 : i32
    %c0_i32_1 = arith.constant 0 : i32
    return %add3A_0, %c0_i32 : i32, i32
  }
  func.func @transform_2(%arg0: i32) -> (i32, i32) {
    %c0_i32 = arith.constant 0 : i32
    %c0_i32_0 = arith.constant 0 : i32
    %c0_i32_1 = arith.constant 0 : i32
    return %c0_i32, %c0_i32_0 : i32, i32
  }
  func.func @transform_3(%arg0: i32) -> (i32, i32) {
    %c0_i32 = arith.constant 0 : i32
    %c0_i32_0 = arith.constant 0 : i32
    %c0_i32_1 = arith.constant 0 : i32
    return %c0_i32, %c0_i32_0 : i32, i32
  }
  func.func @transform_4(%arg0: i32) -> i32 {
    %c0_i32 = arith.constant 0 : i32
    return %arg0 : i32
  }
  func.func @transform_5(%arg0: i32) -> i32 {
    %c0_i32 = arith.constant 0 : i32
    return %arg0 : i32
  }
}

</mosaic_0001>

<sc_bundles>
// kernel: kernel.12.cloned.1.call-start
scs
__scs_entry_jumppad:
0x0: {  	(pc) =	sbr.rel $0x88, $3  }
0x1: {  	(tag) =	ssettag $0x0;
	lr =	simm.s32 $0x1  }
0x2: {  	[smem:$0x3F97] =	sst lr;
	_ =	strace $0xD0000000  }
0x3: {  	_ = 	snop  }
0x4: {  	_ = 	snop  }
0x5: {  	_ = 	snop  }
0x6: {  	_ = 	snop  }
0x7: {  	_ = 	snop  }
__scs_overlays_trampoline_lowered:
0x8: {  	[smem:$0x3FA6] =	sst s0  }
0x9: {  	[smem:$0x3FA7] =	sst s1  }
0xa: {  	[smem:$0x3FA8] =	sst s2  }
0xb: {  	[smem:$0x3FA9] =	sst s3  }
0xc: {  	[smem:$0x3FAA] =	sst s4  }
0xd: {  	[smem:$0x3FAB] =	sst s5  }
0xe: {  	[smem:$0x3FAC] =	sst s6  }
0xf: {  	[smem:$0x3FAD] =	sst s7  }
0x10: {  	[smem:$0x3FAE] =	sst s8  }
0x11: {  	[smem:$0x3FAF] =	sst s9;
	s0 =	simm.s32 @!p0 $0x0  }
0x12: {  	s1 =	sld [smem:$0x3F95];
	s0 =	simm.s32 @p0 $0x1  }
0x13: {  	[smem:$0x3FB0] =	sst s0;
	s0 =	simm.s32 @!p1 $0x0  }
0x14: {  	s2 =	sld [smem:$0x3F94];
	s0 =	simm.s32 @p1 $0x1  }
0x15: {  	[smem:$0x3FB1] =	sst s0;
	s0 =	simm.s32 @!p2 $0x0  }
0x16: {  	s3 =	sld [smem:$0x3FDB];
	s0 =	simm.s32 @p2 $0x1  }
0x17: {  	s4 =	simm.s32 $0x1BF5;
	[smem:$0x3FB3] =	sst s0  }
0x18: {  	s0 =	sld [smem:$0x3F96];
	_ =	swait.ge [sflag:s4], $0x0  }
0x19: {  	s7 =	sld [smem:$0x3F97]  }
0x1a: {  	s8 =	sadd.s32 $0xFFFFE003, lr  }
0x1b: {  	s9 =	sadd.s32 $0xFFFFFEF7, lr;
	s5 =	simm.s32 $0xFFFFFFFF;
	p2 =	slt.u32 s8, $0xFFFFF086  }
0x1c: {  	p1 =	slt.u32 s9, $0xF7A;
	s5 =	simm.s32 @!p2 $0x0  }
0x1d: {  	s5 =	simm.s32 @p1 $0x1;
	p0 =	seq.s32 s7, s2  }
0x1e: {  	s7 =	smul.u32 @!p0 $0xF7A, s2;
	p2 =	seq.s32 @!p0 s5, $0x0  }
0x1f: {  	s9 =	smul.u32 $0xF7A, s1;
	s8 =	simm.s32 @!p0 $0x1BF5;
	p2 =	por !p2, p0  }
0x20: {  	[sflag:s8] =	ssyncset.s32 @!p0 $0xFFFFF086;
	s6 =	sadd.s32 @!p0 s3, s7;
	s7 =	simm.s32 @!p0 $0x108  }
0x21: {  	s3 =	sadd.s32 s3, s9;
	s6 =	sadd.s32 @!p0 $0x88, s6;
	s7 =	simm.s32 @p2 $0x1082  }
0x22: {  	[simem:s7], [sflag:s8] =	dma.local @!p0 [hbm:s6], $0xF7A  }
0x23: {  	s9 =	sor.u32 $0xD0000000, s2;
	s6 =	simm.s32 $0x108;
	_ =	swait.ge @!p0 [sflag:s8], $0x0  }
0x24: {  	s3 =	sadd.s32 $0x88, s3;
	s6 =	simm.s32 @!p1 $0x1082;
	[sflag:s4] =	ssyncset.s32 $0xFFFFF086  }
0x25: {  	[simem:s6], [sflag:s4] =	dma.local [hbm:s3], $0xF7A  }
0x26: {  	[smem:$0x3F97] =	sst s1;
	(tag) =	ssettag s2;
	_ =	strace s9  }
0x27: {  	s1 =	sld [smem:$0x3FA7]  }
0x28: {  	s2 =	sld [smem:$0x3FA8]  }
0x29: {  	s4 =	sld [smem:$0x3FAA]  }
0x2a: {  	p0 =	seq.s32 s5, $0x0;
	s5 =	sld [smem:$0x3FAB]  }
0x2b: {  	s6 =	sld [smem:$0x3FAC]  }
0x2c: {  	s7 =	sld [smem:$0x3FAD]  }
0x2d: {  	s3 =	simm.s32 $0x108;
	s8 =	sld [smem:$0x3FAE]  }
0x2e: {  	s3 =	simm.s32 @!p0 $0x1082;
	s9 =	sld [smem:$0x3FAF]  }
0x2f: {  	lr =	sadd.s32 s0, s3;
	s0 =	sld [smem:$0x3FA6]  }
0x30: {  	s3 =	sld [smem:$0x3FA9]  }
0x31: {  	[smem:$0x3FB2] =	sst s10  }
0x32: {  	s10 =	sld [smem:$0x3FB0];
	_ =	sdelay $0x3  }
0x33: {  	p0 =	seq.s32 s10, $0x1;
	s10 =	sld [smem:$0x3FB2];
	_ =	sdelay $0x3  }
0x34: {  	[smem:$0x3FB2] =	sst s10  }
0x35: {  	s10 =	sld [smem:$0x3FB1];
	_ =	sdelay $0x3  }
0x36: {  	p1 =	seq.s32 s10, $0x1;
	s10 =	sld [smem:$0x3FB2];
	_ =	sdelay $0x3  }
0x37: {  	[smem:$0x3FB2] =	sst s10  }
0x38: {  	s10 =	sld [smem:$0x3FB3]  }
0x39: {  	_ = 	snop;
	(pc) =	sbr.ind lr, $3  }
0x3a: {  	_ = 	snop  }
0x3b: {  	_ = 	snop  }
0x3c: {  	p2 =	seq.s32 s10, $0x1;
	s10 =	sld [smem:$0x3FB2]  }
0x3d: {  	_ =	shalt  }
0x3e: {  	_ =	shalt  }
0x3f: {  	_ =	shalt  }
0x40: {  	_ =	shalt  }
0x41: {  	_ =	shalt  }
0x42: {  	_ =	shalt  }
0x43: {  	_ =	shalt  }
0x44: {  	_ =	shalt  }
0x45: {  	_ =	shalt  }
0x46: {  	_ =	shalt  }
0x47: {  	_ =	shalt  }
0x48: {  	_ =	shalt  }
0x49: {  	_ =	shalt  }
0x4a: {  	_ =	shalt  }
0x4b: {  	_ =	shalt  }
0x4c: {  	_ =	shalt  }
0x4d: {  	_ =	shalt  }
0x4e: {  	_ =	shalt  }
0x4f: {  	_ =	shalt  }
0x50: {  	_ =	shalt  }
0x51: {  	_ =	shalt  }
0x52: {  	_ =	shalt  }
0x53: {  	_ =	shalt  }
0x54: {  	_ =	shalt  }
0x55: {  	_ =	shalt  }
0x56: {  	_ =	shalt  }
0x57: {  	_ =	shalt  }
0x58: {  	_ =	shalt  }
0x59: {  	_ =	shalt  }
0x5a: {  	_ =	shalt  }
0x5b: {  	_ =	shalt  }
0x5c: {  	_ =	shalt  }
0x5d: {  	_ =	shalt  }
0x5e: {  	_ =	shalt  }
0x5f: {  	_ =	shalt  }
0x60: {  	_ =	shalt  }
0x61: {  	_ =	shalt  }
0x62: {  	_ =	shalt  }
0x63: {  	_ =	shalt  }
0x64: {  	_ =	shalt  }
0x65: {  	_ =	shalt  }
0x66: {  	_ =	shalt  }
0x67: {  	_ =	shalt  }
0x68: {  	_ =	shalt  }
0x69: {  	_ =	shalt  }
0x6a: {  	_ =	shalt  }
0x6b: {  	_ =	shalt  }
0x6c: {  	_ =	shalt  }
0x6d: {  	_ =	shalt  }
0x6e: {  	_ =	shalt  }
0x6f: {  	_ =	shalt  }
0x70: {  	_ =	shalt  }
0x71: {  	_ =	shalt  }
0x72: {  	_ =	shalt  }
0x73: {  	_ =	shalt  }
0x74: {  	_ =	shalt  }
0x75: {  	_ =	shalt  }
0x76: {  	_ =	shalt  }
0x77: {  	_ =	shalt  }
0x78: {  	_ =	shalt  }
0x79: {  	_ =	shalt  }
0x7a: {  	_ =	shalt  }
0x7b: {  	_ =	shalt  }
0x7c: {  	_ =	shalt  }
0x7d: {  	_ =	shalt  }
0x7e: {  	_ =	shalt  }
0x7f: {  	_ =	shalt  }
0x80: {  	_ =	shalt  }
0x81: {  	_ =	shalt  }
0x82: {  	_ =	shalt  }
0x83: {  	_ =	shalt  }
0x84: {  	_ =	shalt  }
0x85: {  	_ =	shalt  }
0x86: {  	_ =	shalt  }
0x87: {  	_ =	shalt  }
.Lfunc_end0:
.L_simem_size_0:
called_computation_lowered:
.L_overlay_start_0:
0x88: {  	s2 =	sld [smem:$0x3FD9]  }
0x89: {  	s3 =	sld [smem:$0x3FFE];
	_ =	sdelay $0x1  }
0x8a: {  	s1 =	srdreg.scid  }
0x8b: {  	s0 =	sand.u32 $0x1, s1  }
0x8c: {  	s17 =	sshll.u32 s0, $0xA;
	s2 =	sadd.s32 s3, s2  }
0x8d: {  	s2 =	sadd.s32 s2, s17  }
0x8e: {  	[smem:$0x3FBE] =	sst s2  }
0x8f: {  	_ = 	snop  }
0x90: {  	s18 =	sld [smem:$0x3FC2];
	(tm) =	ssettm $0x1  }
0x91: {  	s19 =	sld [smem:$0x3FFB];
	_ =	sdelay $0x3  }
0x92: {  	_ =	strace s19  }
0x93: {  	s2 =	sld [smem:$0x3FFC];
	_ =	sdelay $0x3  }
0x94: {  	_ =	strace s2  }
0x95: {  	s2 =	sld [smem:$0x3FFD];
	_ =	sdelay $0x3  }
0x96: {  	_ =	strace s2  }
0x97: {  	_ =	strace $0x8FFFFFFF  }
0x98: {  	s20 =	sld [smem:$0x3FDB];
	_ =	sdelay $0x1  }
0x99: {  	s4 =	simm.s32 $_scs_section_size  }
0x9a: {  	s5 =	simm.s32 $_size__tile_overlayer_lowered;
	s6 =	simm.s32 $_tile_overlayer_lowered  }
0x9b: {  	s7 =	simm.s32 $0x1BFF;
	s21 =	sshll.u32 s6, $0x1;
	s4 =	sadd.s32 s4, s20  }
0x9c: {  	s22 =	simm.s32 $0x0;
	s5 =	sshll.u32 s5, $0x1;
	s6 =	sadd.s32 s21, s4  }
0x9d: {  	[timem:s22], [sflag:s7] =	dma.local [hbm:s6], s5  }
0x9e: {  	_ =	swait.ge [sflag:s7], s5  }
0x9f: {  	s5 =	ssub.s32 $0x0, s5;
	[sflag:s7] =	ssyncset.done $0x0  }
0xa0: {  	[sflag:s7] =	ssyncadd.s32 s5;
	_ =	sdelay $0x1  }
0xa1: {  	s23 =	simm.s32 $0x1B8B  }
0xa2: {  	_ =	swait.ge [sflag:s23], $0x1  }
0xa3: {  	[sflag:s23] =	ssyncset.done $0x0  }
0xa4: {  	[sflag:s23] =	ssyncadd.s32 $0xFFFFFFFF  }
0xa5: {  	s5 =	sld [smem:$0x0]  }
0xa6: {  	s6 =	sand.u32 $0xFFFFFFFE, s1  }
0xa7: {  	p0 =	sne.s32 s1, s6  }
0xa8: {  	s6 =	sshll.u32 @p0 s6, $0xE  }
0xa9: {  	s6 =	sadd.s32 @p0 $0x11B8D, s6;
	s7 =	sshll.u32 @p0 s5, $0x11  }
0xaa: {  	s6 =	sor.u32 @p0 s7, s6  }
0xab: {  	[sflag:s6] =	ssyncadd.remote.s32 @p0 $0x1;
	_ =	sdelay $0x1  }
0xac: {  	s6 =	simm.s32 @p0 $0x1B8D  }
0xad: {  	_ =	swait.eq @p0 [sflag:s6], $0x1  }
0xae: {  	[sflag:s6] =	ssyncadd.s32 @p0 $0xFFFFFFFF  }
0xaf: {  	s7 =	sshll.u32 @!p0 s1, $0xE  }
0xb0: {  	s7 =	sor.u32 @!p0 $0x4000, s7;
	s6 =	simm.s32 @!p0 $0x1B8D  }
0xb1: {  	s5 =	sshll.u32 @!p0 s5, $0x11;
	s7 =	sadd.s32 @!p0 $0x11B8D, s7;
	_ =	swait.eq @!p0 [sflag:s6], $0x1  }
0xb2: {  	s5 =	sor.u32 @!p0 s5, s7;
	[sflag:s6] =	ssyncadd.s32 @!p0 $0xFFFFFFFF  }
0xb3: {  	s25 =	simm.s32 $0x1B8E;
	s24 =	sld [smem:$0x3FFE];
	[sflag:s5] =	ssyncadd.remote.s32 @!p0 $0x1  }
0xb4: {  	s26 =	simm.s32 $execute0_lowered;
	[smem:$0x3FD2] =	sst s25  }
0xb5: {  	s6 =	sshll.u32 s26, $0x1;
	_ =	strace $0x8000004E;
	[dreg:$0x1] =	wrdreg $0xFFFFFFFF  }
0xb6: {  	s28 =	simm.s32 $_size_execute0_lowered;
	s4 =	sadd.s32 s4, s6;
	[dreg:$0x0] =	wrdreg $0x0  }
0xb7: {  	s6 =	sshll.u32 s28, $0x1;
	[dreg:$0x2] =	wrdreg s4  }
0xb8: {  	[dreg:$0x3] =	wrdreg s6  }
0xb9: {  	[dreg:$0x4] =	wrdreg $0xC0  }
0xba: {  	_ =	task [dreg:s22], $0x5FFFF  }
0xbb: {  	[dreg:$0x1] =	wrdreg $0xFFFFFFFF  }
0xbc: {  	[dreg:$0x0] =	wrdreg $0x60  }
0xbd: {  	[dreg:$0x2] =	wrdreg s18  }
0xbe: {  	[dreg:$0x3] =	wrdreg s24  }
0xbf: {  	[dreg:$0x4] =	wrdreg $0x9  }
0xc0: {  	_ =	task.clear_ibuf [dreg:s22], $0x5FFFF;
	_ =	strace $0x9000004E  }
0xc1: {  	s29 =	simm.s32 $0x9;
	_ =	strace $0x80000055  }
0xc2: {  	_ =	swait.ge [sflag:s29], $0x1  }
0xc3: {  	[sflag:s29] =	ssyncadd.s32 $0xFFFFFFFF  }
0xc4: {  	_ =	strace $0x90000055  }
0xc5: {  	_ =	sfence  }
0xc6: {  	s30 =	sld [smem:$0x0];
	_ =	sdelay $0x2  }
0xc7: {  	s31 =	sshll.u32 s1, $0xD;
	s1 =	sshrl.u32 s1, $0x2  }
0xc8: {  	s4 =	sand.u32 $0x4000, s31;
	s1 =	sadd.s32 s1, s30  }
0xc9: {  	s0 =	sor.u32 s4, s0;
	s1 =	sshll.u32 s1, $0x11  }
0xca: {  	s0 =	sor.u32 s1, s0  }
0xcb: {  	s0 =	sadd.s32 $0x8F2B, s0  }
0xcc: {  	[sflag:s0] =	ssyncadd.remote.s32 $0x1  }
0xcd: {  	_ =	sfence.sel $0xFFFF  }
0xce: {  	[dreg:$0x0] =	wrdreg $0xFFFFFFFF;
	(pc) =	sbr.abs _section_cstart, $3  }
0xcf: {  	[dreg:$0x1] =	wrdreg $0xFFFFFFFF  }
0xd0: {  	_ =	task.clear_ibuf [dreg:s22], $0x2FFFF;
	_ =	strace $0x9FFFFFFF  }
0xd1: {  	(tm) =	ssettm $0x7FFFFFFF  }
tec
execute0_lowered:
.L_overlay_start_1:
0x0: {  	(tag) =	ssettag $0x1  }
0x1: {  	s1 =	srdreg.scid  }
0x2: {  	s0 =	stileid.u32;
	s9 =	sand.u32 $0x1, s1  }
0x3: {  	s2 =	rddreg [dreg:$0x0];
	s5 =	sshll.u32 s0, $0x8;
	s4 =	sshll.u32 s9, $0xC  }
0x4: {  	s10 =	rddreg [dreg:$0x1];
	s3 =	simm.s32 $0x0;
	s11 =	sor.u32 s5, s4  }
0x5: {  	[smem:$0x7FF] =	sst s3;
	s4 =	sshrl.u32 s11, $0x3  }
0x6: {  	s1 =	rddreg [dreg:$0x2];
	_ =	strace $0x8000004F;
	s4 =	sadd.s32 s4, s10  }
0x7: {  	_ =	strace $0x80000050;
	s4 =	sadd.s32 $0xA0400, s4  }
0x8: {  	[tilespmem:s3], [sflag:$0x1] =	stream.linear.gather [hbm4b:s4+s3], $0x100, $0x200038;
	[tilespmem:$0x10200] =	vst v63  }
0x9: {  	_ =	strace $0x90000050  }
0xa: {  	s5 =	simm.s32 $0x1;
	_ =	strace $0x80000051  }
0xb: {  	_ =	swait.ge [sflag:s5], $0x100  }
0xc: {  	[sflag:s5] =	ssyncset.done $0x0  }
0xd: {  	[sflag:s5] =	ssyncadd.s32 $0xFFFFFF00  }
0xe: {  	s6 =	simm.s32 $0x100;
	_ =	strace $0x90000051  }
0xf: {  	s7 =	simm.s32 $0x200;
	s8 =	simm.s32 $0x5;
	_ =	strace $0x80000052  }
0x10: {  	[tilespmem:s7], [sflag:$0x5] =	stream.indirect.gather [hbm4b:s2+s6], $0x80, s3, s6, $0x2000b8;
	[tilespmem:$0x10200] =	vst v63  }
0x11: {  	s30 =	ssub.s32 $0x2, s9;
	_ =	swait.ge [sflag:s8], $0x8000  }
0x12: {  	s31 =	sshrl.u32 s30, $0x1;
	s11 =	sshll.u32 s11, $0x4;
	[sflag:s8] =	ssyncset.done $0x0  }
0x13: {  	s10 =	sadd.s32 s11, s10;
	s11 =	ssub.s32 s30, s31;
	[sflag:s8] =	ssyncadd.s32 $0xFFFF8000  }
0x14: {  	s11 =	smax.u32 s11, $0x1;
	_ =	strace $0x90000052  }
0x15: {  	s9 =	sadd.s32 $0xA0800, s10;
	p0 =	sne.s32 s11, $0x1;
	_ =	strace $0x80000053  }
0x16: {  	[hbm4b:s9+s3] =	stream.linear.scatter [tilespmem:s7], [sflag:$0x3], $0x8000, $0x200038;
	[tilespmem:$0x10200] =	vst v63  }
.Ltmp0:
0x17: {  	_ =	strace $0x90000053;
	(pc) =	sbr.rel @!p0 .LBB2_2-.Ltmp0, $4  }
0x18: {  	s10 =	simm.s32 $0x3;
	_ =	strace $0x80000054  }
0x19: {  	_ =	swait.ge [sflag:s10], $0x8000  }
0x1a: {  	[sflag:s10] =	ssyncset.done $0x0  }
0x1b: {  	s11 =	sadd.s32 $0xFFFFFFFF, s11;
	[sflag:s10] =	ssyncadd.s32 $0xFFFF8000  }
.LBB2_1:
0x1c: {  	p0 =	sne.s32 s11, $0x1;
	s11 =	sadd.s32 $0xFFFFFFFF, s11;
	_ =	strace $0x90000054  }
0x1d: {  	_ =	strace $0x80000050  }
0x1e: {  	[tilespmem:s3], [sflag:$0x1] =	stream.linear.gather [hbm4b:s4+s3], $0x100, $0x200038;
	[tilespmem:$0x10200] =	vst v63  }
0x1f: {  	_ =	strace $0x90000050  }
0x20: {  	_ =	strace $0x80000051  }
0x21: {  	_ =	swait.ge [sflag:s5], $0x100  }
0x22: {  	[sflag:s5] =	ssyncset.done $0x0  }
0x23: {  	[sflag:s5] =	ssyncadd.s32 $0xFFFFFF00  }
0x24: {  	_ =	strace $0x90000051  }
0x25: {  	_ =	strace $0x80000052  }
0x26: {  	[tilespmem:s7], [sflag:$0x5] =	stream.indirect.gather [hbm4b:s2+s6], $0x80, s3, s6, $0x2000b8;
	[tilespmem:$0x10200] =	vst v63  }
0x27: {  	_ =	swait.ge [sflag:s8], $0x8000  }
0x28: {  	[sflag:s8] =	ssyncset.done $0x0  }
0x29: {  	[sflag:s8] =	ssyncadd.s32 $0xFFFF8000  }
0x2a: {  	_ =	strace $0x90000052  }
0x2b: {  	_ =	strace $0x80000053  }
0x2c: {  	[hbm4b:s9+s3] =	stream.linear.scatter [tilespmem:s7], [sflag:$0x3], $0x8000, $0x200038;
	[tilespmem:$0x10200] =	vst v63  }
.Ltmp1:
0x2d: {  	_ =	strace $0x90000053;
	(pc) =	sbr.rel @p0 .LBB2_1-.Ltmp1, $4  }
0x2e: {  	_ =	strace $0x80000054  }
0x2f: {  	_ =	swait.ge [sflag:s10], $0x8000  }
0x30: {  	[sflag:s10] =	ssyncset.done $0x0  }
0x31: {  	[sflag:s10] =	ssyncadd.s32 $0xFFFF8000  }
.LBB2_2:
0x32: {  	_ =	strace $0x90000054  }
0x33: {  	_ =	sfence.sel $0x180000  }
0x34: {  	[bflag:$0x0] =	sbarrier.arrive $0xFFFF  }
0x35: {  	p0 =	sne.s32 s0, $0x0;
	_ =	strace $0x9000004F  }
0x36: {  	s0 =	sadd.s32 @!p0 $0x100000, s1;
	[bflag:$0x2] =	sbarrier.arrive $0xFFFF  }
0x37: {  	[sflag:s0] =	ssyncadd.tile.s32 @!p0 $0x1;
	_ =	shalt  }
.Lfunc_end2:
_tile_overlayer_lowered:
.L_overlay_start_2:
0x38: {  	(tag) =	ssettag $0x2  }
0x39: {  	s0 =	rddreg [dreg:$0x0];
	s2 =	stileid.u32  }
0x3a: {  	s1 =	rddreg [dreg:$0x1];
	p0 =	sne.s32 s2, $0x0  }
0x3b: {  	s3 =	rddreg [dreg:$0x2];
	[bflag:$0x3] =	sbarrier.arrive $0xFFFF;
	s2 =	simm.s32 @!p0 $0x1C01  }
0x3c: {  	[timem:s3], [sflag:s2] =	dma.local @!p0 [hbm:s0], s1  }
0x3d: {  	s0 =	simm.s32 @!p0 $0x1  }
0x3e: {  	_ =	swait.ge @!p0 [sflag:s0], s1  }
0x3f: {  	s1 =	ssub.s32 @!p0 $0x0, s1;
	[sflag:s0] =	ssyncset.done @!p0 $0x0  }
0x40: {  	[sflag:s0] =	ssyncadd.s32 @!p0 s1  }
0x41: {  	[bflag:$0x3] =	sbarrier.arrive $0xFFFF  }
0x42: {  	_ =	shalt  }

// kernel: kernel.15.cloned.1.call-start
scs
__scs_entry_jumppad:
0x0: {  	(pc) =	sbr.rel $0x88, $3  }
0x1: {  	(tag) =	ssettag $0x0;
	lr =	simm.s32 $0x1  }
0x2: {  	[smem:$0x3F97] =	sst lr;
	_ =	strace $0xD0000000  }
0x3: {  	_ = 	snop  }
0x4: {  	_ = 	snop  }
0x5: {  	_ = 	snop  }
0x6: {  	_ = 	snop  }
0x7: {  	_ = 	snop  }
__scs_overlays_trampoline_lowered:
0x8: {  	[smem:$0x3FA6] =	sst s0  }
0x9: {  	[smem:$0x3FA7] =	sst s1  }
0xa: {  	[smem:$0x3FA8] =	sst s2  }
0xb: {  	[smem:$0x3FA9] =	sst s3  }
0xc: {  	[smem:$0x3FAA] =	sst s4  }
0xd: {  	[smem:$0x3FAB] =	sst s5  }
0xe: {  	[smem:$0x3FAC] =	sst s6  }
0xf: {  	[smem:$0x3FAD] =	sst s7  }
0x10: {  	[smem:$0x3FAE] =	sst s8  }
0x11: {  	[smem:$0x3FAF] =	sst s9;
	s0 =	simm.s32 @!p0 $0x0  }
0x12: {  	s1 =	sld [smem:$0x3F95];
	s0 =	simm.s32 @p0 $0x1  }
0x13: {  	[smem:$0x3FB0] =	sst s0;
	s0 =	simm.s32 @!p1 $0x0  }
0x14: {  	s2 =	sld [smem:$0x3F94];
	s0 =	simm.s32 @p1 $0x1  }
0x15: {  	[smem:$0x3FB1] =	sst s0;
	s0 =	simm.s32 @!p2 $0x0  }
0x16: {  	s3 =	sld [smem:$0x3FDB];
	s0 =	simm.s32 @p2 $0x1  }
0x17: {  	s4 =	simm.s32 $0x1BF5;
	[smem:$0x3FB3] =	sst s0  }
0x18: {  	s0 =	sld [smem:$0x3F96];
	_ =	swait.ge [sflag:s4], $0x0  }
0x19: {  	s7 =	sld [smem:$0x3F97]  }
0x1a: {  	s8 =	sadd.s32 $0xFFFFE003, lr  }
0x1b: {  	s9 =	sadd.s32 $0xFFFFFEF7, lr;
	s5 =	simm.s32 $0xFFFFFFFF;
	p2 =	slt.u32 s8, $0xFFFFF086  }
0x1c: {  	p1 =	slt.u32 s9, $0xF7A;
	s5 =	simm.s32 @!p2 $0x0  }
0x1d: {  	s5 =	simm.s32 @p1 $0x1;
	p0 =	seq.s32 s7, s2  }
0x1e: {  	s7 =	smul.u32 @!p0 $0xF7A, s2;
	p2 =	seq.s32 @!p0 s5, $0x0  }
0x1f: {  	s9 =	smul.u32 $0xF7A, s1;
	s8 =	simm.s32 @!p0 $0x1BF5;
	p2 =	por !p2, p0  }
0x20: {  	[sflag:s8] =	ssyncset.s32 @!p0 $0xFFFFF086;
	s6 =	sadd.s32 @!p0 s3, s7;
	s7 =	simm.s32 @!p0 $0x108  }
0x21: {  	s3 =	sadd.s32 s3, s9;
	s6 =	sadd.s32 @!p0 $0x88, s6;
	s7 =	simm.s32 @p2 $0x1082  }
0x22: {  	[simem:s7], [sflag:s8] =	dma.local @!p0 [hbm:s6], $0xF7A  }
0x23: {  	s9 =	sor.u32 $0xD0000000, s2;
	s6 =	simm.s32 $0x108;
	_ =	swait.ge @!p0 [sflag:s8], $0x0  }
0x24: {  	s3 =	sadd.s32 $0x88, s3;
	s6 =	simm.s32 @!p1 $0x1082;
	[sflag:s4] =	ssyncset.s32 $0xFFFFF086  }
0x25: {  	[simem:s6], [sflag:s4] =	dma.local [hbm:s3], $0xF7A  }
0x26: {  	[smem:$0x3F97] =	sst s1;
	(tag) =	ssettag s2;
	_ =	strace s9  }
0x27: {  	s1 =	sld [smem:$0x3FA7]  }
0x28: {  	s2 =	sld [smem:$0x3FA8]  }
0x29: {  	s4 =	sld [smem:$0x3FAA]  }
0x2a: {  	p0 =	seq.s32 s5, $0x0;
	s5 =	sld [smem:$0x3FAB]  }
0x2b: {  	s6 =	sld [smem:$0x3FAC]  }
0x2c: {  	s7 =	sld [smem:$0x3FAD]  }
0x2d: {  	s3 =	simm.s32 $0x108;
	s8 =	sld [smem:$0x3FAE]  }
0x2e: {  	s3 =	simm.s32 @!p0 $0x1082;
	s9 =	sld [smem:$0x3FAF]  }
0x2f: {  	lr =	sadd.s32 s0, s3;
	s0 =	sld [smem:$0x3FA6]  }
0x30: {  	s3 =	sld [smem:$0x3FA9]  }
0x31: {  	[smem:$0x3FB2] =	sst s10  }
0x32: {  	s10 =	sld [smem:$0x3FB0];
	_ =	sdelay $0x3  }
0x33: {  	p0 =	seq.s32 s10, $0x1;
	s10 =	sld [smem:$0x3FB2];
	_ =	sdelay $0x3  }
0x34: {  	[smem:$0x3FB2] =	sst s10  }
0x35: {  	s10 =	sld [smem:$0x3FB1];
	_ =	sdelay $0x3  }
0x36: {  	p1 =	seq.s32 s10, $0x1;
	s10 =	sld [smem:$0x3FB2];
	_ =	sdelay $0x3  }
0x37: {  	[smem:$0x3FB2] =	sst s10  }
0x38: {  	s10 =	sld [smem:$0x3FB3]  }
0x39: {  	_ = 	snop;
	(pc) =	sbr.ind lr, $3  }
0x3a: {  	_ = 	snop  }
0x3b: {  	_ = 	snop  }
0x3c: {  	p2 =	seq.s32 s10, $0x1;
	s10 =	sld [smem:$0x3FB2]  }
0x3d: {  	_ =	shalt  }
0x3e: {  	_ =	shalt  }
0x3f: {  	_ =	shalt  }
0x40: {  	_ =	shalt  }
0x41: {  	_ =	shalt  }
0x42: {  	_ =	shalt  }
0x43: {  	_ =	shalt  }
0x44: {  	_ =	shalt  }
0x45: {  	_ =	shalt  }
0x46: {  	_ =	shalt  }
0x47: {  	_ =	shalt  }
0x48: {  	_ =	shalt  }
0x49: {  	_ =	shalt  }
0x4a: {  	_ =	shalt  }
0x4b: {  	_ =	shalt  }
0x4c: {  	_ =	shalt  }
0x4d: {  	_ =	shalt  }
0x4e: {  	_ =	shalt  }
0x4f: {  	_ =	shalt  }
0x50: {  	_ =	shalt  }
0x51: {  	_ =	shalt  }
0x52: {  	_ =	shalt  }
0x53: {  	_ =	shalt  }
0x54: {  	_ =	shalt  }
0x55: {  	_ =	shalt  }
0x56: {  	_ =	shalt  }
0x57: {  	_ =	shalt  }
0x58: {  	_ =	shalt  }
0x59: {  	_ =	shalt  }
0x5a: {  	_ =	shalt  }
0x5b: {  	_ =	shalt  }
0x5c: {  	_ =	shalt  }
0x5d: {  	_ =	shalt  }
0x5e: {  	_ =	shalt  }
0x5f: {  	_ =	shalt  }
0x60: {  	_ =	shalt  }
0x61: {  	_ =	shalt  }
0x62: {  	_ =	shalt  }
0x63: {  	_ =	shalt  }
0x64: {  	_ =	shalt  }
0x65: {  	_ =	shalt  }
0x66: {  	_ =	shalt  }
0x67: {  	_ =	shalt  }
0x68: {  	_ =	shalt  }
0x69: {  	_ =	shalt  }
0x6a: {  	_ =	shalt  }
0x6b: {  	_ =	shalt  }
0x6c: {  	_ =	shalt  }
0x6d: {  	_ =	shalt  }
0x6e: {  	_ =	shalt  }
0x6f: {  	_ =	shalt  }
0x70: {  	_ =	shalt  }
0x71: {  	_ =	shalt  }
0x72: {  	_ =	shalt  }
0x73: {  	_ =	shalt  }
0x74: {  	_ =	shalt  }
0x75: {  	_ =	shalt  }
0x76: {  	_ =	shalt  }
0x77: {  	_ =	shalt  }
0x78: {  	_ =	shalt  }
0x79: {  	_ =	shalt  }
0x7a: {  	_ =	shalt  }
0x7b: {  	_ =	shalt  }
0x7c: {  	_ =	shalt  }
0x7d: {  	_ =	shalt  }
0x7e: {  	_ =	shalt  }
0x7f: {  	_ =	shalt  }
0x80: {  	_ =	shalt  }
0x81: {  	_ =	shalt  }
0x82: {  	_ =	shalt  }
0x83: {  	_ =	shalt  }
0x84: {  	_ =	shalt  }
0x85: {  	_ =	shalt  }
0x86: {  	_ =	shalt  }
0x87: {  	_ =	shalt  }
.Lfunc_end0:
.L_simem_size_0:
called_computation.1_lowered:
.L_overlay_start_0:
0x88: {  	s2 =	sld [smem:$0x3FD9]  }
0x89: {  	s3 =	sld [smem:$0x3FFE];
	_ =	sdelay $0x1  }
0x8a: {  	s1 =	srdreg.scid  }
0x8b: {  	s0 =	sand.u32 $0x1, s1  }
0x8c: {  	s17 =	sshll.u32 s0, $0xA;
	s2 =	sadd.s32 s3, s2  }
0x8d: {  	s2 =	sadd.s32 s2, s17  }
0x8e: {  	[smem:$0x3FBE] =	sst s2  }
0x8f: {  	_ = 	snop  }
0x90: {  	s18 =	sld [smem:$0x3FC2];
	(tm) =	ssettm $0x1  }
0x91: {  	s19 =	sld [smem:$0x3FFB];
	_ =	sdelay $0x3  }
0x92: {  	_ =	strace s19  }
0x93: {  	s2 =	sld [smem:$0x3FFC];
	_ =	sdelay $0x3  }
0x94: {  	_ =	strace s2  }
0x95: {  	s2 =	sld [smem:$0x3FFD];
	_ =	sdelay $0x3  }
0x96: {  	_ =	strace s2  }
0x97: {  	_ =	strace $0x8FFFFFFF  }
0x98: {  	s20 =	sld [smem:$0x3FDB];
	_ =	sdelay $0x1  }
0x99: {  	s4 =	simm.s32 $_scs_section_size  }
0x9a: {  	s5 =	simm.s32 $_size__tile_overlayer_lowered;
	s6 =	simm.s32 $_tile_overlayer_lowered  }
0x9b: {  	s7 =	simm.s32 $0x1BFF;
	s21 =	sshll.u32 s6, $0x1;
	s4 =	sadd.s32 s4, s20  }
0x9c: {  	s22 =	simm.s32 $0x0;
	s5 =	sshll.u32 s5, $0x1;
	s6 =	sadd.s32 s21, s4  }
0x9d: {  	[timem:s22], [sflag:s7] =	dma.local [hbm:s6], s5  }
0x9e: {  	_ =	swait.ge [sflag:s7], s5  }
0x9f: {  	s5 =	ssub.s32 $0x0, s5;
	[sflag:s7] =	ssyncset.done $0x0  }
0xa0: {  	[sflag:s7] =	ssyncadd.s32 s5;
	_ =	sdelay $0x1  }
0xa1: {  	s23 =	simm.s32 $0x1B8B  }
0xa2: {  	_ =	swait.ge [sflag:s23], $0x1  }
0xa3: {  	[sflag:s23] =	ssyncset.done $0x0  }
0xa4: {  	[sflag:s23] =	ssyncadd.s32 $0xFFFFFFFF  }
0xa5: {  	s5 =	sld [smem:$0x0]  }
0xa6: {  	s6 =	sand.u32 $0xFFFFFFFE, s1  }
0xa7: {  	p0 =	sne.s32 s1, s6  }
0xa8: {  	s6 =	sshll.u32 @p0 s6, $0xE  }
0xa9: {  	s6 =	sadd.s32 @p0 $0x11B8D, s6;
	s7 =	sshll.u32 @p0 s5, $0x11  }
0xaa: {  	s6 =	sor.u32 @p0 s7, s6  }
0xab: {  	[sflag:s6] =	ssyncadd.remote.s32 @p0 $0x1;
	_ =	sdelay $0x1  }
0xac: {  	s6 =	simm.s32 @p0 $0x1B8D  }
0xad: {  	_ =	swait.eq @p0 [sflag:s6], $0x1  }
0xae: {  	[sflag:s6] =	ssyncadd.s32 @p0 $0xFFFFFFFF  }
0xaf: {  	s7 =	sshll.u32 @!p0 s1, $0xE  }
0xb0: {  	s7 =	sor.u32 @!p0 $0x4000, s7;
	s6 =	simm.s32 @!p0 $0x1B8D  }
0xb1: {  	s5 =	sshll.u32 @!p0 s5, $0x11;
	s7 =	sadd.s32 @!p0 $0x11B8D, s7;
	_ =	swait.eq @!p0 [sflag:s6], $0x1  }
0xb2: {  	s5 =	sor.u32 @!p0 s5, s7;
	[sflag:s6] =	ssyncadd.s32 @!p0 $0xFFFFFFFF  }
0xb3: {  	s25 =	simm.s32 $0x1B8E;
	s24 =	sld [smem:$0x3FFE];
	[sflag:s5] =	ssyncadd.remote.s32 @!p0 $0x1  }
0xb4: {  	s26 =	simm.s32 $execute0_lowered;
	[smem:$0x3FD2] =	sst s25  }
0xb5: {  	s6 =	sshll.u32 s26, $0x1;
	_ =	strace $0x80000066;
	[dreg:$0x1] =	wrdreg $0xFFFFFFFF  }
0xb6: {  	s28 =	simm.s32 $_size_execute0_lowered;
	s4 =	sadd.s32 s4, s6;
	[dreg:$0x0] =	wrdreg $0x0  }
0xb7: {  	s6 =	sshll.u32 s28, $0x1;
	[dreg:$0x2] =	wrdreg s4  }
0xb8: {  	[dreg:$0x3] =	wrdreg s6  }
0xb9: {  	[dreg:$0x4] =	wrdreg $0xC0  }
0xba: {  	_ =	task [dreg:s22], $0x5FFFF  }
0xbb: {  	[dreg:$0x1] =	wrdreg $0xFFFFFFFF  }
0xbc: {  	[dreg:$0x0] =	wrdreg $0x60  }
0xbd: {  	[dreg:$0x2] =	wrdreg s18  }
0xbe: {  	[dreg:$0x3] =	wrdreg s24  }
0xbf: {  	[dreg:$0x4] =	wrdreg $0xA  }
0xc0: {  	_ =	task.clear_ibuf [dreg:s22], $0x5FFFF;
	_ =	strace $0x90000066  }
0xc1: {  	s29 =	simm.s32 $0xA;
	_ =	strace $0x8000006D  }
0xc2: {  	_ =	swait.ge [sflag:s29], $0x1  }
0xc3: {  	[sflag:s29] =	ssyncadd.s32 $0xFFFFFFFF  }
0xc4: {  	_ =	strace $0x9000006D  }
0xc5: {  	_ =	sfence  }
0xc6: {  	s30 =	sld [smem:$0x0];
	_ =	sdelay $0x2  }
0xc7: {  	s31 =	sshll.u32 s1, $0xD;
	s1 =	sshrl.u32 s1, $0x2  }
0xc8: {  	s4 =	sand.u32 $0x4000, s31;
	s1 =	sadd.s32 s1, s30  }
0xc9: {  	s0 =	sor.u32 s4, s0;
	s1 =	sshll.u32 s1, $0x11  }
0xca: {  	s0 =	sor.u32 s1, s0  }
0xcb: {  	s0 =	sadd.s32 $0x8F2B, s0  }
0xcc: {  	[sflag:s0] =	ssyncadd.remote.s32 $0x1  }
0xcd: {  	_ =	sfence.sel $0xFFFF  }
0xce: {  	[dreg:$0x0] =	wrdreg $0xFFFFFFFF;
	(pc) =	sbr.abs _section_cstart, $3  }
0xcf: {  	[dreg:$0x1] =	wrdreg $0xFFFFFFFF  }
0xd0: {  	_ =	task.clear_ibuf [dreg:s22], $0x2FFFF;
	_ =	strace $0x9FFFFFFF  }
0xd1: {  	(tm) =	ssettm $0x7FFFFFFF  }
tec
execute0_lowered:
.L_overlay_start_1:
0x0: {  	(tag) =	ssettag $0x1  }
0x1: {  	s1 =	srdreg.scid  }
0x2: {  	s0 =	stileid.u32;
	s9 =	sand.u32 $0x1, s1  }
0x3: {  	s2 =	rddreg [dreg:$0x0];
	s5 =	sshll.u32 s0, $0x8;
	s4 =	sshll.u32 s9, $0xC  }
0x4: {  	s10 =	rddreg [dreg:$0x1];
	s3 =	simm.s32 $0x0;
	s11 =	sor.u32 s5, s4  }
0x5: {  	[smem:$0x7FF] =	sst s3;
	s4 =	sshrl.u32 s11, $0x3  }
0x6: {  	s1 =	rddreg [dreg:$0x2];
	_ =	strace $0x80000067;
	s4 =	sadd.s32 s4, s10  }
0x7: {  	_ =	strace $0x80000068;
	s4 =	sadd.s32 $0x20400, s4  }
0x8: {  	[tilespmem:s3], [sflag:$0x1] =	stream.linear.gather [hbm4b:s4+s3], $0x100, $0x200038;
	[tilespmem:$0x10200] =	vst v63  }
0x9: {  	_ =	strace $0x90000068  }
0xa: {  	s5 =	simm.s32 $0x1;
	_ =	strace $0x80000069  }
0xb: {  	_ =	swait.ge [sflag:s5], $0x100  }
0xc: {  	[sflag:s5] =	ssyncset.done $0x0  }
0xd: {  	[sflag:s5] =	ssyncadd.s32 $0xFFFFFF00  }
0xe: {  	s6 =	simm.s32 $0x100;
	_ =	strace $0x90000069  }
0xf: {  	s7 =	simm.s32 $0x200;
	s8 =	simm.s32 $0x5;
	_ =	strace $0x8000006A  }
0x10: {  	[tilespmem:s7], [sflag:$0x5] =	stream.indirect.gather [hbm4b:s2+s6], $0x80, s3, s6, $0x2000b8;
	[tilespmem:$0x10200] =	vst v63  }
0x11: {  	s30 =	ssub.s32 $0x2, s9;
	_ =	swait.ge [sflag:s8], $0x8000  }
0x12: {  	s31 =	sshrl.u32 s30, $0x1;
	s11 =	sshll.u32 s11, $0x4;
	[sflag:s8] =	ssyncset.done $0x0  }
0x13: {  	s10 =	sadd.s32 s11, s10;
	s11 =	ssub.s32 s30, s31;
	[sflag:s8] =	ssyncadd.s32 $0xFFFF8000  }
0x14: {  	s11 =	smax.u32 s11, $0x1;
	_ =	strace $0x9000006A  }
0x15: {  	s9 =	sadd.s32 $0x20800, s10;
	p0 =	sne.s32 s11, $0x1;
	_ =	strace $0x8000006B  }
0x16: {  	[hbm4b:s9+s3] =	stream.linear.scatter [tilespmem:s7], [sflag:$0x3], $0x8000, $0x200038;
	[tilespmem:$0x10200] =	vst v63  }
.Ltmp0:
0x17: {  	_ =	strace $0x9000006B;
	(pc) =	sbr.rel @!p0 .LBB2_2-.Ltmp0, $4  }
0x18: {  	s10 =	simm.s32 $0x3;
	_ =	strace $0x8000006C  }
0x19: {  	_ =	swait.ge [sflag:s10], $0x8000  }
0x1a: {  	[sflag:s10] =	ssyncset.done $0x0  }
0x1b: {  	s11 =	sadd.s32 $0xFFFFFFFF, s11;
	[sflag:s10] =	ssyncadd.s32 $0xFFFF8000  }
.LBB2_1:
0x1c: {  	p0 =	sne.s32 s11, $0x1;
	s11 =	sadd.s32 $0xFFFFFFFF, s11;
	_ =	strace $0x9000006C  }
0x1d: {  	_ =	strace $0x80000068  }
0x1e: {  	[tilespmem:s3], [sflag:$0x1] =	stream.linear.gather [hbm4b:s4+s3], $0x100, $0x200038;
	[tilespmem:$0x10200] =	vst v63  }
0x1f: {  	_ =	strace $0x90000068  }
0x20: {  	_ =	strace $0x80000069  }
0x21: {  	_ =	swait.ge [sflag:s5], $0x100  }
0x22: {  	[sflag:s5] =	ssyncset.done $0x0  }
0x23: {  	[sflag:s5] =	ssyncadd.s32 $0xFFFFFF00  }
0x24: {  	_ =	strace $0x90000069  }
0x25: {  	_ =	strace $0x8000006A  }
0x26: {  	[tilespmem:s7], [sflag:$0x5] =	stream.indirect.gather [hbm4b:s2+s6], $0x80, s3, s6, $0x2000b8;
	[tilespmem:$0x10200] =	vst v63  }
0x27: {  	_ =	swait.ge [sflag:s8], $0x8000  }
0x28: {  	[sflag:s8] =	ssyncset.done $0x0  }
0x29: {  	[sflag:s8] =	ssyncadd.s32 $0xFFFF8000  }
0x2a: {  	_ =	strace $0x9000006A  }
0x2b: {  	_ =	strace $0x8000006B  }
0x2c: {  	[hbm4b:s9+s3] =	stream.linear.scatter [tilespmem:s7], [sflag:$0x3], $0x8000, $0x200038;
	[tilespmem:$0x10200] =	vst v63  }
.Ltmp1:
0x2d: {  	_ =	strace $0x9000006B;
	(pc) =	sbr.rel @p0 .LBB2_1-.Ltmp1, $4  }
0x2e: {  	_ =	strace $0x8000006C  }
0x2f: {  	_ =	swait.ge [sflag:s10], $0x8000  }
0x30: {  	[sflag:s10] =	ssyncset.done $0x0  }
0x31: {  	[sflag:s10] =	ssyncadd.s32 $0xFFFF8000  }
.LBB2_2:
0x32: {  	_ =	strace $0x9000006C  }
0x33: {  	_ =	sfence.sel $0x180000  }
0x34: {  	[bflag:$0x0] =	sbarrier.arrive $0xFFFF  }
0x35: {  	p0 =	sne.s32 s0, $0x0;
	_ =	strace $0x90000067  }
0x36: {  	s0 =	sadd.s32 @!p0 $0x100000, s1;
	[bflag:$0x2] =	sbarrier.arrive $0xFFFF  }
0x37: {  	[sflag:s0] =	ssyncadd.tile.s32 @!p0 $0x1;
	_ =	shalt  }
.Lfunc_end2:
_tile_overlayer_lowered:
.L_overlay_start_2:
0x38: {  	(tag) =	ssettag $0x2  }
0x39: {  	s0 =	rddreg [dreg:$0x0];
	s2 =	stileid.u32  }
0x3a: {  	s1 =	rddreg [dreg:$0x1];
	p0 =	sne.s32 s2, $0x0  }
0x3b: {  	s3 =	rddreg [dreg:$0x2];
	[bflag:$0x3] =	sbarrier.arrive $0xFFFF;
	s2 =	simm.s32 @!p0 $0x1C01  }
0x3c: {  	[timem:s3], [sflag:s2] =	dma.local @!p0 [hbm:s0], s1  }
0x3d: {  	s0 =	simm.s32 @!p0 $0x1  }
0x3e: {  	_ =	swait.ge @!p0 [sflag:s0], s1  }
0x3f: {  	s1 =	ssub.s32 @!p0 $0x0, s1;
	[sflag:s0] =	ssyncset.done @!p0 $0x0  }
0x40: {  	[sflag:s0] =	ssyncadd.s32 @!p0 s1  }
0x41: {  	[bflag:$0x3] =	sbarrier.arrive $0xFFFF  }
0x42: {  	_ =	shalt  }

// kernel: kernel.18.cloned.1.call-start
scs
__scs_entry_jumppad:
0x0: {  	(pc) =	sbr.rel $0x88, $3  }
0x1: {  	(tag) =	ssettag $0x0;
	lr =	simm.s32 $0x1  }
0x2: {  	[smem:$0x3F97] =	sst lr;
	_ =	strace $0xD0000000  }
0x3: {  	_ = 	snop  }
0x4: {  	_ = 	snop  }
0x5: {  	_ = 	snop  }
0x6: {  	_ = 	snop  }
0x7: {  	_ = 	snop  }
__scs_overlays_trampoline_lowered:
0x8: {  	[smem:$0x3FA6] =	sst s0  }
0x9: {  	[smem:$0x3FA7] =	sst s1  }
0xa: {  	[smem:$0x3FA8] =	sst s2  }
0xb: {  	[smem:$0x3FA9] =	sst s3  }
0xc: {  	[smem:$0x3FAA] =	sst s4  }
0xd: {  	[smem:$0x3FAB] =	sst s5  }
0xe: {  	[smem:$0x3FAC] =	sst s6  }
0xf: {  	[smem:$0x3FAD] =	sst s7  }
0x10: {  	[smem:$0x3FAE] =	sst s8  }
0x11: {  	[smem:$0x3FAF] =	sst s9;
	s0 =	simm.s32 @!p0 $0x0  }
0x12: {  	s1 =	sld [smem:$0x3F95];
	s0 =	simm.s32 @p0 $0x1  }
0x13: {  	[smem:$0x3FB0] =	sst s0;
	s0 =	simm.s32 @!p1 $0x0  }
0x14: {  	s2 =	sld [smem:$0x3F94];
	s0 =	simm.s32 @p1 $0x1  }
0x15: {  	[smem:$0x3FB1] =	sst s0;
	s0 =	simm.s32 @!p2 $0x0  }
0x16: {  	s3 =	sld [smem:$0x3FDB];
	s0 =	simm.s32 @p2 $0x1  }
0x17: {  	s4 =	simm.s32 $0x1BF5;
	[smem:$0x3FB3] =	sst s0  }
0x18: {  	s0 =	sld [smem:$0x3F96];
	_ =	swait.ge [sflag:s4], $0x0  }
0x19: {  	s7 =	sld [smem:$0x3F97]  }
0x1a: {  	s8 =	sadd.s32 $0xFFFFE003, lr  }
0x1b: {  	s9 =	sadd.s32 $0xFFFFFEF7, lr;
	s5 =	simm.s32 $0xFFFFFFFF;
	p2 =	slt.u32 s8, $0xFFFFF086  }
0x1c: {  	p1 =	slt.u32 s9, $0xF7A;
	s5 =	simm.s32 @!p2 $0x0  }
0x1d: {  	s5 =	simm.s32 @p1 $0x1;
	p0 =	seq.s32 s7, s2  }
0x1e: {  	s7 =	smul.u32 @!p0 $0xF7A, s2;
	p2 =	seq.s32 @!p0 s5, $0x0  }
0x1f: {  	s9 =	smul.u32 $0xF7A, s1;
	s8 =	simm.s32 @!p0 $0x1BF5;
	p2 =	por !p2, p0  }
0x20: {  	[sflag:s8] =	ssyncset.s32 @!p0 $0xFFFFF086;
	s6 =	sadd.s32 @!p0 s3, s7;
	s7 =	simm.s32 @!p0 $0x108  }
0x21: {  	s3 =	sadd.s32 s3, s9;
	s6 =	sadd.s32 @!p0 $0x88, s6;
	s7 =	simm.s32 @p2 $0x1082  }
0x22: {  	[simem:s7], [sflag:s8] =	dma.local @!p0 [hbm:s6], $0xF7A  }
0x23: {  	s9 =	sor.u32 $0xD0000000, s2;
	s6 =	simm.s32 $0x108;
	_ =	swait.ge @!p0 [sflag:s8], $0x0  }
0x24: {  	s3 =	sadd.s32 $0x88, s3;
	s6 =	simm.s32 @!p1 $0x1082;
	[sflag:s4] =	ssyncset.s32 $0xFFFFF086  }
0x25: {  	[simem:s6], [sflag:s4] =	dma.local [hbm:s3], $0xF7A  }
0x26: {  	[smem:$0x3F97] =	sst s1;
	(tag) =	ssettag s2;
	_ =	strace s9  }
0x27: {  	s1 =	sld [smem:$0x3FA7]  }
0x28: {  	s2 =	sld [smem:$0x3FA8]  }
0x29: {  	s4 =	sld [smem:$0x3FAA]  }
0x2a: {  	p0 =	seq.s32 s5, $0x0;
	s5 =	sld [smem:$0x3FAB]  }
0x2b: {  	s6 =	sld [smem:$0x3FAC]  }
0x2c: {  	s7 =	sld [smem:$0x3FAD]  }
0x2d: {  	s3 =	simm.s32 $0x108;
	s8 =	sld [smem:$0x3FAE]  }
0x2e: {  	s3 =	simm.s32 @!p0 $0x1082;
	s9 =	sld [smem:$0x3FAF]  }
0x2f: {  	lr =	sadd.s32 s0, s3;
	s0 =	sld [smem:$0x3FA6]  }
0x30: {  	s3 =	sld [smem:$0x3FA9]  }
0x31: {  	[smem:$0x3FB2] =	sst s10  }
0x32: {  	s10 =	sld [smem:$0x3FB0];
	_ =	sdelay $0x3  }
0x33: {  	p0 =	seq.s32 s10, $0x1;
	s10 =	sld [smem:$0x3FB2];
	_ =	sdelay $0x3  }
0x34: {  	[smem:$0x3FB2] =	sst s10  }
0x35: {  	s10 =	sld [smem:$0x3FB1];
	_ =	sdelay $0x3  }
0x36: {  	p1 =	seq.s32 s10, $0x1;
	s10 =	sld [smem:$0x3FB2];
	_ =	sdelay $0x3  }
0x37: {  	[smem:$0x3FB2] =	sst s10  }
0x38: {  	s10 =	sld [smem:$0x3FB3]  }
0x39: {  	_ = 	snop;
	(pc) =	sbr.ind lr, $3  }
0x3a: {  	_ = 	snop  }
0x3b: {  	_ = 	snop  }
0x3c: {  	p2 =	seq.s32 s10, $0x1;
	s10 =	sld [smem:$0x3FB2]  }
0x3d: {  	_ =	shalt  }
0x3e: {  	_ =	shalt  }
0x3f: {  	_ =	shalt  }
0x40: {  	_ =	shalt  }
0x41: {  	_ =	shalt  }
0x42: {  	_ =	shalt  }
0x43: {  	_ =	shalt  }
0x44: {  	_ =	shalt  }
0x45: {  	_ =	shalt  }
0x46: {  	_ =	shalt  }
0x47: {  	_ =	shalt  }
0x48: {  	_ =	shalt  }
0x49: {  	_ =	shalt  }
0x4a: {  	_ =	shalt  }
0x4b: {  	_ =	shalt  }
0x4c: {  	_ =	shalt  }
0x4d: {  	_ =	shalt  }
0x4e: {  	_ =	shalt  }
0x4f: {  	_ =	shalt  }
0x50: {  	_ =	shalt  }
0x51: {  	_ =	shalt  }
0x52: {  	_ =	shalt  }
0x53: {  	_ =	shalt  }
0x54: {  	_ =	shalt  }
0x55: {  	_ =	shalt  }
0x56: {  	_ =	shalt  }
0x57: {  	_ =	shalt  }
0x58: {  	_ =	shalt  }
0x59: {  	_ =	shalt  }
0x5a: {  	_ =	shalt  }
0x5b: {  	_ =	shalt  }
0x5c: {  	_ =	shalt  }
0x5d: {  	_ =	shalt  }
0x5e: {  	_ =	shalt  }
0x5f: {  	_ =	shalt  }
0x60: {  	_ =	shalt  }
0x61: {  	_ =	shalt  }
0x62: {  	_ =	shalt  }
0x63: {  	_ =	shalt  }
0x64: {  	_ =	shalt  }
0x65: {  	_ =	shalt  }
0x66: {  	_ =	shalt  }
0x67: {  	_ =	shalt  }
0x68: {  	_ =	shalt  }
0x69: {  	_ =	shalt  }
0x6a: {  	_ =	shalt  }
0x6b: {  	_ =	shalt  }
0x6c: {  	_ =	shalt  }
0x6d: {  	_ =	shalt  }
0x6e: {  	_ =	shalt  }
0x6f: {  	_ =	shalt  }
0x70: {  	_ =	shalt  }
0x71: {  	_ =	shalt  }
0x72: {  	_ =	shalt  }
0x73: {  	_ =	shalt  }
0x74: {  	_ =	shalt  }
0x75: {  	_ =	shalt  }
0x76: {  	_ =	shalt  }
0x77: {  	_ =	shalt  }
0x78: {  	_ =	shalt  }
0x79: {  	_ =	shalt  }
0x7a: {  	_ =	shalt  }
0x7b: {  	_ =	shalt  }
0x7c: {  	_ =	shalt  }
0x7d: {  	_ =	shalt  }
0x7e: {  	_ =	shalt  }
0x7f: {  	_ =	shalt  }
0x80: {  	_ =	shalt  }
0x81: {  	_ =	shalt  }
0x82: {  	_ =	shalt  }
0x83: {  	_ =	shalt  }
0x84: {  	_ =	shalt  }
0x85: {  	_ =	shalt  }
0x86: {  	_ =	shalt  }
0x87: {  	_ =	shalt  }
.Lfunc_end0:
.L_simem_size_0:
called_computation.2_lowered:
.L_overlay_start_0:
0x88: {  	s2 =	sld [smem:$0x3FD9]  }
0x89: {  	s3 =	sld [smem:$0x3FFE];
	_ =	sdelay $0x1  }
0x8a: {  	s1 =	srdreg.scid  }
0x8b: {  	s0 =	sand.u32 $0x1, s1  }
0x8c: {  	s17 =	sshll.u32 s0, $0xA;
	s2 =	sadd.s32 s3, s2  }
0x8d: {  	s2 =	sadd.s32 s2, s17  }
0x8e: {  	[smem:$0x3FBE] =	sst s2  }
0x8f: {  	_ = 	snop  }
0x90: {  	s18 =	sld [smem:$0x3FC2];
	(tm) =	ssettm $0x1  }
0x91: {  	s19 =	sld [smem:$0x3FFB];
	_ =	sdelay $0x3  }
0x92: {  	_ =	strace s19  }
0x93: {  	s2 =	sld [smem:$0x3FFC];
	_ =	sdelay $0x3  }
0x94: {  	_ =	strace s2  }
0x95: {  	s2 =	sld [smem:$0x3FFD];
	_ =	sdelay $0x3  }
0x96: {  	_ =	strace s2  }
0x97: {  	_ =	strace $0x8FFFFFFF  }
0x98: {  	s20 =	sld [smem:$0x3FDB];
	_ =	sdelay $0x1  }
0x99: {  	s4 =	simm.s32 $_scs_section_size  }
0x9a: {  	s5 =	simm.s32 $_size__tile_overlayer_lowered;
	s6 =	simm.s32 $_tile_overlayer_lowered  }
0x9b: {  	s7 =	simm.s32 $0x1BFF;
	s21 =	sshll.u32 s6, $0x1;
	s4 =	sadd.s32 s4, s20  }
0x9c: {  	s22 =	simm.s32 $0x0;
	s5 =	sshll.u32 s5, $0x1;
	s6 =	sadd.s32 s21, s4  }
0x9d: {  	[timem:s22], [sflag:s7] =	dma.local [hbm:s6], s5  }
0x9e: {  	_ =	swait.ge [sflag:s7], s5  }
0x9f: {  	s5 =	ssub.s32 $0x0, s5;
	[sflag:s7] =	ssyncset.done $0x0  }
0xa0: {  	[sflag:s7] =	ssyncadd.s32 s5;
	_ =	sdelay $0x1  }
0xa1: {  	s23 =	simm.s32 $0x1B8B  }
0xa2: {  	_ =	swait.ge [sflag:s23], $0x1  }
0xa3: {  	[sflag:s23] =	ssyncset.done $0x0  }
0xa4: {  	[sflag:s23] =	ssyncadd.s32 $0xFFFFFFFF  }
0xa5: {  	s5 =	sld [smem:$0x0]  }
0xa6: {  	s6 =	sand.u32 $0xFFFFFFFE, s1  }
0xa7: {  	p0 =	sne.s32 s1, s6  }
0xa8: {  	s6 =	sshll.u32 @p0 s6, $0xE  }
0xa9: {  	s6 =	sadd.s32 @p0 $0x11B8D, s6;
	s7 =	sshll.u32 @p0 s5, $0x11  }
0xaa: {  	s6 =	sor.u32 @p0 s7, s6  }
0xab: {  	[sflag:s6] =	ssyncadd.remote.s32 @p0 $0x1;
	_ =	sdelay $0x1  }
0xac: {  	s6 =	simm.s32 @p0 $0x1B8D  }
0xad: {  	_ =	swait.eq @p0 [sflag:s6], $0x1  }
0xae: {  	[sflag:s6] =	ssyncadd.s32 @p0 $0xFFFFFFFF  }
0xaf: {  	s7 =	sshll.u32 @!p0 s1, $0xE  }
0xb0: {  	s7 =	sor.u32 @!p0 $0x4000, s7;
	s6 =	simm.s32 @!p0 $0x1B8D  }
0xb1: {  	s5 =	sshll.u32 @!p0 s5, $0x11;
	s7 =	sadd.s32 @!p0 $0x11B8D, s7;
	_ =	swait.eq @!p0 [sflag:s6], $0x1  }
0xb2: {  	s5 =	sor.u32 @!p0 s5, s7;
	[sflag:s6] =	ssyncadd.s32 @!p0 $0xFFFFFFFF  }
0xb3: {  	s25 =	simm.s32 $0x1B8E;
	s24 =	sld [smem:$0x3FFE];
	[sflag:s5] =	ssyncadd.remote.s32 @!p0 $0x1  }
0xb4: {  	s26 =	simm.s32 $execute0_lowered;
	[smem:$0x3FD2] =	sst s25  }
0xb5: {  	s6 =	sshll.u32 s26, $0x1;
	_ =	strace $0x8000005E;
	[dreg:$0x1] =	wrdreg $0xFFFFFFFF  }
0xb6: {  	s28 =	simm.s32 $_size_execute0_lowered;
	s4 =	sadd.s32 s4, s6;
	[dreg:$0x0] =	wrdreg $0x0  }
0xb7: {  	s6 =	sshll.u32 s28, $0x1;
	[dreg:$0x2] =	wrdreg s4  }
0xb8: {  	[dreg:$0x3] =	wrdreg s6  }
0xb9: {  	[dreg:$0x4] =	wrdreg $0xC0  }
0xba: {  	_ =	task [dreg:s22], $0x5FFFF  }
0xbb: {  	[dreg:$0x1] =	wrdreg $0xFFFFFFFF  }
0xbc: {  	[dreg:$0x0] =	wrdreg $0x60  }
0xbd: {  	[dreg:$0x2] =	wrdreg s18  }
0xbe: {  	[dreg:$0x3] =	wrdreg s24  }
0xbf: {  	[dreg:$0x4] =	wrdreg $0xB  }
0xc0: {  	_ =	task.clear_ibuf [dreg:s22], $0x5FFFF;
	_ =	strace $0x9000005E  }
0xc1: {  	s29 =	simm.s32 $0xB;
	_ =	strace $0x80000065  }
0xc2: {  	_ =	swait.ge [sflag:s29], $0x1  }
0xc3: {  	[sflag:s29] =	ssyncadd.s32 $0xFFFFFFFF  }
0xc4: {  	_ =	strace $0x90000065  }
0xc5: {  	_ =	sfence  }
0xc6: {  	s30 =	sld [smem:$0x0];
	_ =	sdelay $0x2  }
0xc7: {  	s31 =	sshll.u32 s1, $0xD;
	s1 =	sshrl.u32 s1, $0x2  }
0xc8: {  	s4 =	sand.u32 $0x4000, s31;
	s1 =	sadd.s32 s1, s30  }
0xc9: {  	s0 =	sor.u32 s4, s0;
	s1 =	sshll.u32 s1, $0x11  }
0xca: {  	s0 =	sor.u32 s1, s0  }
0xcb: {  	s0 =	sadd.s32 $0x8F2B, s0  }
0xcc: {  	[sflag:s0] =	ssyncadd.remote.s32 $0x1  }
0xcd: {  	_ =	sfence.sel $0xFFFF  }
0xce: {  	[dreg:$0x0] =	wrdreg $0xFFFFFFFF;
	(pc) =	sbr.abs _section_cstart, $3  }
0xcf: {  	[dreg:$0x1] =	wrdreg $0xFFFFFFFF  }
0xd0: {  	_ =	task.clear_ibuf [dreg:s22], $0x2FFFF;
	_ =	strace $0x9FFFFFFF  }
0xd1: {  	(tm) =	ssettm $0x7FFFFFFF  }
tec
execute0_lowered:
.L_overlay_start_1:
0x0: {  	(tag) =	ssettag $0x1  }
0x1: {  	s1 =	srdreg.scid  }
0x2: {  	s0 =	stileid.u32;
	s9 =	sand.u32 $0x1, s1  }
0x3: {  	s2 =	rddreg [dreg:$0x0];
	s5 =	sshll.u32 s0, $0x8;
	s4 =	sshll.u32 s9, $0xC  }
0x4: {  	s10 =	rddreg [dreg:$0x1];
	s3 =	simm.s32 $0x0;
	s11 =	sor.u32 s5, s4  }
0x5: {  	[smem:$0x7FF] =	sst s3;
	s4 =	sshrl.u32 s11, $0x3  }
0x6: {  	s1 =	rddreg [dreg:$0x2];
	_ =	strace $0x8000005F;
	s4 =	sadd.s32 s4, s10  }
0x7: {  	_ =	strace $0x80000060;
	s4 =	sadd.s32 $0xE0C00, s4  }
0x8: {  	[tilespmem:s3], [sflag:$0x1] =	stream.linear.gather [hbm4b:s4+s3], $0x100, $0x200038;
	[tilespmem:$0x10200] =	vst v63  }
0x9: {  	_ =	strace $0x90000060  }
0xa: {  	s5 =	simm.s32 $0x1;
	_ =	strace $0x80000061  }
0xb: {  	_ =	swait.ge [sflag:s5], $0x100  }
0xc: {  	[sflag:s5] =	ssyncset.done $0x0  }
0xd: {  	[sflag:s5] =	ssyncadd.s32 $0xFFFFFF00  }
0xe: {  	s6 =	simm.s32 $0x100;
	_ =	strace $0x90000061  }
0xf: {  	s7 =	simm.s32 $0x200;
	s8 =	simm.s32 $0x5;
	_ =	strace $0x80000062  }
0x10: {  	[tilespmem:s7], [sflag:$0x5] =	stream.indirect.gather [hbm4b:s2+s6], $0x80, s3, s6, $0x2000b8;
	[tilespmem:$0x10200] =	vst v63  }
0x11: {  	s30 =	ssub.s32 $0x2, s9;
	_ =	swait.ge [sflag:s8], $0x8000  }
0x12: {  	s31 =	sshrl.u32 s30, $0x1;
	s11 =	sshll.u32 s11, $0x4;
	[sflag:s8] =	ssyncset.done $0x0  }
0x13: {  	s10 =	sadd.s32 s11, s10;
	s11 =	ssub.s32 s30, s31;
	[sflag:s8] =	ssyncadd.s32 $0xFFFF8000  }
0x14: {  	s11 =	smax.u32 s11, $0x1;
	_ =	strace $0x90000062  }
0x15: {  	s9 =	sadd.s32 $0xE1000, s10;
	p0 =	sne.s32 s11, $0x1;
	_ =	strace $0x80000063  }
0x16: {  	[hbm4b:s9+s3] =	stream.linear.scatter [tilespmem:s7], [sflag:$0x3], $0x8000, $0x200038;
	[tilespmem:$0x10200] =	vst v63  }
.Ltmp0:
0x17: {  	_ =	strace $0x90000063;
	(pc) =	sbr.rel @!p0 .LBB2_2-.Ltmp0, $4  }
0x18: {  	s10 =	simm.s32 $0x3;
	_ =	strace $0x80000064  }
0x19: {  	_ =	swait.ge [sflag:s10], $0x8000  }
0x1a: {  	[sflag:s10] =	ssyncset.done $0x0  }
0x1b: {  	s11 =	sadd.s32 $0xFFFFFFFF, s11;
	[sflag:s10] =	ssyncadd.s32 $0xFFFF8000  }
.LBB2_1:
0x1c: {  	p0 =	sne.s32 s11, $0x1;
	s11 =	sadd.s32 $0xFFFFFFFF, s11;
	_ =	strace $0x90000064  }
0x1d: {  	_ =	strace $0x80000060  }
0x1e: {  	[tilespmem:s3], [sflag:$0x1] =	stream.linear.gather [hbm4b:s4+s3], $0x100, $0x200038;
	[tilespmem:$0x10200] =	vst v63  }
0x1f: {  	_ =	strace $0x90000060  }
0x20: {  	_ =	strace $0x80000061  }
0x21: {  	_ =	swait.ge [sflag:s5], $0x100  }
0x22: {  	[sflag:s5] =	ssyncset.done $0x0  }
0x23: {  	[sflag:s5] =	ssyncadd.s32 $0xFFFFFF00  }
0x24: {  	_ =	strace $0x90000061  }
0x25: {  	_ =	strace $0x80000062  }
0x26: {  	[tilespmem:s7], [sflag:$0x5] =	stream.indirect.gather [hbm4b:s2+s6], $0x80, s3, s6, $0x2000b8;
	[tilespmem:$0x10200] =	vst v63  }
0x27: {  	_ =	swait.ge [sflag:s8], $0x8000  }
0x28: {  	[sflag:s8] =	ssyncset.done $0x0  }
0x29: {  	[sflag:s8] =	ssyncadd.s32 $0xFFFF8000  }
0x2a: {  	_ =	strace $0x90000062  }
0x2b: {  	_ =	strace $0x80000063  }
0x2c: {  	[hbm4b:s9+s3] =	stream.linear.scatter [tilespmem:s7], [sflag:$0x3], $0x8000, $0x200038;
	[tilespmem:$0x10200] =	vst v63  }
.Ltmp1:
0x2d: {  	_ =	strace $0x90000063;
	(pc) =	sbr.rel @p0 .LBB2_1-.Ltmp1, $4  }
0x2e: {  	_ =	strace $0x80000064  }
0x2f: {  	_ =	swait.ge [sflag:s10], $0x8000  }
0x30: {  	[sflag:s10] =	ssyncset.done $0x0  }
0x31: {  	[sflag:s10] =	ssyncadd.s32 $0xFFFF8000  }
.LBB2_2:
0x32: {  	_ =	strace $0x90000064  }
0x33: {  	_ =	sfence.sel $0x180000  }
0x34: {  	[bflag:$0x0] =	sbarrier.arrive $0xFFFF  }
0x35: {  	p0 =	sne.s32 s0, $0x0;
	_ =	strace $0x9000005F  }
0x36: {  	s0 =	sadd.s32 @!p0 $0x100000, s1;
	[bflag:$0x2] =	sbarrier.arrive $0xFFFF  }
0x37: {  	[sflag:s0] =	ssyncadd.tile.s32 @!p0 $0x1;
	_ =	shalt  }
.Lfunc_end2:
_tile_overlayer_lowered:
.L_overlay_start_2:
0x38: {  	(tag) =	ssettag $0x2  }
0x39: {  	s0 =	rddreg [dreg:$0x0];
	s2 =	stileid.u32  }
0x3a: {  	s1 =	rddreg [dreg:$0x1];
	p0 =	sne.s32 s2, $0x0  }
0x3b: {  	s3 =	rddreg [dreg:$0x2];
	[bflag:$0x3] =	sbarrier.arrive $0xFFFF;
	s2 =	simm.s32 @!p0 $0x1C01  }
0x3c: {  	[timem:s3], [sflag:s2] =	dma.local @!p0 [hbm:s0], s1  }
0x3d: {  	s0 =	simm.s32 @!p0 $0x1  }
0x3e: {  	_ =	swait.ge @!p0 [sflag:s0], s1  }
0x3f: {  	s1 =	ssub.s32 @!p0 $0x0, s1;
	[sflag:s0] =	ssyncset.done @!p0 $0x0  }
0x40: {  	[sflag:s0] =	ssyncadd.s32 @!p0 s1  }
0x41: {  	[bflag:$0x3] =	sbarrier.arrive $0xFFFF  }
0x42: {  	_ =	shalt  }

// kernel: kernel.21.cloned.1.call-start
scs
__scs_entry_jumppad:
0x0: {  	(pc) =	sbr.rel $0x88, $3  }
0x1: {  	(tag) =	ssettag $0x0;
	lr =	simm.s32 $0x1  }
0x2: {  	[smem:$0x3F97] =	sst lr;
	_ =	strace $0xD0000000  }
0x3: {  	_ = 	snop  }
0x4: {  	_ = 	snop  }
0x5: {  	_ = 	snop  }
0x6: {  	_ = 	snop  }
0x7: {  	_ = 	snop  }
__scs_overlays_trampoline_lowered:
0x8: {  	[smem:$0x3FA6] =	sst s0  }
0x9: {  	[smem:$0x3FA7] =	sst s1  }
0xa: {  	[smem:$0x3FA8] =	sst s2  }
0xb: {  	[smem:$0x3FA9] =	sst s3  }
0xc: {  	[smem:$0x3FAA] =	sst s4  }
0xd: {  	[smem:$0x3FAB] =	sst s5  }
0xe: {  	[smem:$0x3FAC] =	sst s6  }
0xf: {  	[smem:$0x3FAD] =	sst s7  }
0x10: {  	[smem:$0x3FAE] =	sst s8  }
0x11: {  	[smem:$0x3FAF] =	sst s9;
	s0 =	simm.s32 @!p0 $0x0  }
0x12: {  	s1 =	sld [smem:$0x3F95];
	s0 =	simm.s32 @p0 $0x1  }
0x13: {  	[smem:$0x3FB0] =	sst s0;
	s0 =	simm.s32 @!p1 $0x0  }
0x14: {  	s2 =	sld [smem:$0x3F94];
	s0 =	simm.s32 @p1 $0x1  }
0x15: {  	[smem:$0x3FB1] =	sst s0;
	s0 =	simm.s32 @!p2 $0x0  }
0x16: {  	s3 =	sld [smem:$0x3FDB];
	s0 =	simm.s32 @p2 $0x1  }
0x17: {  	s4 =	simm.s32 $0x1BF5;
	[smem:$0x3FB3] =	sst s0  }
0x18: {  	s0 =	sld [smem:$0x3F96];
	_ =	swait.ge [sflag:s4], $0x0  }
0x19: {  	s7 =	sld [smem:$0x3F97]  }
0x1a: {  	s8 =	sadd.s32 $0xFFFFE003, lr  }
0x1b: {  	s9 =	sadd.s32 $0xFFFFFEF7, lr;
	s5 =	simm.s32 $0xFFFFFFFF;
	p2 =	slt.u32 s8, $0xFFFFF086  }
0x1c: {  	p1 =	slt.u32 s9, $0xF7A;
	s5 =	simm.s32 @!p2 $0x0  }
0x1d: {  	s5 =	simm.s32 @p1 $0x1;
	p0 =	seq.s32 s7, s2  }
0x1e: {  	s7 =	smul.u32 @!p0 $0xF7A, s2;
	p2 =	seq.s32 @!p0 s5, $0x0  }
0x1f: {  	s9 =	smul.u32 $0xF7A, s1;
	s8 =	simm.s32 @!p0 $0x1BF5;
	p2 =	por !p2, p0  }
0x20: {  	[sflag:s8] =	ssyncset.s32 @!p0 $0xFFFFF086;
	s6 =	sadd.s32 @!p0 s3, s7;
	s7 =	simm.s32 @!p0 $0x108  }
0x21: {  	s3 =	sadd.s32 s3, s9;
	s6 =	sadd.s32 @!p0 $0x88, s6;
	s7 =	simm.s32 @p2 $0x1082  }
0x22: {  	[simem:s7], [sflag:s8] =	dma.local @!p0 [hbm:s6], $0xF7A  }
0x23: {  	s9 =	sor.u32 $0xD0000000, s2;
	s6 =	simm.s32 $0x108;
	_ =	swait.ge @!p0 [sflag:s8], $0x0  }
0x24: {  	s3 =	sadd.s32 $0x88, s3;
	s6 =	simm.s32 @!p1 $0x1082;
	[sflag:s4] =	ssyncset.s32 $0xFFFFF086  }
0x25: {  	[simem:s6], [sflag:s4] =	dma.local [hbm:s3], $0xF7A  }
0x26: {  	[smem:$0x3F97] =	sst s1;
	(tag) =	ssettag s2;
	_ =	strace s9  }
0x27: {  	s1 =	sld [smem:$0x3FA7]  }
0x28: {  	s2 =	sld [smem:$0x3FA8]  }
0x29: {  	s4 =	sld [smem:$0x3FAA]  }
0x2a: {  	p0 =	seq.s32 s5, $0x0;
	s5 =	sld [smem:$0x3FAB]  }
0x2b: {  	s6 =	sld [smem:$0x3FAC]  }
0x2c: {  	s7 =	sld [smem:$0x3FAD]  }
0x2d: {  	s3 =	simm.s32 $0x108;
	s8 =	sld [smem:$0x3FAE]  }
0x2e: {  	s3 =	simm.s32 @!p0 $0x1082;
	s9 =	sld [smem:$0x3FAF]  }
0x2f: {  	lr =	sadd.s32 s0, s3;
	s0 =	sld [smem:$0x3FA6]  }
0x30: {  	s3 =	sld [smem:$0x3FA9]  }
0x31: {  	[smem:$0x3FB2] =	sst s10  }
0x32: {  	s10 =	sld [smem:$0x3FB0];
	_ =	sdelay $0x3  }
0x33: {  	p0 =	seq.s32 s10, $0x1;
	s10 =	sld [smem:$0x3FB2];
	_ =	sdelay $0x3  }
0x34: {  	[smem:$0x3FB2] =	sst s10  }
0x35: {  	s10 =	sld [smem:$0x3FB1];
	_ =	sdelay $0x3  }
0x36: {  	p1 =	seq.s32 s10, $0x1;
	s10 =	sld [smem:$0x3FB2];
	_ =	sdelay $0x3  }
0x37: {  	[smem:$0x3FB2] =	sst s10  }
0x38: {  	s10 =	sld [smem:$0x3FB3]  }
0x39: {  	_ = 	snop;
	(pc) =	sbr.ind lr, $3  }
0x3a: {  	_ = 	snop  }
0x3b: {  	_ = 	snop  }
0x3c: {  	p2 =	seq.s32 s10, $0x1;
	s10 =	sld [smem:$0x3FB2]  }
0x3d: {  	_ =	shalt  }
0x3e: {  	_ =	shalt  }
0x3f: {  	_ =	shalt  }
0x40: {  	_ =	shalt  }
0x41: {  	_ =	shalt  }
0x42: {  	_ =	shalt  }
0x43: {  	_ =	shalt  }
0x44: {  	_ =	shalt  }
0x45: {  	_ =	shalt  }
0x46: {  	_ =	shalt  }
0x47: {  	_ =	shalt  }
0x48: {  	_ =	shalt  }
0x49: {  	_ =	shalt  }
0x4a: {  	_ =	shalt  }
0x4b: {  	_ =	shalt  }
0x4c: {  	_ =	shalt  }
0x4d: {  	_ =	shalt  }
0x4e: {  	_ =	shalt  }
0x4f: {  	_ =	shalt  }
0x50: {  	_ =	shalt  }
0x51: {  	_ =	shalt  }
0x52: {  	_ =	shalt  }
0x53: {  	_ =	shalt  }
0x54: {  	_ =	shalt  }
0x55: {  	_ =	shalt  }
0x56: {  	_ =	shalt  }
0x57: {  	_ =	shalt  }
0x58: {  	_ =	shalt  }
0x59: {  	_ =	shalt  }
0x5a: {  	_ =	shalt  }
0x5b: {  	_ =	shalt  }
0x5c: {  	_ =	shalt  }
0x5d: {  	_ =	shalt  }
0x5e: {  	_ =	shalt  }
0x5f: {  	_ =	shalt  }
0x60: {  	_ =	shalt  }
0x61: {  	_ =	shalt  }
0x62: {  	_ =	shalt  }
0x63: {  	_ =	shalt  }
0x64: {  	_ =	shalt  }
0x65: {  	_ =	shalt  }
0x66: {  	_ =	shalt  }
0x67: {  	_ =	shalt  }
0x68: {  	_ =	shalt  }
0x69: {  	_ =	shalt  }
0x6a: {  	_ =	shalt  }
0x6b: {  	_ =	shalt  }
0x6c: {  	_ =	shalt  }
0x6d: {  	_ =	shalt  }
0x6e: {  	_ =	shalt  }
0x6f: {  	_ =	shalt  }
0x70: {  	_ =	shalt  }
0x71: {  	_ =	shalt  }
0x72: {  	_ =	shalt  }
0x73: {  	_ =	shalt  }
0x74: {  	_ =	shalt  }
0x75: {  	_ =	shalt  }
0x76: {  	_ =	shalt  }
0x77: {  	_ =	shalt  }
0x78: {  	_ =	shalt  }
0x79: {  	_ =	shalt  }
0x7a: {  	_ =	shalt  }
0x7b: {  	_ =	shalt  }
0x7c: {  	_ =	shalt  }
0x7d: {  	_ =	shalt  }
0x7e: {  	_ =	shalt  }
0x7f: {  	_ =	shalt  }
0x80: {  	_ =	shalt  }
0x81: {  	_ =	shalt  }
0x82: {  	_ =	shalt  }
0x83: {  	_ =	shalt  }
0x84: {  	_ =	shalt  }
0x85: {  	_ =	shalt  }
0x86: {  	_ =	shalt  }
0x87: {  	_ =	shalt  }
.Lfunc_end0:
.L_simem_size_0:
called_computation.3_lowered:
.L_overlay_start_0:
0x88: {  	s2 =	sld [smem:$0x3FD9]  }
0x89: {  	s3 =	sld [smem:$0x3FFE];
	_ =	sdelay $0x1  }
0x8a: {  	s1 =	srdreg.scid  }
0x8b: {  	s0 =	sand.u32 $0x1, s1  }
0x8c: {  	s17 =	sshll.u32 s0, $0xA;
	s2 =	sadd.s32 s3, s2  }
0x8d: {  	s2 =	sadd.s32 s2, s17  }
0x8e: {  	[smem:$0x3FBE] =	sst s2  }
0x8f: {  	_ = 	snop  }
0x90: {  	s18 =	sld [smem:$0x3FC2];
	(tm) =	ssettm $0x1  }
0x91: {  	s19 =	sld [smem:$0x3FFB];
	_ =	sdelay $0x3  }
0x92: {  	_ =	strace s19  }
0x93: {  	s2 =	sld [smem:$0x3FFC];
	_ =	sdelay $0x3  }
0x94: {  	_ =	strace s2  }
0x95: {  	s2 =	sld [smem:$0x3FFD];
	_ =	sdelay $0x3  }
0x96: {  	_ =	strace s2  }
0x97: {  	_ =	strace $0x8FFFFFFF  }
0x98: {  	s20 =	sld [smem:$0x3FDB];
	_ =	sdelay $0x1  }
0x99: {  	s4 =	simm.s32 $_scs_section_size  }
0x9a: {  	s5 =	simm.s32 $_size__tile_overlayer_lowered;
	s6 =	simm.s32 $_tile_overlayer_lowered  }
0x9b: {  	s7 =	simm.s32 $0x1BFF;
	s21 =	sshll.u32 s6, $0x1;
	s4 =	sadd.s32 s4, s20  }
0x9c: {  	s22 =	simm.s32 $0x0;
	s5 =	sshll.u32 s5, $0x1;
	s6 =	sadd.s32 s21, s4  }
0x9d: {  	[timem:s22], [sflag:s7] =	dma.local [hbm:s6], s5  }
0x9e: {  	_ =	swait.ge [sflag:s7], s5  }
0x9f: {  	s5 =	ssub.s32 $0x0, s5;
	[sflag:s7] =	ssyncset.done $0x0  }
0xa0: {  	[sflag:s7] =	ssyncadd.s32 s5;
	_ =	sdelay $0x1  }
0xa1: {  	s23 =	simm.s32 $0x1B8B  }
0xa2: {  	_ =	swait.ge [sflag:s23], $0x1  }
0xa3: {  	[sflag:s23] =	ssyncset.done $0x0  }
0xa4: {  	[sflag:s23] =	ssyncadd.s32 $0xFFFFFFFF  }
0xa5: {  	s5 =	sld [smem:$0x0]  }
0xa6: {  	s6 =	sand.u32 $0xFFFFFFFE, s1  }
0xa7: {  	p0 =	sne.s32 s1, s6  }
0xa8: {  	s6 =	sshll.u32 @p0 s6, $0xE  }
0xa9: {  	s6 =	sadd.s32 @p0 $0x11B8D, s6;
	s7 =	sshll.u32 @p0 s5, $0x11  }
0xaa: {  	s6 =	sor.u32 @p0 s7, s6  }
0xab: {  	[sflag:s6] =	ssyncadd.remote.s32 @p0 $0x1;
	_ =	sdelay $0x1  }
0xac: {  	s6 =	simm.s32 @p0 $0x1B8D  }
0xad: {  	_ =	swait.eq @p0 [sflag:s6], $0x1  }
0xae: {  	[sflag:s6] =	ssyncadd.s32 @p0 $0xFFFFFFFF  }
0xaf: {  	s7 =	sshll.u32 @!p0 s1, $0xE  }
0xb0: {  	s7 =	sor.u32 @!p0 $0x4000, s7;
	s6 =	simm.s32 @!p0 $0x1B8D  }
0xb1: {  	s5 =	sshll.u32 @!p0 s5, $0x11;
	s7 =	sadd.s32 @!p0 $0x11B8D, s7;
	_ =	swait.eq @!p0 [sflag:s6], $0x1  }
0xb2: {  	s5 =	sor.u32 @!p0 s5, s7;
	[sflag:s6] =	ssyncadd.s32 @!p0 $0xFFFFFFFF  }
0xb3: {  	s25 =	simm.s32 $0x1B8E;
	s24 =	sld [smem:$0x3FFE];
	[sflag:s5] =	ssyncadd.remote.s32 @!p0 $0x1  }
0xb4: {  	s26 =	simm.s32 $execute0_lowered;
	[smem:$0x3FD2] =	sst s25  }
0xb5: {  	s6 =	sshll.u32 s26, $0x1;
	_ =	strace $0x80000056;
	[dreg:$0x1] =	wrdreg $0xFFFFFFFF  }
0xb6: {  	s28 =	simm.s32 $_size_execute0_lowered;
	s4 =	sadd.s32 s4, s6;
	[dreg:$0x0] =	wrdreg $0x0  }
0xb7: {  	s6 =	sshll.u32 s28, $0x1;
	[dreg:$0x2] =	wrdreg s4  }
0xb8: {  	[dreg:$0x3] =	wrdreg s6  }
0xb9: {  	[dreg:$0x4] =	wrdreg $0xC0  }
0xba: {  	_ =	task [dreg:s22], $0x5FFFF  }
0xbb: {  	[dreg:$0x1] =	wrdreg $0xFFFFFFFF  }
0xbc: {  	[dreg:$0x0] =	wrdreg $0x60  }
0xbd: {  	[dreg:$0x2] =	wrdreg s18  }
0xbe: {  	[dreg:$0x3] =	wrdreg s24  }
0xbf: {  	[dreg:$0x4] =	wrdreg $0xC  }
0xc0: {  	_ =	task.clear_ibuf [dreg:s22], $0x5FFFF;
	_ =	strace $0x90000056  }
0xc1: {  	s29 =	simm.s32 $0xC;
	_ =	strace $0x8000005D  }
0xc2: {  	_ =	swait.ge [sflag:s29], $0x1  }
0xc3: {  	[sflag:s29] =	ssyncadd.s32 $0xFFFFFFFF  }
0xc4: {  	_ =	strace $0x9000005D  }
0xc5: {  	_ =	sfence  }
0xc6: {  	s30 =	sld [smem:$0x0];
	_ =	sdelay $0x2  }
0xc7: {  	s31 =	sshll.u32 s1, $0xD;
	s1 =	sshrl.u32 s1, $0x2  }
0xc8: {  	s4 =	sand.u32 $0x4000, s31;
	s1 =	sadd.s32 s1, s30  }
0xc9: {  	s0 =	sor.u32 s4, s0;
	s1 =	sshll.u32 s1, $0x11  }
0xca: {  	s0 =	sor.u32 s1, s0  }
0xcb: {  	s0 =	sadd.s32 $0x8F2B, s0  }
0xcc: {  	[sflag:s0] =	ssyncadd.remote.s32 $0x1  }
0xcd: {  	_ =	sfence.sel $0xFFFF  }
0xce: {  	[dreg:$0x0] =	wrdreg $0xFFFFFFFF;
	(pc) =	sbr.abs _section_cstart, $3  }
0xcf: {  	[dreg:$0x1] =	wrdreg $0xFFFFFFFF  }
0xd0: {  	_ =	task.clear_ibuf [dreg:s22], $0x2FFFF;
	_ =	strace $0x9FFFFFFF  }
0xd1: {  	(tm) =	ssettm $0x7FFFFFFF  }
tec
execute0_lowered:
.L_overlay_start_1:
0x0: {  	(tag) =	ssettag $0x1  }
0x1: {  	s1 =	srdreg.scid  }
0x2: {  	s0 =	stileid.u32;
	s9 =	sand.u32 $0x1, s1  }
0x3: {  	s2 =	rddreg [dreg:$0x0];
	s5 =	sshll.u32 s0, $0x8;
	s4 =	sshll.u32 s9, $0xC  }
0x4: {  	s10 =	rddreg [dreg:$0x1];
	s3 =	simm.s32 $0x0;
	s11 =	sor.u32 s5, s4  }
0x5: {  	[smem:$0x7FF] =	sst s3;
	s4 =	sshrl.u32 s11, $0x3  }
0x6: {  	s1 =	rddreg [dreg:$0x2];
	_ =	strace $0x80000057;
	s4 =	sadd.s32 s4, s10  }
0x7: {  	_ =	strace $0x80000058;
	s4 =	sadd.s32 $0xC0800, s4  }
0x8: {  	[tilespmem:s3], [sflag:$0x1] =	stream.linear.gather [hbm4b:s4+s3], $0x100, $0x200038;
	[tilespmem:$0x10200] =	vst v63  }
0x9: {  	_ =	strace $0x90000058  }
0xa: {  	s5 =	simm.s32 $0x1;
	_ =	strace $0x80000059  }
0xb: {  	_ =	swait.ge [sflag:s5], $0x100  }
0xc: {  	[sflag:s5] =	ssyncset.done $0x0  }
0xd: {  	[sflag:s5] =	ssyncadd.s32 $0xFFFFFF00  }
0xe: {  	s6 =	simm.s32 $0x100;
	_ =	strace $0x90000059  }
0xf: {  	s7 =	simm.s32 $0x200;
	s8 =	simm.s32 $0x5;
	_ =	strace $0x8000005A  }
0x10: {  	[tilespmem:s7], [sflag:$0x5] =	stream.indirect.gather [hbm4b:s2+s6], $0x80, s3, s6, $0x2000b8;
	[tilespmem:$0x10200] =	vst v63  }
0x11: {  	s30 =	ssub.s32 $0x2, s9;
	_ =	swait.ge [sflag:s8], $0x8000  }
0x12: {  	s31 =	sshrl.u32 s30, $0x1;
	s11 =	sshll.u32 s11, $0x4;
	[sflag:s8] =	ssyncset.done $0x0  }
0x13: {  	s10 =	sadd.s32 s11, s10;
	s11 =	ssub.s32 s30, s31;
	[sflag:s8] =	ssyncadd.s32 $0xFFFF8000  }
0x14: {  	s11 =	smax.u32 s11, $0x1;
	_ =	strace $0x9000005A  }
0x15: {  	s9 =	sadd.s32 $0xC0C00, s10;
	p0 =	sne.s32 s11, $0x1;
	_ =	strace $0x8000005B  }
0x16: {  	[hbm4b:s9+s3] =	stream.linear.scatter [tilespmem:s7], [sflag:$0x3], $0x8000, $0x200038;
	[tilespmem:$0x10200] =	vst v63  }
.Ltmp0:
0x17: {  	_ =	strace $0x9000005B;
	(pc) =	sbr.rel @!p0 .LBB2_2-.Ltmp0, $4  }
0x18: {  	s10 =	simm.s32 $0x3;
	_ =	strace $0x8000005C  }
0x19: {  	_ =	swait.ge [sflag:s10], $0x8000  }
0x1a: {  	[sflag:s10] =	ssyncset.done $0x0  }
0x1b: {  	s11 =	sadd.s32 $0xFFFFFFFF, s11;
	[sflag:s10] =	ssyncadd.s32 $0xFFFF8000  }
.LBB2_1:
0x1c: {  	p0 =	sne.s32 s11, $0x1;
	s11 =	sadd.s32 $0xFFFFFFFF, s11;
	_ =	strace $0x9000005C  }
0x1d: {  	_ =	strace $0x80000058  }
0x1e: {  	[tilespmem:s3], [sflag:$0x1] =	stream.linear.gather [hbm4b:s4+s3], $0x100, $0x200038;
	[tilespmem:$0x10200] =	vst v63  }
0x1f: {  	_ =	strace $0x90000058  }
0x20: {  	_ =	strace $0x80000059  }
0x21: {  	_ =	swait.ge [sflag:s5], $0x100  }
0x22: {  	[sflag:s5] =	ssyncset.done $0x0  }
0x23: {  	[sflag:s5] =	ssyncadd.s32 $0xFFFFFF00  }
0x24: {  	_ =	strace $0x90000059  }
0x25: {  	_ =	strace $0x8000005A  }
0x26: {  	[tilespmem:s7], [sflag:$0x5] =	stream.indirect.gather [hbm4b:s2+s6], $0x80, s3, s6, $0x2000b8;
	[tilespmem:$0x10200] =	vst v63  }
0x27: {  	_ =	swait.ge [sflag:s8], $0x8000  }
0x28: {  	[sflag:s8] =	ssyncset.done $0x0  }
0x29: {  	[sflag:s8] =	ssyncadd.s32 $0xFFFF8000  }
0x2a: {  	_ =	strace $0x9000005A  }
0x2b: {  	_ =	strace $0x8000005B  }
0x2c: {  	[hbm4b:s9+s3] =	stream.linear.scatter [tilespmem:s7], [sflag:$0x3], $0x8000, $0x200038;
	[tilespmem:$0x10200] =	vst v63  }
.Ltmp1:
0x2d: {  	_ =	strace $0x9000005B;
	(pc) =	sbr.rel @p0 .LBB2_1-.Ltmp1, $4  }
0x2e: {  	_ =	strace $0x8000005C  }
0x2f: {  	_ =	swait.ge [sflag:s10], $0x8000  }
0x30: {  	[sflag:s10] =	ssyncset.done $0x0  }
0x31: {  	[sflag:s10] =	ssyncadd.s32 $0xFFFF8000  }
.LBB2_2:
0x32: {  	_ =	strace $0x9000005C  }
0x33: {  	_ =	sfence.sel $0x180000  }
0x34: {  	[bflag:$0x0] =	sbarrier.arrive $0xFFFF  }
0x35: {  	p0 =	sne.s32 s0, $0x0;
	_ =	strace $0x90000057  }
0x36: {  	s0 =	sadd.s32 @!p0 $0x100000, s1;
	[bflag:$0x2] =	sbarrier.arrive $0xFFFF  }
0x37: {  	[sflag:s0] =	ssyncadd.tile.s32 @!p0 $0x1;
	_ =	shalt  }
.Lfunc_end2:
_tile_overlayer_lowered:
.L_overlay_start_2:
0x38: {  	(tag) =	ssettag $0x2  }
0x39: {  	s0 =	rddreg [dreg:$0x0];
	s2 =	stileid.u32  }
0x3a: {  	s1 =	rddreg [dreg:$0x1];
	p0 =	sne.s32 s2, $0x0  }
0x3b: {  	s3 =	rddreg [dreg:$0x2];
	[bflag:$0x3] =	sbarrier.arrive $0xFFFF;
	s2 =	simm.s32 @!p0 $0x1C01  }
0x3c: {  	[timem:s3], [sflag:s2] =	dma.local @!p0 [hbm:s0], s1  }
0x3d: {  	s0 =	simm.s32 @!p0 $0x1  }
0x3e: {  	_ =	swait.ge @!p0 [sflag:s0], s1  }
0x3f: {  	s1 =	ssub.s32 @!p0 $0x0, s1;
	[sflag:s0] =	ssyncset.done @!p0 $0x0  }
0x40: {  	[sflag:s0] =	ssyncadd.s32 @!p0 s1  }
0x41: {  	[bflag:$0x3] =	sbarrier.arrive $0xFFFF  }
0x42: {  	_ =	shalt  }

// kernel: kernel.24.cloned.1.call-start
scs
__scs_entry_jumppad:
0x0: {  	(pc) =	sbr.rel $0x88, $3  }
0x1: {  	(tag) =	ssettag $0x0;
	lr =	simm.s32 $0x1  }
0x2: {  	[smem:$0x3F97] =	sst lr;
	_ =	strace $0xD0000000  }
0x3: {  	_ = 	snop  }
0x4: {  	_ = 	snop  }
0x5: {  	_ = 	snop  }
0x6: {  	_ = 	snop  }
0x7: {  	_ = 	snop  }
__scs_overlays_trampoline_lowered:
0x8: {  	[smem:$0x3FA6] =	sst s0  }
0x9: {  	[smem:$0x3FA7] =	sst s1  }
0xa: {  	[smem:$0x3FA8] =	sst s2  }
0xb: {  	[smem:$0x3FA9] =	sst s3  }
0xc: {  	[smem:$0x3FAA] =	sst s4  }
0xd: {  	[smem:$0x3FAB] =	sst s5  }
0xe: {  	[smem:$0x3FAC] =	sst s6  }
0xf: {  	[smem:$0x3FAD] =	sst s7  }
0x10: {  	[smem:$0x3FAE] =	sst s8  }
0x11: {  	[smem:$0x3FAF] =	sst s9;
	s0 =	simm.s32 @!p0 $0x0  }
0x12: {  	s1 =	sld [smem:$0x3F95];
	s0 =	simm.s32 @p0 $0x1  }
0x13: {  	[smem:$0x3FB0] =	sst s0;
	s0 =	simm.s32 @!p1 $0x0  }
0x14: {  	s2 =	sld [smem:$0x3F94];
	s0 =	simm.s32 @p1 $0x1  }
0x15: {  	[smem:$0x3FB1] =	sst s0;
	s0 =	simm.s32 @!p2 $0x0  }
0x16: {  	s3 =	sld [smem:$0x3FDB];
	s0 =	simm.s32 @p2 $0x1  }
0x17: {  	s4 =	simm.s32 $0x1BF5;
	[smem:$0x3FB3] =	sst s0  }
0x18: {  	s0 =	sld [smem:$0x3F96];
	_ =	swait.ge [sflag:s4], $0x0  }
0x19: {  	s7 =	sld [smem:$0x3F97]  }
0x1a: {  	s8 =	sadd.s32 $0xFFFFE003, lr  }
0x1b: {  	s9 =	sadd.s32 $0xFFFFFEF7, lr;
	s5 =	simm.s32 $0xFFFFFFFF;
	p2 =	slt.u32 s8, $0xFFFFF086  }
0x1c: {  	p1 =	slt.u32 s9, $0xF7A;
	s5 =	simm.s32 @!p2 $0x0  }
0x1d: {  	s5 =	simm.s32 @p1 $0x1;
	p0 =	seq.s32 s7, s2  }
0x1e: {  	s7 =	smul.u32 @!p0 $0xF7A, s2;
	p2 =	seq.s32 @!p0 s5, $0x0  }
0x1f: {  	s9 =	smul.u32 $0xF7A, s1;
	s8 =	simm.s32 @!p0 $0x1BF5;
	p2 =	por !p2, p0  }
0x20: {  	[sflag:s8] =	ssyncset.s32 @!p0 $0xFFFFF086;
	s6 =	sadd.s32 @!p0 s3, s7;
	s7 =	simm.s32 @!p0 $0x108  }
0x21: {  	s3 =	sadd.s32 s3, s9;
	s6 =	sadd.s32 @!p0 $0x88, s6;
	s7 =	simm.s32 @p2 $0x1082  }
0x22: {  	[simem:s7], [sflag:s8] =	dma.local @!p0 [hbm:s6], $0xF7A  }
0x23: {  	s9 =	sor.u32 $0xD0000000, s2;
	s6 =	simm.s32 $0x108;
	_ =	swait.ge @!p0 [sflag:s8], $0x0  }
0x24: {  	s3 =	sadd.s32 $0x88, s3;
	s6 =	simm.s32 @!p1 $0x1082;
	[sflag:s4] =	ssyncset.s32 $0xFFFFF086  }
0x25: {  	[simem:s6], [sflag:s4] =	dma.local [hbm:s3], $0xF7A  }
0x26: {  	[smem:$0x3F97] =	sst s1;
	(tag) =	ssettag s2;
	_ =	strace s9  }
0x27: {  	s1 =	sld [smem:$0x3FA7]  }
0x28: {  	s2 =	sld [smem:$0x3FA8]  }
0x29: {  	s4 =	sld [smem:$0x3FAA]  }
0x2a: {  	p0 =	seq.s32 s5, $0x0;
	s5 =	sld [smem:$0x3FAB]  }
0x2b: {  	s6 =	sld [smem:$0x3FAC]  }
0x2c: {  	s7 =	sld [smem:$0x3FAD]  }
0x2d: {  	s3 =	simm.s32 $0x108;
	s8 =	sld [smem:$0x3FAE]  }
0x2e: {  	s3 =	simm.s32 @!p0 $0x1082;
	s9 =	sld [smem:$0x3FAF]  }
0x2f: {  	lr =	sadd.s32 s0, s3;
	s0 =	sld [smem:$0x3FA6]  }
0x30: {  	s3 =	sld [smem:$0x3FA9]  }
0x31: {  	[smem:$0x3FB2] =	sst s10  }
0x32: {  	s10 =	sld [smem:$0x3FB0];
	_ =	sdelay $0x3  }
0x33: {  	p0 =	seq.s32 s10, $0x1;
	s10 =	sld [smem:$0x3FB2];
	_ =	sdelay $0x3  }
0x34: {  	[smem:$0x3FB2] =	sst s10  }
0x35: {  	s10 =	sld [smem:$0x3FB1];
	_ =	sdelay $0x3  }
0x36: {  	p1 =	seq.s32 s10, $0x1;
	s10 =	sld [smem:$0x3FB2];
	_ =	sdelay $0x3  }
0x37: {  	[smem:$0x3FB2] =	sst s10  }
0x38: {  	s10 =	sld [smem:$0x3FB3]  }
0x39: {  	_ = 	snop;
	(pc) =	sbr.ind lr, $3  }
0x3a: {  	_ = 	snop  }
0x3b: {  	_ = 	snop  }
0x3c: {  	p2 =	seq.s32 s10, $0x1;
	s10 =	sld [smem:$0x3FB2]  }
0x3d: {  	_ =	shalt  }
0x3e: {  	_ =	shalt  }
0x3f: {  	_ =	shalt  }
0x40: {  	_ =	shalt  }
0x41: {  	_ =	shalt  }
0x42: {  	_ =	shalt  }
0x43: {  	_ =	shalt  }
0x44: {  	_ =	shalt  }
0x45: {  	_ =	shalt  }
0x46: {  	_ =	shalt  }
0x47: {  	_ =	shalt  }
0x48: {  	_ =	shalt  }
0x49: {  	_ =	shalt  }
0x4a: {  	_ =	shalt  }
0x4b: {  	_ =	shalt  }
0x4c: {  	_ =	shalt  }
0x4d: {  	_ =	shalt  }
0x4e: {  	_ =	shalt  }
0x4f: {  	_ =	shalt  }
0x50: {  	_ =	shalt  }
0x51: {  	_ =	shalt  }
0x52: {  	_ =	shalt  }
0x53: {  	_ =	shalt  }
0x54: {  	_ =	shalt  }
0x55: {  	_ =	shalt  }
0x56: {  	_ =	shalt  }
0x57: {  	_ =	shalt  }
0x58: {  	_ =	shalt  }
0x59: {  	_ =	shalt  }
0x5a: {  	_ =	shalt  }
0x5b: {  	_ =	shalt  }
0x5c: {  	_ =	shalt  }
0x5d: {  	_ =	shalt  }
0x5e: {  	_ =	shalt  }
0x5f: {  	_ =	shalt  }
0x60: {  	_ =	shalt  }
0x61: {  	_ =	shalt  }
0x62: {  	_ =	shalt  }
0x63: {  	_ =	shalt  }
0x64: {  	_ =	shalt  }
0x65: {  	_ =	shalt  }
0x66: {  	_ =	shalt  }
0x67: {  	_ =	shalt  }
0x68: {  	_ =	shalt  }
0x69: {  	_ =	shalt  }
0x6a: {  	_ =	shalt  }
0x6b: {  	_ =	shalt  }
0x6c: {  	_ =	shalt  }
0x6d: {  	_ =	shalt  }
0x6e: {  	_ =	shalt  }
0x6f: {  	_ =	shalt  }
0x70: {  	_ =	shalt  }
0x71: {  	_ =	shalt  }
0x72: {  	_ =	shalt  }
0x73: {  	_ =	shalt  }
0x74: {  	_ =	shalt  }
0x75: {  	_ =	shalt  }
0x76: {  	_ =	shalt  }
0x77: {  	_ =	shalt  }
0x78: {  	_ =	shalt  }
0x79: {  	_ =	shalt  }
0x7a: {  	_ =	shalt  }
0x7b: {  	_ =	shalt  }
0x7c: {  	_ =	shalt  }
0x7d: {  	_ =	shalt  }
0x7e: {  	_ =	shalt  }
0x7f: {  	_ =	shalt  }
0x80: {  	_ =	shalt  }
0x81: {  	_ =	shalt  }
0x82: {  	_ =	shalt  }
0x83: {  	_ =	shalt  }
0x84: {  	_ =	shalt  }
0x85: {  	_ =	shalt  }
0x86: {  	_ =	shalt  }
0x87: {  	_ =	shalt  }
.Lfunc_end0:
.L_simem_size_0:
called_computation.4_lowered:
.L_overlay_start_0:
0x88: {  	s2 =	sld [smem:$0x3FD9]  }
0x89: {  	s3 =	sld [smem:$0x3FFE];
	_ =	sdelay $0x1  }
0x8a: {  	s1 =	srdreg.scid  }
0x8b: {  	s0 =	sand.u32 $0x1, s1  }
0x8c: {  	s17 =	sshll.u32 s0, $0xA;
	s2 =	sadd.s32 s3, s2  }
0x8d: {  	s2 =	sadd.s32 s2, s17  }
0x8e: {  	[smem:$0x3FBE] =	sst s2  }
0x8f: {  	_ = 	snop  }
0x90: {  	s2 =	sld [smem:$0x3FC1];
	(tm) =	ssettm $0x1  }
0x91: {  	s18 =	sld [smem:$0x3FFB];
	_ =	sdelay $0x3  }
0x92: {  	_ =	strace s18  }
0x93: {  	s3 =	sld [smem:$0x3FFC];
	_ =	sdelay $0x3  }
0x94: {  	_ =	strace s3  }
0x95: {  	s3 =	sld [smem:$0x3FFD];
	_ =	sdelay $0x3  }
0x96: {  	_ =	strace s3  }
0x97: {  	_ =	strace $0x8FFFFFFF  }
0x98: {  	s19 =	sld [smem:$0x3FDB];
	_ =	sdelay $0x1  }
0x99: {  	s4 =	simm.s32 $_scs_section_size  }
0x9a: {  	s5 =	simm.s32 $_size__tile_overlayer_lowered;
	s6 =	simm.s32 $_tile_overlayer_lowered  }
0x9b: {  	s22 =	simm.s32 $0x1BFF;
	s21 =	sshll.u32 s6, $0x1;
	s3 =	sadd.s32 s4, s19  }
0x9c: {  	s7 =	simm.s32 $0x0;
	s20 =	sshll.u32 s5, $0x1;
	s5 =	sadd.s32 s21, s3  }
0x9d: {  	[timem:s7], [sflag:s22] =	dma.local [hbm:s5], s20  }
0x9e: {  	_ =	swait.ge [sflag:s22], s20  }
0x9f: {  	s4 =	ssub.s32 $0x0, s20;
	[sflag:s22] =	ssyncset.done $0x0  }
0xa0: {  	[sflag:s22] =	ssyncadd.s32 s4;
	_ =	sdelay $0x1  }
0xa1: {  	s23 =	simm.s32 $0x1B8B  }
0xa2: {  	_ =	swait.ge [sflag:s23], $0x1  }
0xa3: {  	[sflag:s23] =	ssyncset.done $0x0  }
0xa4: {  	s25 =	simm.s32 $0x1B8E;
	s24 =	sld [smem:$0x3FFE];
	[sflag:s23] =	ssyncadd.s32 $0xFFFFFFFF  }
0xa5: {  	s26 =	simm.s32 $execute0_lowered;
	[smem:$0x3FD2] =	sst s25  }
0xa6: {  	s5 =	sshll.u32 s26, $0x1;
	_ =	strace $0x80000046;
	[dreg:$0x1] =	wrdreg $0xFFFFFFFF  }
0xa7: {  	s28 =	simm.s32 $_size_execute0_lowered;
	s3 =	sadd.s32 s3, s5;
	[dreg:$0x0] =	wrdreg $0x0  }
0xa8: {  	s5 =	sshll.u32 s28, $0x1;
	[dreg:$0x2] =	wrdreg s3  }
0xa9: {  	[dreg:$0x3] =	wrdreg s5  }
0xaa: {  	[dreg:$0x4] =	wrdreg $0xC0  }
0xab: {  	_ =	task [dreg:s7], $0x5FFFF  }
0xac: {  	[dreg:$0x1] =	wrdreg $0xFFFFFFFF  }
0xad: {  	[dreg:$0x0] =	wrdreg $0x60  }
0xae: {  	[dreg:$0x2] =	wrdreg s2  }
0xaf: {  	[dreg:$0x3] =	wrdreg s24  }
0xb0: {  	[dreg:$0x4] =	wrdreg $0xD  }
0xb1: {  	_ =	task.clear_ibuf [dreg:s7], $0x5FFFF;
	_ =	strace $0x90000046  }
0xb2: {  	s29 =	simm.s32 $0xD;
	_ =	strace $0x8000004D  }
0xb3: {  	_ =	swait.ge [sflag:s29], $0x1  }
0xb4: {  	[sflag:s29] =	ssyncadd.s32 $0xFFFFFFFF  }
0xb5: {  	_ =	strace $0x9000004D  }
0xb6: {  	_ =	sfence  }
0xb7: {  	s30 =	sld [smem:$0x0];
	_ =	sdelay $0x2  }
0xb8: {  	s31 =	sshll.u32 s1, $0xD;
	s1 =	sshrl.u32 s1, $0x2  }
0xb9: {  	s3 =	sand.u32 $0x4000, s31;
	s1 =	sadd.s32 s1, s30  }
0xba: {  	s0 =	sor.u32 s3, s0;
	s1 =	sshll.u32 s1, $0x11  }
0xbb: {  	s0 =	sor.u32 s1, s0  }
0xbc: {  	s0 =	sadd.s32 $0x8F2B, s0  }
0xbd: {  	[sflag:s0] =	ssyncadd.remote.s32 $0x1  }
0xbe: {  	_ =	sfence.sel $0xFFFF  }
0xbf: {  	[dreg:$0x0] =	wrdreg $0xFFFFFFFF;
	(pc) =	sbr.abs _section_cstart, $3  }
0xc0: {  	[dreg:$0x1] =	wrdreg $0xFFFFFFFF  }
0xc1: {  	_ =	task.clear_ibuf [dreg:s7], $0x2FFFF;
	_ =	strace $0x9FFFFFFF  }
0xc2: {  	(tm) =	ssettm $0x7FFFFFFF  }
0xc3: {  	_ =	shalt  }
tec
execute0_lowered:
.L_overlay_start_1:
0x0: {  	(tag) =	ssettag $0x1  }
0x1: {  	s2 =	rddreg [dreg:$0x0];
	s3 =	srdreg.scid  }
0x2: {  	s9 =	rddreg [dreg:$0x1];
	s1 =	stileid.u32;
	s10 =	sand.u32 $0x1, s3  }
0x3: {  	s3 =	simm.s32 $0x0;
	s5 =	sshll.u32 s1, $0x8;
	s4 =	sshll.u32 s10, $0xC  }
0x4: {  	[smem:$0x7FF] =	sst s3;
	s11 =	sor.u32 s5, s4  }
0x5: {  	s0 =	rddreg [dreg:$0x2];
	_ =	strace $0x80000047;
	s4 =	sshrl.u32 s11, $0x3  }
0x6: {  	_ =	strace $0x80000048;
	s4 =	sadd.s32 s9, s4  }
0x7: {  	[tilespmem:s3], [sflag:$0x1] =	stream.linear.gather [hbm4b:s4+s3], $0x100, $0x200038;
	[tilespmem:$0x10200] =	vst v63  }
0x8: {  	_ =	strace $0x90000048  }
0x9: {  	s5 =	simm.s32 $0x1;
	_ =	strace $0x80000049  }
0xa: {  	_ =	swait.ge [sflag:s5], $0x100  }
0xb: {  	[sflag:s5] =	ssyncset.done $0x0  }
0xc: {  	[sflag:s5] =	ssyncadd.s32 $0xFFFFFF00  }
0xd: {  	s6 =	simm.s32 $0x100;
	_ =	strace $0x90000049  }
0xe: {  	s7 =	simm.s32 $0x200;
	s8 =	simm.s32 $0x5;
	_ =	strace $0x8000004A  }
0xf: {  	[tilespmem:s7], [sflag:$0x5] =	stream.indirect.gather [hbm4b:s2+s6], $0x80, s3, s6, $0x2000b8;
	[tilespmem:$0x10200] =	vst v63  }
0x10: {  	s10 =	ssub.s32 $0x2, s10;
	_ =	swait.ge [sflag:s8], $0x8000  }
0x11: {  	s31 =	sshrl.u32 s10, $0x1;
	s11 =	sshll.u32 s11, $0x4;
	[sflag:s8] =	ssyncset.done $0x0  }
0x12: {  	s9 =	sadd.s32 s11, s9;
	s11 =	ssub.s32 s10, s31;
	[sflag:s8] =	ssyncadd.s32 $0xFFFF8000  }
0x13: {  	s11 =	smax.u32 s11, $0x1;
	_ =	strace $0x9000004A  }
0x14: {  	s9 =	sadd.s32 $0x400, s9;
	p0 =	sne.s32 s11, $0x1;
	_ =	strace $0x8000004B  }
0x15: {  	[hbm4b:s9+s3] =	stream.linear.scatter [tilespmem:s7], [sflag:$0x3], $0x8000, $0x200038;
	[tilespmem:$0x10200] =	vst v63  }
.Ltmp0:
0x16: {  	_ =	strace $0x9000004B;
	(pc) =	sbr.rel @!p0 .LBB2_2-.Ltmp0, $4  }
0x17: {  	s10 =	simm.s32 $0x3;
	_ =	strace $0x8000004C  }
0x18: {  	_ =	swait.ge [sflag:s10], $0x8000  }
0x19: {  	[sflag:s10] =	ssyncset.done $0x0  }
0x1a: {  	s11 =	sadd.s32 $0xFFFFFFFF, s11;
	[sflag:s10] =	ssyncadd.s32 $0xFFFF8000  }
.LBB2_1:
0x1b: {  	p0 =	sne.s32 s11, $0x1;
	s11 =	sadd.s32 $0xFFFFFFFF, s11;
	_ =	strace $0x9000004C  }
0x1c: {  	_ =	strace $0x80000048  }
0x1d: {  	[tilespmem:s3], [sflag:$0x1] =	stream.linear.gather [hbm4b:s4+s3], $0x100, $0x200038;
	[tilespmem:$0x10200] =	vst v63  }
0x1e: {  	_ =	strace $0x90000048  }
0x1f: {  	_ =	strace $0x80000049  }
0x20: {  	_ =	swait.ge [sflag:s5], $0x100  }
0x21: {  	[sflag:s5] =	ssyncset.done $0x0  }
0x22: {  	[sflag:s5] =	ssyncadd.s32 $0xFFFFFF00  }
0x23: {  	_ =	strace $0x90000049  }
0x24: {  	_ =	strace $0x8000004A  }
0x25: {  	[tilespmem:s7], [sflag:$0x5] =	stream.indirect.gather [hbm4b:s2+s6], $0x80, s3, s6, $0x2000b8;
	[tilespmem:$0x10200] =	vst v63  }
0x26: {  	_ =	swait.ge [sflag:s8], $0x8000  }
0x27: {  	[sflag:s8] =	ssyncset.done $0x0  }
0x28: {  	[sflag:s8] =	ssyncadd.s32 $0xFFFF8000  }
0x29: {  	_ =	strace $0x9000004A  }
0x2a: {  	_ =	strace $0x8000004B  }
0x2b: {  	[hbm4b:s9+s3] =	stream.linear.scatter [tilespmem:s7], [sflag:$0x3], $0x8000, $0x200038;
	[tilespmem:$0x10200] =	vst v63  }
.Ltmp1:
0x2c: {  	_ =	strace $0x9000004B;
	(pc) =	sbr.rel @p0 .LBB2_1-.Ltmp1, $4  }
0x2d: {  	_ =	strace $0x8000004C  }
0x2e: {  	_ =	swait.ge [sflag:s10], $0x8000  }
0x2f: {  	[sflag:s10] =	ssyncset.done $0x0  }
0x30: {  	[sflag:s10] =	ssyncadd.s32 $0xFFFF8000  }
.LBB2_2:
0x31: {  	_ =	strace $0x9000004C  }
0x32: {  	_ =	sfence.sel $0x180000  }
0x33: {  	[bflag:$0x0] =	sbarrier.arrive $0xFFFF  }
0x34: {  	p0 =	sne.s32 s1, $0x0;
	_ =	strace $0x90000047  }
0x35: {  	s0 =	sadd.s32 @!p0 $0x100000, s0;
	[bflag:$0x2] =	sbarrier.arrive $0xFFFF  }
0x36: {  	[sflag:s0] =	ssyncadd.tile.s32 @!p0 $0x1;
	_ =	shalt  }
.Lfunc_end2:
_tile_overlayer_lowered:
.L_overlay_start_2:
0x37: {  	(tag) =	ssettag $0x2  }
0x38: {  	s0 =	rddreg [dreg:$0x0];
	s2 =	stileid.u32  }
0x39: {  	s1 =	rddreg [dreg:$0x1];
	p0 =	sne.s32 s2, $0x0  }
0x3a: {  	s3 =	rddreg [dreg:$0x2];
	[bflag:$0x3] =	sbarrier.arrive $0xFFFF;
	s2 =	simm.s32 @!p0 $0x1C01  }
0x3b: {  	[timem:s3], [sflag:s2] =	dma.local @!p0 [hbm:s0], s1  }
0x3c: {  	s0 =	simm.s32 @!p0 $0x1  }
0x3d: {  	_ =	swait.ge @!p0 [sflag:s0], s1  }
0x3e: {  	s1 =	ssub.s32 @!p0 $0x0, s1;
	[sflag:s0] =	ssyncset.done @!p0 $0x0  }
0x3f: {  	[sflag:s0] =	ssyncadd.s32 @!p0 s1  }
0x40: {  	[bflag:$0x3] =	sbarrier.arrive $0xFFFF  }
0x41: {  	_ =	shalt  }

</sc_bundles>
